<compile_context>
chip_gen: v7x
topology: tpu7x:2x2x1
jax: 0.10.2.dev20260603
libtpu: 0.0.44.dev20260713+nightly
codegen_flags: <defaults>
</compile_context>

<pallas_src>
import functools

import jax
import jax.numpy as jnp
from jax import lax
from jax.experimental import pallas as pl
from jax.experimental.pallas import tpu as pltpu
from jax.experimental.pallas import tpu_sc as plsc

NC = 2
NS = 16
B = 128
CW = 16
NBUF = 3


def _round_up(a, m):
    return (a + m - 1) // m * m



def _dotT(a, w):
    return lax.dot_general(a, w, (((1,), (1,)), ((), ())),
                           preferred_element_type=jnp.float32)


def _split_cols(y):
    dh = y.shape[1] // 2
    return jnp.stack([y[:, :dh], y[:, dh:]], axis=0)


def _tc_in_proj(x, Wl, Wr):
    n, _ = x.shape
    do = Wl.shape[0]
    def body(x_ref, wl_ref, wr_ref, y_ref, z_ref):
        xx = x_ref[...]
        y_ref[...] = _split_cols(_dotT(xx, wl_ref[...]))
        z_ref[...] = _dotT(xx, wr_ref[...])
    return pl.pallas_call(
        body,
        out_shape=[jax.ShapeDtypeStruct((2, n, do // 2), jnp.float32),
                   jax.ShapeDtypeStruct((n, Wr.shape[0]), jnp.float32)],
    )(x, Wl, Wr)


def _tc_mid(psum, cnt, z1, bl1, Wl2, Wr2, n):
    do = Wl2.shape[0]
    def body(p_ref, c_ref, z_ref, b_ref, wl_ref, wr_ref, y2_ref, z2_ref):
        p = p_ref[...]
        s = jnp.concatenate([p[0, :n, :], p[1, :n, :]], axis=1)
        cn = c_ref[...]
        cc = jnp.maximum(cn[0, :n] + cn[1, :n], 1.0)
        h = jnp.maximum(s / cc[:, None] + b_ref[...] + z_ref[...], 0.0)
        y2_ref[...] = _split_cols(_dotT(h, wl_ref[...]))
        z2_ref[...] = _dotT(h, wr_ref[...])
    return pl.pallas_call(
        body,
        out_shape=[jax.ShapeDtypeStruct((2, n, do // 2), jnp.float32),
                   jax.ShapeDtypeStruct((n, Wr2.shape[0]), jnp.float32)],
    )(psum, cnt, z1, bl1, Wl2, Wr2)


def _tc_final(psum, cnt, z2, bl2, n):
    d = z2.shape[1]
    def body(p_ref, c_ref, z_ref, b_ref, o_ref):
        p = p_ref[...]
        s = jnp.concatenate([p[0, :n, :], p[1, :n, :]], axis=1)
        cn = c_ref[...]
        cc = jnp.maximum(cn[0, :n] + cn[1, :n], 1.0)
        o_ref[...] = s / cc[:, None] + b_ref[...] + z_ref[...]
    return pl.pallas_call(
        body,
        out_shape=jax.ShapeDtypeStruct((n, d), jnp.float32),
    )(psum, cnt, z2, bl2)



@functools.lru_cache(maxsize=None)
def _make_sc_segsum(n, dh, npad, rpt, cpw, with_cnt):
    mesh = plsc.VectorSubcoreMesh(core_axis_name="c", subcore_axis_name="s")
    out_type = [jax.ShapeDtypeStruct((NC, npad, dh), jnp.float32)]
    scratch = (
        [pltpu.VMEM((B, dh), jnp.float32) for _ in range(NBUF)]
        + [pltpu.VMEM((2, B), jnp.int32) for _ in range(NBUF)]
        + [pltpu.SemaphoreType.DMA for _ in range(2 * NBUF)]
    )
    if with_cnt:
        out_type.append(jax.ShapeDtypeStruct((NC, npad, CW), jnp.float32))
        scratch += [
            pltpu.VMEM((B, CW), jnp.float32),
            pltpu.VMEM((B, CW), jnp.float32),
            pltpu.VMEM_SHARED((npad, CW), jnp.float32),
        ]
    scratch.append(pltpu.VMEM_SHARED((npad, dh), jnp.float32))
    scratch.append(pltpu.VMEM_SHARED((n, dh), jnp.float32))

    half = cpw // 2

    def body(y_hbm, idx_hbm, zr_hbm, ones_hbm, zc_hbm, *rest):
        if with_cnt:
            psum_hbm, cnt_hbm = rest[0], rest[1]
            rest = rest[2:]
        else:
            psum_hbm = rest[0]
            rest = rest[1:]
        bufs = rest[0:NBUF]
        ibs = rest[NBUF:2 * NBUF]
        gsems = rest[2 * NBUF:3 * NBUF]
        isems = rest[3 * NBUF:4 * NBUF]
        rest = rest[4 * NBUF:]
        if with_cnt:
            onesb, zcb, cacc = rest[0], rest[1], rest[2]
            rest = rest[3:]
        acc = rest[0]
        yspm = rest[1]

        c = lax.axis_index("c")
        s = lax.axis_index("s")
        r0 = s * rpt

        wrows = n // NS
        t0 = s * wrows
        pltpu.sync_copy(y_hbm.at[c, pl.ds(t0, wrows)],
                        yspm.at[pl.ds(t0, wrows)])
        pltpu.sync_copy(zr_hbm, bufs[0])
        for q in range(rpt // B):
            pltpu.sync_copy(bufs[0], acc.at[pl.ds(r0 + q * B, B)])
        if with_cnt:
            pltpu.sync_copy(ones_hbm, onesb)
            pltpu.sync_copy(zc_hbm, zcb)
            for q in range(rpt // B):
                pltpu.sync_copy(zcb, cacc.at[pl.ds(r0 + q * B, B)])
        plsc.subcore_barrier()

        def start_idx(k, j):
            pltpu.async_copy(idx_hbm.at[s, k], ibs[j], isems[j])

        def wait_idx(j):
            pltpu.make_async_copy(idx_hbm.at[s, 0], ibs[j], isems[j]).wait()

        def start_gather(k, j):
            pltpu.async_copy(yspm.at[ibs[j].at[0]], bufs[j], gsems[j])

        def wait_gather(j):
            pltpu.make_async_copy(zr_hbm, bufs[j], gsems[j]).wait()

        def scatter(k, j):
            pltpu.sync_copy(bufs[j], acc.at[ibs[j].at[1]], add=True)
            if with_cnt:
                do_cnt = ((c == 0) & (k < half)) | ((c != 0) & (k >= half))
                @pl.when(do_cnt)
                def _():
                    pltpu.sync_copy(onesb, cacc.at[ibs[j].at[1]], add=True)

        for j in range(NBUF):
            start_idx(j, j)
        for j in range(2):
            wait_idx(j)
            start_gather(j, j)

        @pl.loop(0, (cpw - NBUF) // NBUF)
        def _(gi):
            for j in range(NBUF):
                k = NBUF * gi + j
                wait_gather(j)
                scatter(k, j)
                start_idx(k + NBUF, j)
                wait_idx((j + 2) % NBUF)
                start_gather(k + 2, (j + 2) % NBUF)

        for j in range(NBUF):
            k = cpw - NBUF + j
            wait_gather(j)
            if j < 1:
                wait_idx((j + 2) % NBUF)
                start_gather(k + 2, (j + 2) % NBUF)
            scatter(k, j)

        plsc.subcore_barrier()

        for q in range(rpt // B):
            r = r0 + q * B
            pltpu.sync_copy(acc.at[pl.ds(r, B)], bufs[0])
            pltpu.sync_copy(bufs[0], psum_hbm.at[c, pl.ds(r, B)])
        if with_cnt:
            for q in range(rpt // B):
                r = r0 + q * B
                pltpu.sync_copy(cacc.at[pl.ds(r, B)], zcb)
                pltpu.sync_copy(zcb, cnt_hbm.at[c, pl.ds(r, B)])

    return pl.kernel(body, out_type=out_type, mesh=mesh,
                     scratch_types=scratch,
                     compiler_params=pltpu.CompilerParams(
                         use_tc_tiling_on_sc=False))



def kernel(x, edge_index, Wl1, bl1, Wr1, Wl2, bl2, Wr2):
    n, d = x.shape
    e = edge_index.shape[1]
    dh = d // 2

    cpw = _round_up(-(-e // (NS * B)), 2 * NBUF)
    e_pad = NS * cpw * B
    rpt = _round_up(-(-(n + 1) // NS), B)
    npad = NS * rpt

    pad = e_pad - e
    src_p = jnp.concatenate([edge_index[0], jnp.zeros((pad,), jnp.int32)]
                            ).reshape(NS, cpw, B)
    dst_p = jnp.concatenate([edge_index[1], jnp.full((pad,), n, jnp.int32)]
                            ).reshape(NS, cpw, B)
    idx = jnp.stack([src_p, dst_p], axis=2)
    zr = jnp.zeros((B, dh), jnp.float32)
    onesc = jnp.ones((B, CW), jnp.float32)
    zc = jnp.zeros((B, CW), jnp.float32)

    bl1r = bl1.reshape(1, -1)
    bl2r = bl2.reshape(1, -1)

    y1, z1 = _tc_in_proj(x, Wl1, Wr1)
    psum1, cnt = _make_sc_segsum(n, dh, npad, rpt, cpw, True)(
        y1, idx, zr, onesc, zc)
    cnt2 = cnt[:, :, 0]
    y2, z2 = _tc_mid(psum1, cnt2, z1, bl1r, Wl2, Wr2, n)
    dh2 = Wl2.shape[0] // 2
    (psum2,) = _make_sc_segsum(n, dh2, npad, rpt, cpw, False)(
        y2, idx, zr, onesc, zc)
    return _tc_final(psum2, cnt2, z2, bl2r, n)

# --- scband reference (transcript-rebuilt; emitter-appended) ---
"""Pipeline reference for scband-shared-graph-encoder-68169720922652 (READ-ONLY COPY).

The authoritative reference and input builder live on the scoring server;
editing this copy changes nothing except your own understanding.
"""

import jax, jax.numpy as jnp
import numpy as np

N = 10000
E = 320000
D = 128
U = 128


def setup_inputs(seed: int = 0) -> dict:
    key = jax.random.key(seed)
    ks = jax.random.split(key, 10)
    x = jax.random.normal(ks[0], (N, D), dtype=jnp.float32)
    edge_index = jax.random.randint(ks[1], (2, E), 0, N, dtype=jnp.int32)
    s1 = 1.0 / np.sqrt(D)
    s2 = 1.0 / np.sqrt(D)
    # conv1: SAGEConv(D -> D); lin_l (on aggregated neighbors, with bias), lin_r (on root, no bias)
    Wl1 = jax.random.uniform(ks[2], (D, D), dtype=jnp.float32, minval=-s1, maxval=s1)
    bl1 = jax.random.uniform(ks[3], (D,), dtype=jnp.float32, minval=-s1, maxval=s1)
    Wr1 = jax.random.uniform(ks[4], (D, D), dtype=jnp.float32, minval=-s1, maxval=s1)
    # conv2: SAGEConv(D -> U)
    Wl2 = jax.random.uniform(ks[5], (U, D), dtype=jnp.float32, minval=-s2, maxval=s2)
    bl2 = jax.random.uniform(ks[6], (U,), dtype=jnp.float32, minval=-s2, maxval=s2)
    Wr2 = jax.random.uniform(ks[7], (U, D), dtype=jnp.float32, minval=-s2, maxval=s2)
    return {"x": x, "edge_index": edge_index, "Wl1": Wl1, "bl1": bl1, "Wr1": Wr1, "Wl2": Wl2, "bl2": bl2, "Wr2": Wr2}


def _sage_conv(x, edge_index, Wl, bl, Wr):
    # PyG SAGEConv (mean aggregation): out = lin_l(mean_{j in N(i)} x_j) + lin_r(x_i)
    src = edge_index[0]
    dst = edge_index[1]
    msg = jnp.take(x, src, axis=0)                                   # gather source node feats
    agg = jax.ops.segment_sum(msg, dst, num_segments=N)              # scatter-add to dst
    ones = jnp.ones((msg.shape[0],), dtype=x.dtype)
    cnt = jax.ops.segment_sum(ones, dst, num_segments=N)
    mean = agg / jnp.clip(cnt, 1.0)[:, None]
    return mean @ Wl.T + bl + x @ Wr.T


def reference(x, edge_index, Wl1, bl1, Wr1, Wl2, bl2, Wr2):
    h = jax.nn.relu(_sage_conv(x, edge_index, Wl1, bl1, Wr1))
    out = _sage_conv(h, edge_index, Wl2, bl2, Wr2)
    return out

if __name__ == "__main__":
    import jax
    _d = setup_inputs()
    print(jax.jit(kernel)(*tuple(_d.values())))

</pallas_src>

<mosaic_0001>
#map = affine_map<(d0, d1) -> (0, 0, 0)>
#map1 = affine_map<(d0, d1) -> (0, 0, 0, 0)>
#map2 = affine_map<(d0, d1) -> (0, 0)>
module attributes {stable_mosaic.version = 14 : i64} {
  func.func @body(%arg0: i32, %arg1: i32, %arg2: memref<2x10000x64xf32, #tpu.memory_space<hbm>>, %arg3: memref<16x162x2x128xi32, #tpu.memory_space<hbm>>, %arg4: memref<128x64xf32, #tpu.memory_space<hbm>>, %arg5: memref<128x16xf32, #tpu.memory_space<hbm>>, %arg6: memref<128x16xf32, #tpu.memory_space<hbm>>, %arg7: memref<2x10240x64xf32, #tpu.memory_space<hbm>>, %arg8: memref<2x10240x16xf32, #tpu.memory_space<hbm>>, %arg9: memref<128x64xf32, #tpu.memory_space<vmem>>, %arg10: memref<128x64xf32, #tpu.memory_space<vmem>>, %arg11: memref<128x64xf32, #tpu.memory_space<vmem>>, %arg12: memref<2x128xi32, #tpu.memory_space<vmem>>, %arg13: memref<2x128xi32, #tpu.memory_space<vmem>>, %arg14: memref<2x128xi32, #tpu.memory_space<vmem>>, %arg15: memref<!tpu.dma_semaphore, #tpu.memory_space<semaphore_mem>>, %arg16: memref<!tpu.dma_semaphore, #tpu.memory_space<semaphore_mem>>, %arg17: memref<!tpu.dma_semaphore, #tpu.memory_space<semaphore_mem>>, %arg18: memref<!tpu.dma_semaphore, #tpu.memory_space<semaphore_mem>>, %arg19: memref<!tpu.dma_semaphore, #tpu.memory_space<semaphore_mem>>, %arg20: memref<!tpu.dma_semaphore, #tpu.memory_space<semaphore_mem>>, %arg21: memref<128x16xf32, #tpu.memory_space<vmem>>, %arg22: memref<128x16xf32, #tpu.memory_space<vmem>>, %arg23: memref<10240x16xf32, #tpu.memory_space<vmem_shared>>, %arg24: memref<10240x64xf32, #tpu.memory_space<vmem_shared>>, %arg25: memref<10000x64xf32, #tpu.memory_space<vmem_shared>>) attributes {dimension_semantics = [#tpu.dimension_semantics<core_parallel>, #tpu.dimension_semantics<subcore_parallel>], iteration_bounds = array<i64: 2, 16>, scalar_prefetch = 0 : i64, scratch_operands = 17 : i64, tpu.core_type = #tpu.core_type<sc_vector_subcore>, window_params = [{transform_indices = #map}, {transform_indices = #map1}, {transform_indices = #map2}, {transform_indices = #map2}, {transform_indices = #map2}, {transform_indices = #map}, {transform_indices = #map}]} {
    %mul3A = arith.constant 640 : i32
    %mul3A_0 = arith.muli %arg1, %mul3A : i32
    %mul3A_1 = arith.constant 625 : i32
    %mul3A_2 = arith.muli %arg1, %mul3A_1 : i32
    "tpu.region"() ({
      %run_scoped3A_152 = tpu.sem_alloc : memref<!tpu.dma_semaphore, #tpu.memory_space<semaphore_mem>>
      %dma_start3A_153 = arith.constant 0 : i32
      %dma_start3A_154 = tpu.memref_slice %arg25[%mul3A_2, %dma_start3A_153] : memref<10000x64xf32, #tpu.memory_space<vmem_shared>> -> memref<625x64xf32, #tpu.memory_space<vmem_shared>>
      %dma_start3A_155 = arith.constant 0 : i32
      %dma_start3A_156 = tpu.memref_slice %arg2[%arg0, %mul3A_2, %dma_start3A_155] : memref<2x10000x64xf32, #tpu.memory_space<hbm>> -> memref<1x625x64xf32, #tpu.memory_space<hbm>>
      %dma_start3A_157 = tpu.memref_squeeze %dma_start3A_156 : memref<1x625x64xf32, #tpu.memory_space<hbm>> -> memref<625x64xf32, #tpu.memory_space<hbm>>
      tpu.enqueue_dma source(%dma_start3A_157 : memref<625x64xf32, #tpu.memory_space<hbm>>) target(%dma_start3A_154 : memref<625x64xf32, #tpu.memory_space<vmem_shared>>) target_semaphore(%run_scoped3A_152 : memref<!tpu.dma_semaphore, #tpu.memory_space<semaphore_mem>>)
      %dma_wait3A_158 = arith.constant 0 : i32
      %dma_wait3A_159 = tpu.memref_slice %arg25[%mul3A_2, %dma_wait3A_158] : memref<10000x64xf32, #tpu.memory_space<vmem_shared>> -> memref<625x64xf32, #tpu.memory_space<vmem_shared>>
      %dma_wait3A_160 = arith.constant 0 : i32
      %dma_wait3A_161 = tpu.memref_slice %arg2[%arg0, %mul3A_2, %dma_wait3A_160] : memref<2x10000x64xf32, #tpu.memory_space<hbm>> -> memref<1x625x64xf32, #tpu.memory_space<hbm>>
      %dma_wait3A_162 = tpu.memref_squeeze %dma_wait3A_161 : memref<1x625x64xf32, #tpu.memory_space<hbm>> -> memref<625x64xf32, #tpu.memory_space<hbm>>
      tpu.wait_dma2 semaphore(%run_scoped3A_152 : memref<!tpu.dma_semaphore, #tpu.memory_space<semaphore_mem>>) src(%dma_wait3A_162 : memref<625x64xf32, #tpu.memory_space<hbm>>) dst(%dma_wait3A_159 : memref<625x64xf32, #tpu.memory_space<vmem_shared>>)
      tpu.yield
    }) : () -> ()
    "tpu.region"() ({
      %run_scoped3A_152 = tpu.sem_alloc : memref<!tpu.dma_semaphore, #tpu.memory_space<semaphore_mem>>
      tpu.enqueue_dma source(%arg4 : memref<128x64xf32, #tpu.memory_space<hbm>>) target(%arg9 : memref<128x64xf32, #tpu.memory_space<vmem>>) target_semaphore(%run_scoped3A_152 : memref<!tpu.dma_semaphore, #tpu.memory_space<semaphore_mem>>)
      tpu.wait_dma2 semaphore(%run_scoped3A_152 : memref<!tpu.dma_semaphore, #tpu.memory_space<semaphore_mem>>) src(%arg4 : memref<128x64xf32, #tpu.memory_space<hbm>>) dst(%arg9 : memref<128x64xf32, #tpu.memory_space<vmem>>)
      tpu.yield
    }) : () -> ()
    %add3A = arith.constant 0 : i32
    %add3A_3 = arith.addi %mul3A_0, %add3A : i32
    "tpu.region"() ({
      %run_scoped3A_152 = tpu.sem_alloc : memref<!tpu.dma_semaphore, #tpu.memory_space<semaphore_mem>>
      %dma_start3A_153 = arith.constant 0 : i32
      %dma_start3A_154 = tpu.memref_slice %arg24[%add3A_3, %dma_start3A_153] : memref<10240x64xf32, #tpu.memory_space<vmem_shared>> -> memref<128x64xf32, #tpu.memory_space<vmem_shared>>
      %dma_start3A_155 = arith.constant 0 : i32
      %dma_start3A_156 = tpu.memref_slice %arg24[%add3A_3, %dma_start3A_155] : memref<10240x64xf32, #tpu.memory_space<vmem_shared>> -> memref<128x64xf32, #tpu.memory_space<vmem_shared>>
      tpu.enqueue_dma source(%arg9 : memref<128x64xf32, #tpu.memory_space<vmem>>) target(%dma_start3A_156 : memref<128x64xf32, #tpu.memory_space<vmem_shared>>) target_semaphore(%run_scoped3A_152 : memref<!tpu.dma_semaphore, #tpu.memory_space<semaphore_mem>>)
      %dma_wait3A_157 = arith.constant 0 : i32
      %dma_wait3A_158 = tpu.memref_slice %arg24[%add3A_3, %dma_wait3A_157] : memref<10240x64xf32, #tpu.memory_space<vmem_shared>> -> memref<128x64xf32, #tpu.memory_space<vmem_shared>>
      %dma_wait3A_159 = arith.constant 0 : i32
      %dma_wait3A_160 = tpu.memref_slice %arg24[%add3A_3, %dma_wait3A_159] : memref<10240x64xf32, #tpu.memory_space<vmem_shared>> -> memref<128x64xf32, #tpu.memory_space<vmem_shared>>
      tpu.wait_dma2 semaphore(%run_scoped3A_152 : memref<!tpu.dma_semaphore, #tpu.memory_space<semaphore_mem>>) src(%arg9 : memref<128x64xf32, #tpu.memory_space<vmem>>) dst(%dma_wait3A_160 : memref<128x64xf32, #tpu.memory_space<vmem_shared>>)
      tpu.yield
    }) : () -> ()
    %add3A_4 = arith.constant 128 : i32
    %add3A_5 = arith.addi %mul3A_0, %add3A_4 : i32
    "tpu.region"() ({
      %run_scoped3A_152 = tpu.sem_alloc : memref<!tpu.dma_semaphore, #tpu.memory_space<semaphore_mem>>
      %dma_start3A_153 = arith.constant 0 : i32
      %dma_start3A_154 = tpu.memref_slice %arg24[%add3A_5, %dma_start3A_153] : memref<10240x64xf32, #tpu.memory_space<vmem_shared>> -> memref<128x64xf32, #tpu.memory_space<vmem_shared>>
      %dma_start3A_155 = arith.constant 0 : i32
      %dma_start3A_156 = tpu.memref_slice %arg24[%add3A_5, %dma_start3A_155] : memref<10240x64xf32, #tpu.memory_space<vmem_shared>> -> memref<128x64xf32, #tpu.memory_space<vmem_shared>>
      tpu.enqueue_dma source(%arg9 : memref<128x64xf32, #tpu.memory_space<vmem>>) target(%dma_start3A_156 : memref<128x64xf32, #tpu.memory_space<vmem_shared>>) target_semaphore(%run_scoped3A_152 : memref<!tpu.dma_semaphore, #tpu.memory_space<semaphore_mem>>)
      %dma_wait3A_157 = arith.constant 0 : i32
      %dma_wait3A_158 = tpu.memref_slice %arg24[%add3A_5, %dma_wait3A_157] : memref<10240x64xf32, #tpu.memory_space<vmem_shared>> -> memref<128x64xf32, #tpu.memory_space<vmem_shared>>
      %dma_wait3A_159 = arith.constant 0 : i32
      %dma_wait3A_160 = tpu.memref_slice %arg24[%add3A_5, %dma_wait3A_159] : memref<10240x64xf32, #tpu.memory_space<vmem_shared>> -> memref<128x64xf32, #tpu.memory_space<vmem_shared>>
      tpu.wait_dma2 semaphore(%run_scoped3A_152 : memref<!tpu.dma_semaphore, #tpu.memory_space<semaphore_mem>>) src(%arg9 : memref<128x64xf32, #tpu.memory_space<vmem>>) dst(%dma_wait3A_160 : memref<128x64xf32, #tpu.memory_space<vmem_shared>>)
      tpu.yield
    }) : () -> ()
    %add3A_6 = arith.constant 256 : i32
    %add3A_7 = arith.addi %mul3A_0, %add3A_6 : i32
    "tpu.region"() ({
      %run_scoped3A_152 = tpu.sem_alloc : memref<!tpu.dma_semaphore, #tpu.memory_space<semaphore_mem>>
      %dma_start3A_153 = arith.constant 0 : i32
      %dma_start3A_154 = tpu.memref_slice %arg24[%add3A_7, %dma_start3A_153] : memref<10240x64xf32, #tpu.memory_space<vmem_shared>> -> memref<128x64xf32, #tpu.memory_space<vmem_shared>>
      %dma_start3A_155 = arith.constant 0 : i32
      %dma_start3A_156 = tpu.memref_slice %arg24[%add3A_7, %dma_start3A_155] : memref<10240x64xf32, #tpu.memory_space<vmem_shared>> -> memref<128x64xf32, #tpu.memory_space<vmem_shared>>
      tpu.enqueue_dma source(%arg9 : memref<128x64xf32, #tpu.memory_space<vmem>>) target(%dma_start3A_156 : memref<128x64xf32, #tpu.memory_space<vmem_shared>>) target_semaphore(%run_scoped3A_152 : memref<!tpu.dma_semaphore, #tpu.memory_space<semaphore_mem>>)
      %dma_wait3A_157 = arith.constant 0 : i32
      %dma_wait3A_158 = tpu.memref_slice %arg24[%add3A_7, %dma_wait3A_157] : memref<10240x64xf32, #tpu.memory_space<vmem_shared>> -> memref<128x64xf32, #tpu.memory_space<vmem_shared>>
      %dma_wait3A_159 = arith.constant 0 : i32
      %dma_wait3A_160 = tpu.memref_slice %arg24[%add3A_7, %dma_wait3A_159] : memref<10240x64xf32, #tpu.memory_space<vmem_shared>> -> memref<128x64xf32, #tpu.memory_space<vmem_shared>>
      tpu.wait_dma2 semaphore(%run_scoped3A_152 : memref<!tpu.dma_semaphore, #tpu.memory_space<semaphore_mem>>) src(%arg9 : memref<128x64xf32, #tpu.memory_space<vmem>>) dst(%dma_wait3A_160 : memref<128x64xf32, #tpu.memory_space<vmem_shared>>)
      tpu.yield
    }) : () -> ()
    %add3A_8 = arith.constant 384 : i32
    %add3A_9 = arith.addi %mul3A_0, %add3A_8 : i32
    "tpu.region"() ({
      %run_scoped3A_152 = tpu.sem_alloc : memref<!tpu.dma_semaphore, #tpu.memory_space<semaphore_mem>>
      %dma_start3A_153 = arith.constant 0 : i32
      %dma_start3A_154 = tpu.memref_slice %arg24[%add3A_9, %dma_start3A_153] : memref<10240x64xf32, #tpu.memory_space<vmem_shared>> -> memref<128x64xf32, #tpu.memory_space<vmem_shared>>
      %dma_start3A_155 = arith.constant 0 : i32
      %dma_start3A_156 = tpu.memref_slice %arg24[%add3A_9, %dma_start3A_155] : memref<10240x64xf32, #tpu.memory_space<vmem_shared>> -> memref<128x64xf32, #tpu.memory_space<vmem_shared>>
      tpu.enqueue_dma source(%arg9 : memref<128x64xf32, #tpu.memory_space<vmem>>) target(%dma_start3A_156 : memref<128x64xf32, #tpu.memory_space<vmem_shared>>) target_semaphore(%run_scoped3A_152 : memref<!tpu.dma_semaphore, #tpu.memory_space<semaphore_mem>>)
      %dma_wait3A_157 = arith.constant 0 : i32
      %dma_wait3A_158 = tpu.memref_slice %arg24[%add3A_9, %dma_wait3A_157] : memref<10240x64xf32, #tpu.memory_space<vmem_shared>> -> memref<128x64xf32, #tpu.memory_space<vmem_shared>>
      %dma_wait3A_159 = arith.constant 0 : i32
      %dma_wait3A_160 = tpu.memref_slice %arg24[%add3A_9, %dma_wait3A_159] : memref<10240x64xf32, #tpu.memory_space<vmem_shared>> -> memref<128x64xf32, #tpu.memory_space<vmem_shared>>
      tpu.wait_dma2 semaphore(%run_scoped3A_152 : memref<!tpu.dma_semaphore, #tpu.memory_space<semaphore_mem>>) src(%arg9 : memref<128x64xf32, #tpu.memory_space<vmem>>) dst(%dma_wait3A_160 : memref<128x64xf32, #tpu.memory_space<vmem_shared>>)
      tpu.yield
    }) : () -> ()
    %add3A_10 = arith.constant 512 : i32
    %add3A_11 = arith.addi %mul3A_0, %add3A_10 : i32
    "tpu.region"() ({
      %run_scoped3A_152 = tpu.sem_alloc : memref<!tpu.dma_semaphore, #tpu.memory_space<semaphore_mem>>
      %dma_start3A_153 = arith.constant 0 : i32
      %dma_start3A_154 = tpu.memref_slice %arg24[%add3A_11, %dma_start3A_153] : memref<10240x64xf32, #tpu.memory_space<vmem_shared>> -> memref<128x64xf32, #tpu.memory_space<vmem_shared>>
      %dma_start3A_155 = arith.constant 0 : i32
      %dma_start3A_156 = tpu.memref_slice %arg24[%add3A_11, %dma_start3A_155] : memref<10240x64xf32, #tpu.memory_space<vmem_shared>> -> memref<128x64xf32, #tpu.memory_space<vmem_shared>>
      tpu.enqueue_dma source(%arg9 : memref<128x64xf32, #tpu.memory_space<vmem>>) target(%dma_start3A_156 : memref<128x64xf32, #tpu.memory_space<vmem_shared>>) target_semaphore(%run_scoped3A_152 : memref<!tpu.dma_semaphore, #tpu.memory_space<semaphore_mem>>)
      %dma_wait3A_157 = arith.constant 0 : i32
      %dma_wait3A_158 = tpu.memref_slice %arg24[%add3A_11, %dma_wait3A_157] : memref<10240x64xf32, #tpu.memory_space<vmem_shared>> -> memref<128x64xf32, #tpu.memory_space<vmem_shared>>
      %dma_wait3A_159 = arith.constant 0 : i32
      %dma_wait3A_160 = tpu.memref_slice %arg24[%add3A_11, %dma_wait3A_159] : memref<10240x64xf32, #tpu.memory_space<vmem_shared>> -> memref<128x64xf32, #tpu.memory_space<vmem_shared>>
      tpu.wait_dma2 semaphore(%run_scoped3A_152 : memref<!tpu.dma_semaphore, #tpu.memory_space<semaphore_mem>>) src(%arg9 : memref<128x64xf32, #tpu.memory_space<vmem>>) dst(%dma_wait3A_160 : memref<128x64xf32, #tpu.memory_space<vmem_shared>>)
      tpu.yield
    }) : () -> ()
    "tpu.region"() ({
      %run_scoped3A_152 = tpu.sem_alloc : memref<!tpu.dma_semaphore, #tpu.memory_space<semaphore_mem>>
      tpu.enqueue_dma source(%arg5 : memref<128x16xf32, #tpu.memory_space<hbm>>) target(%arg21 : memref<128x16xf32, #tpu.memory_space<vmem>>) target_semaphore(%run_scoped3A_152 : memref<!tpu.dma_semaphore, #tpu.memory_space<semaphore_mem>>)
      tpu.wait_dma2 semaphore(%run_scoped3A_152 : memref<!tpu.dma_semaphore, #tpu.memory_space<semaphore_mem>>) src(%arg5 : memref<128x16xf32, #tpu.memory_space<hbm>>) dst(%arg21 : memref<128x16xf32, #tpu.memory_space<vmem>>)
      tpu.yield
    }) : () -> ()
    "tpu.region"() ({
      %run_scoped3A_152 = tpu.sem_alloc : memref<!tpu.dma_semaphore, #tpu.memory_space<semaphore_mem>>
      tpu.enqueue_dma source(%arg6 : memref<128x16xf32, #tpu.memory_space<hbm>>) target(%arg22 : memref<128x16xf32, #tpu.memory_space<vmem>>) target_semaphore(%run_scoped3A_152 : memref<!tpu.dma_semaphore, #tpu.memory_space<semaphore_mem>>)
      tpu.wait_dma2 semaphore(%run_scoped3A_152 : memref<!tpu.dma_semaphore, #tpu.memory_space<semaphore_mem>>) src(%arg6 : memref<128x16xf32, #tpu.memory_space<hbm>>) dst(%arg22 : memref<128x16xf32, #tpu.memory_space<vmem>>)
      tpu.yield
    }) : () -> ()
    %add3A_12 = arith.constant 0 : i32
    %add3A_13 = arith.addi %mul3A_0, %add3A_12 : i32
    "tpu.region"() ({
      %run_scoped3A_152 = tpu.sem_alloc : memref<!tpu.dma_semaphore, #tpu.memory_space<semaphore_mem>>
      %dma_start3A_153 = arith.constant 0 : i32
      %dma_start3A_154 = tpu.memref_slice %arg23[%add3A_13, %dma_start3A_153] : memref<10240x16xf32, #tpu.memory_space<vmem_shared>> -> memref<128x16xf32, #tpu.memory_space<vmem_shared>>
      %dma_start3A_155 = arith.constant 0 : i32
      %dma_start3A_156 = tpu.memref_slice %arg23[%add3A_13, %dma_start3A_155] : memref<10240x16xf32, #tpu.memory_space<vmem_shared>> -> memref<128x16xf32, #tpu.memory_space<vmem_shared>>
      tpu.enqueue_dma source(%arg22 : memref<128x16xf32, #tpu.memory_space<vmem>>) target(%dma_start3A_156 : memref<128x16xf32, #tpu.memory_space<vmem_shared>>) target_semaphore(%run_scoped3A_152 : memref<!tpu.dma_semaphore, #tpu.memory_space<semaphore_mem>>)
      %dma_wait3A_157 = arith.constant 0 : i32
      %dma_wait3A_158 = tpu.memref_slice %arg23[%add3A_13, %dma_wait3A_157] : memref<10240x16xf32, #tpu.memory_space<vmem_shared>> -> memref<128x16xf32, #tpu.memory_space<vmem_shared>>
      %dma_wait3A_159 = arith.constant 0 : i32
      %dma_wait3A_160 = tpu.memref_slice %arg23[%add3A_13, %dma_wait3A_159] : memref<10240x16xf32, #tpu.memory_space<vmem_shared>> -> memref<128x16xf32, #tpu.memory_space<vmem_shared>>
      tpu.wait_dma2 semaphore(%run_scoped3A_152 : memref<!tpu.dma_semaphore, #tpu.memory_space<semaphore_mem>>) src(%arg22 : memref<128x16xf32, #tpu.memory_space<vmem>>) dst(%dma_wait3A_160 : memref<128x16xf32, #tpu.memory_space<vmem_shared>>)
      tpu.yield
    }) : () -> ()
    %add3A_14 = arith.constant 128 : i32
    %add3A_15 = arith.addi %mul3A_0, %add3A_14 : i32
    "tpu.region"() ({
      %run_scoped3A_152 = tpu.sem_alloc : memref<!tpu.dma_semaphore, #tpu.memory_space<semaphore_mem>>
      %dma_start3A_153 = arith.constant 0 : i32
      %dma_start3A_154 = tpu.memref_slice %arg23[%add3A_15, %dma_start3A_153] : memref<10240x16xf32, #tpu.memory_space<vmem_shared>> -> memref<128x16xf32, #tpu.memory_space<vmem_shared>>
      %dma_start3A_155 = arith.constant 0 : i32
      %dma_start3A_156 = tpu.memref_slice %arg23[%add3A_15, %dma_start3A_155] : memref<10240x16xf32, #tpu.memory_space<vmem_shared>> -> memref<128x16xf32, #tpu.memory_space<vmem_shared>>
      tpu.enqueue_dma source(%arg22 : memref<128x16xf32, #tpu.memory_space<vmem>>) target(%dma_start3A_156 : memref<128x16xf32, #tpu.memory_space<vmem_shared>>) target_semaphore(%run_scoped3A_152 : memref<!tpu.dma_semaphore, #tpu.memory_space<semaphore_mem>>)
      %dma_wait3A_157 = arith.constant 0 : i32
      %dma_wait3A_158 = tpu.memref_slice %arg23[%add3A_15, %dma_wait3A_157] : memref<10240x16xf32, #tpu.memory_space<vmem_shared>> -> memref<128x16xf32, #tpu.memory_space<vmem_shared>>
      %dma_wait3A_159 = arith.constant 0 : i32
      %dma_wait3A_160 = tpu.memref_slice %arg23[%add3A_15, %dma_wait3A_159] : memref<10240x16xf32, #tpu.memory_space<vmem_shared>> -> memref<128x16xf32, #tpu.memory_space<vmem_shared>>
      tpu.wait_dma2 semaphore(%run_scoped3A_152 : memref<!tpu.dma_semaphore, #tpu.memory_space<semaphore_mem>>) src(%arg22 : memref<128x16xf32, #tpu.memory_space<vmem>>) dst(%dma_wait3A_160 : memref<128x16xf32, #tpu.memory_space<vmem_shared>>)
      tpu.yield
    }) : () -> ()
    %add3A_16 = arith.constant 256 : i32
    %add3A_17 = arith.addi %mul3A_0, %add3A_16 : i32
    "tpu.region"() ({
      %run_scoped3A_152 = tpu.sem_alloc : memref<!tpu.dma_semaphore, #tpu.memory_space<semaphore_mem>>
      %dma_start3A_153 = arith.constant 0 : i32
      %dma_start3A_154 = tpu.memref_slice %arg23[%add3A_17, %dma_start3A_153] : memref<10240x16xf32, #tpu.memory_space<vmem_shared>> -> memref<128x16xf32, #tpu.memory_space<vmem_shared>>
      %dma_start3A_155 = arith.constant 0 : i32
      %dma_start3A_156 = tpu.memref_slice %arg23[%add3A_17, %dma_start3A_155] : memref<10240x16xf32, #tpu.memory_space<vmem_shared>> -> memref<128x16xf32, #tpu.memory_space<vmem_shared>>
      tpu.enqueue_dma source(%arg22 : memref<128x16xf32, #tpu.memory_space<vmem>>) target(%dma_start3A_156 : memref<128x16xf32, #tpu.memory_space<vmem_shared>>) target_semaphore(%run_scoped3A_152 : memref<!tpu.dma_semaphore, #tpu.memory_space<semaphore_mem>>)
      %dma_wait3A_157 = arith.constant 0 : i32
      %dma_wait3A_158 = tpu.memref_slice %arg23[%add3A_17, %dma_wait3A_157] : memref<10240x16xf32, #tpu.memory_space<vmem_shared>> -> memref<128x16xf32, #tpu.memory_space<vmem_shared>>
      %dma_wait3A_159 = arith.constant 0 : i32
      %dma_wait3A_160 = tpu.memref_slice %arg23[%add3A_17, %dma_wait3A_159] : memref<10240x16xf32, #tpu.memory_space<vmem_shared>> -> memref<128x16xf32, #tpu.memory_space<vmem_shared>>
      tpu.wait_dma2 semaphore(%run_scoped3A_152 : memref<!tpu.dma_semaphore, #tpu.memory_space<semaphore_mem>>) src(%arg22 : memref<128x16xf32, #tpu.memory_space<vmem>>) dst(%dma_wait3A_160 : memref<128x16xf32, #tpu.memory_space<vmem_shared>>)
      tpu.yield
    }) : () -> ()
    %add3A_18 = arith.constant 384 : i32
    %add3A_19 = arith.addi %mul3A_0, %add3A_18 : i32
    "tpu.region"() ({
      %run_scoped3A_152 = tpu.sem_alloc : memref<!tpu.dma_semaphore, #tpu.memory_space<semaphore_mem>>
      %dma_start3A_153 = arith.constant 0 : i32
      %dma_start3A_154 = tpu.memref_slice %arg23[%add3A_19, %dma_start3A_153] : memref<10240x16xf32, #tpu.memory_space<vmem_shared>> -> memref<128x16xf32, #tpu.memory_space<vmem_shared>>
      %dma_start3A_155 = arith.constant 0 : i32
      %dma_start3A_156 = tpu.memref_slice %arg23[%add3A_19, %dma_start3A_155] : memref<10240x16xf32, #tpu.memory_space<vmem_shared>> -> memref<128x16xf32, #tpu.memory_space<vmem_shared>>
      tpu.enqueue_dma source(%arg22 : memref<128x16xf32, #tpu.memory_space<vmem>>) target(%dma_start3A_156 : memref<128x16xf32, #tpu.memory_space<vmem_shared>>) target_semaphore(%run_scoped3A_152 : memref<!tpu.dma_semaphore, #tpu.memory_space<semaphore_mem>>)
      %dma_wait3A_157 = arith.constant 0 : i32
      %dma_wait3A_158 = tpu.memref_slice %arg23[%add3A_19, %dma_wait3A_157] : memref<10240x16xf32, #tpu.memory_space<vmem_shared>> -> memref<128x16xf32, #tpu.memory_space<vmem_shared>>
      %dma_wait3A_159 = arith.constant 0 : i32
      %dma_wait3A_160 = tpu.memref_slice %arg23[%add3A_19, %dma_wait3A_159] : memref<10240x16xf32, #tpu.memory_space<vmem_shared>> -> memref<128x16xf32, #tpu.memory_space<vmem_shared>>
      tpu.wait_dma2 semaphore(%run_scoped3A_152 : memref<!tpu.dma_semaphore, #tpu.memory_space<semaphore_mem>>) src(%arg22 : memref<128x16xf32, #tpu.memory_space<vmem>>) dst(%dma_wait3A_160 : memref<128x16xf32, #tpu.memory_space<vmem_shared>>)
      tpu.yield
    }) : () -> ()
    %add3A_20 = arith.constant 512 : i32
    %add3A_21 = arith.addi %mul3A_0, %add3A_20 : i32
    "tpu.region"() ({
      %run_scoped3A_152 = tpu.sem_alloc : memref<!tpu.dma_semaphore, #tpu.memory_space<semaphore_mem>>
      %dma_start3A_153 = arith.constant 0 : i32
      %dma_start3A_154 = tpu.memref_slice %arg23[%add3A_21, %dma_start3A_153] : memref<10240x16xf32, #tpu.memory_space<vmem_shared>> -> memref<128x16xf32, #tpu.memory_space<vmem_shared>>
      %dma_start3A_155 = arith.constant 0 : i32
      %dma_start3A_156 = tpu.memref_slice %arg23[%add3A_21, %dma_start3A_155] : memref<10240x16xf32, #tpu.memory_space<vmem_shared>> -> memref<128x16xf32, #tpu.memory_space<vmem_shared>>
      tpu.enqueue_dma source(%arg22 : memref<128x16xf32, #tpu.memory_space<vmem>>) target(%dma_start3A_156 : memref<128x16xf32, #tpu.memory_space<vmem_shared>>) target_semaphore(%run_scoped3A_152 : memref<!tpu.dma_semaphore, #tpu.memory_space<semaphore_mem>>)
      %dma_wait3A_157 = arith.constant 0 : i32
      %dma_wait3A_158 = tpu.memref_slice %arg23[%add3A_21, %dma_wait3A_157] : memref<10240x16xf32, #tpu.memory_space<vmem_shared>> -> memref<128x16xf32, #tpu.memory_space<vmem_shared>>
      %dma_wait3A_159 = arith.constant 0 : i32
      %dma_wait3A_160 = tpu.memref_slice %arg23[%add3A_21, %dma_wait3A_159] : memref<10240x16xf32, #tpu.memory_space<vmem_shared>> -> memref<128x16xf32, #tpu.memory_space<vmem_shared>>
      tpu.wait_dma2 semaphore(%run_scoped3A_152 : memref<!tpu.dma_semaphore, #tpu.memory_space<semaphore_mem>>) src(%arg22 : memref<128x16xf32, #tpu.memory_space<vmem>>) dst(%dma_wait3A_160 : memref<128x16xf32, #tpu.memory_space<vmem_shared>>)
      tpu.yield
    }) : () -> ()
    %barrier3A = arith.constant 0 : index
    tpu.barrier barrier_id(%barrier3A)
    %dma_start3A = arith.constant 0 : i32
    %dma_start3A_22 = arith.constant 0 : i32
    %dma_start3A_23 = arith.constant 0 : i32
    %dma_start3A_24 = tpu.memref_slice %arg3[%arg1, %dma_start3A, %dma_start3A_22, %dma_start3A_23] : memref<16x162x2x128xi32, #tpu.memory_space<hbm>> -> memref<1x1x2x128xi32, #tpu.memory_space<hbm>>
    %dma_start3A_25 = tpu.memref_squeeze %dma_start3A_24 : memref<1x1x2x128xi32, #tpu.memory_space<hbm>> -> memref<2x128xi32, #tpu.memory_space<hbm>>
    %dma_start3A_26 = arith.constant 0 : i32
    %dma_start3A_27 = arith.constant 0 : i32
    %dma_start3A_28 = tpu.memref_slice %arg3[%arg1, %dma_start3A, %dma_start3A_26, %dma_start3A_27] : memref<16x162x2x128xi32, #tpu.memory_space<hbm>> -> memref<1x1x2x128xi32, #tpu.memory_space<hbm>>
    %dma_start3A_29 = tpu.memref_squeeze %dma_start3A_28 : memref<1x1x2x128xi32, #tpu.memory_space<hbm>> -> memref<2x128xi32, #tpu.memory_space<hbm>>
    tpu.enqueue_dma source(%dma_start3A_29 : memref<2x128xi32, #tpu.memory_space<hbm>>) target(%arg12 : memref<2x128xi32, #tpu.memory_space<vmem>>) target_semaphore(%arg18 : memref<!tpu.dma_semaphore, #tpu.memory_space<semaphore_mem>>)
    %dma_start3A_30 = arith.constant 1 : i32
    %dma_start3A_31 = arith.constant 0 : i32
    %dma_start3A_32 = arith.constant 0 : i32
    %dma_start3A_33 = tpu.memref_slice %arg3[%arg1, %dma_start3A_30, %dma_start3A_31, %dma_start3A_32] : memref<16x162x2x128xi32, #tpu.memory_space<hbm>> -> memref<1x1x2x128xi32, #tpu.memory_space<hbm>>
    %dma_start3A_34 = tpu.memref_squeeze %dma_start3A_33 : memref<1x1x2x128xi32, #tpu.memory_space<hbm>> -> memref<2x128xi32, #tpu.memory_space<hbm>>
    %dma_start3A_35 = arith.constant 0 : i32
    %dma_start3A_36 = arith.constant 0 : i32
    %dma_start3A_37 = tpu.memref_slice %arg3[%arg1, %dma_start3A_30, %dma_start3A_35, %dma_start3A_36] : memref<16x162x2x128xi32, #tpu.memory_space<hbm>> -> memref<1x1x2x128xi32, #tpu.memory_space<hbm>>
    %dma_start3A_38 = tpu.memref_squeeze %dma_start3A_37 : memref<1x1x2x128xi32, #tpu.memory_space<hbm>> -> memref<2x128xi32, #tpu.memory_space<hbm>>
    tpu.enqueue_dma source(%dma_start3A_38 : memref<2x128xi32, #tpu.memory_space<hbm>>) target(%arg13 : memref<2x128xi32, #tpu.memory_space<vmem>>) target_semaphore(%arg19 : memref<!tpu.dma_semaphore, #tpu.memory_space<semaphore_mem>>)
    %dma_start3A_39 = arith.constant 2 : i32
    %dma_start3A_40 = arith.constant 0 : i32
    %dma_start3A_41 = arith.constant 0 : i32
    %dma_start3A_42 = tpu.memref_slice %arg3[%arg1, %dma_start3A_39, %dma_start3A_40, %dma_start3A_41] : memref<16x162x2x128xi32, #tpu.memory_space<hbm>> -> memref<1x1x2x128xi32, #tpu.memory_space<hbm>>
    %dma_start3A_43 = tpu.memref_squeeze %dma_start3A_42 : memref<1x1x2x128xi32, #tpu.memory_space<hbm>> -> memref<2x128xi32, #tpu.memory_space<hbm>>
    %dma_start3A_44 = arith.constant 0 : i32
    %dma_start3A_45 = arith.constant 0 : i32
    %dma_start3A_46 = tpu.memref_slice %arg3[%arg1, %dma_start3A_39, %dma_start3A_44, %dma_start3A_45] : memref<16x162x2x128xi32, #tpu.memory_space<hbm>> -> memref<1x1x2x128xi32, #tpu.memory_space<hbm>>
    %dma_start3A_47 = tpu.memref_squeeze %dma_start3A_46 : memref<1x1x2x128xi32, #tpu.memory_space<hbm>> -> memref<2x128xi32, #tpu.memory_space<hbm>>
    tpu.enqueue_dma source(%dma_start3A_47 : memref<2x128xi32, #tpu.memory_space<hbm>>) target(%arg14 : memref<2x128xi32, #tpu.memory_space<vmem>>) target_semaphore(%arg20 : memref<!tpu.dma_semaphore, #tpu.memory_space<semaphore_mem>>)
    %dma_wait3A = arith.constant 0 : i32
    %dma_wait3A_48 = arith.constant 0 : i32
    %dma_wait3A_49 = arith.constant 0 : i32
    %dma_wait3A_50 = tpu.memref_slice %arg3[%arg1, %dma_wait3A, %dma_wait3A_48, %dma_wait3A_49] : memref<16x162x2x128xi32, #tpu.memory_space<hbm>> -> memref<1x1x2x128xi32, #tpu.memory_space<hbm>>
    %dma_wait3A_51 = tpu.memref_squeeze %dma_wait3A_50 : memref<1x1x2x128xi32, #tpu.memory_space<hbm>> -> memref<2x128xi32, #tpu.memory_space<hbm>>
    %dma_wait3A_52 = arith.constant 0 : i32
    %dma_wait3A_53 = arith.constant 0 : i32
    %dma_wait3A_54 = tpu.memref_slice %arg3[%arg1, %dma_wait3A, %dma_wait3A_52, %dma_wait3A_53] : memref<16x162x2x128xi32, #tpu.memory_space<hbm>> -> memref<1x1x2x128xi32, #tpu.memory_space<hbm>>
    %dma_wait3A_55 = tpu.memref_squeeze %dma_wait3A_54 : memref<1x1x2x128xi32, #tpu.memory_space<hbm>> -> memref<2x128xi32, #tpu.memory_space<hbm>>
    tpu.wait_dma2 semaphore(%arg18 : memref<!tpu.dma_semaphore, #tpu.memory_space<semaphore_mem>>) src(%dma_wait3A_55 : memref<2x128xi32, #tpu.memory_space<hbm>>) dst(%arg12 : memref<2x128xi32, #tpu.memory_space<vmem>>)
    %dma_start3A_56 = arith.constant 0 : i32
    %dma_start3A_57 = arith.constant 0 : i32
    %dma_start3A_58 = tpu.memref_slice %arg12[%dma_start3A_56, %dma_start3A_57] : memref<2x128xi32, #tpu.memory_space<vmem>> -> memref<1x128xi32, #tpu.memory_space<vmem>>
    %dma_start3A_59 = tpu.memref_squeeze %dma_start3A_58 : memref<1x128xi32, #tpu.memory_space<vmem>> -> memref<128xi32, #tpu.memory_space<vmem>>
    %dma_start3A_60 = arith.constant 0 : i32
    %dma_start3A_61 = arith.constant 0 : i32
    %dma_start3A_62 = tpu.memref_slice %arg25[%dma_start3A_60, %dma_start3A_61] : memref<10000x64xf32, #tpu.memory_space<vmem_shared>> -> memref<10000x64xf32, #tpu.memory_space<vmem_shared>>
    tpu.enqueue_indirect_dma source(%dma_start3A_62 : memref<10000x64xf32, #tpu.memory_space<vmem_shared>>) target(%arg9 : memref<128x64xf32, #tpu.memory_space<vmem>>) offsets(%dma_start3A_59 : memref<128xi32, #tpu.memory_space<vmem>>) semaphore(%arg15 : memref<!tpu.dma_semaphore, #tpu.memory_space<semaphore_mem>>)
    %dma_wait3A_63 = arith.constant 0 : i32
    %dma_wait3A_64 = arith.constant 0 : i32
    %dma_wait3A_65 = arith.constant 0 : i32
    %dma_wait3A_66 = tpu.memref_slice %arg3[%arg1, %dma_wait3A_63, %dma_wait3A_64, %dma_wait3A_65] : memref<16x162x2x128xi32, #tpu.memory_space<hbm>> -> memref<1x1x2x128xi32, #tpu.memory_space<hbm>>
    %dma_wait3A_67 = tpu.memref_squeeze %dma_wait3A_66 : memref<1x1x2x128xi32, #tpu.memory_space<hbm>> -> memref<2x128xi32, #tpu.memory_space<hbm>>
    %dma_wait3A_68 = arith.constant 0 : i32
    %dma_wait3A_69 = arith.constant 0 : i32
    %dma_wait3A_70 = tpu.memref_slice %arg3[%arg1, %dma_wait3A_63, %dma_wait3A_68, %dma_wait3A_69] : memref<16x162x2x128xi32, #tpu.memory_space<hbm>> -> memref<1x1x2x128xi32, #tpu.memory_space<hbm>>
    %dma_wait3A_71 = tpu.memref_squeeze %dma_wait3A_70 : memref<1x1x2x128xi32, #tpu.memory_space<hbm>> -> memref<2x128xi32, #tpu.memory_space<hbm>>
    tpu.wait_dma2 semaphore(%arg19 : memref<!tpu.dma_semaphore, #tpu.memory_space<semaphore_mem>>) src(%dma_wait3A_71 : memref<2x128xi32, #tpu.memory_space<hbm>>) dst(%arg13 : memref<2x128xi32, #tpu.memory_space<vmem>>)
    %dma_start3A_72 = arith.constant 0 : i32
    %dma_start3A_73 = arith.constant 0 : i32
    %dma_start3A_74 = tpu.memref_slice %arg13[%dma_start3A_72, %dma_start3A_73] : memref<2x128xi32, #tpu.memory_space<vmem>> -> memref<1x128xi32, #tpu.memory_space<vmem>>
    %dma_start3A_75 = tpu.memref_squeeze %dma_start3A_74 : memref<1x128xi32, #tpu.memory_space<vmem>> -> memref<128xi32, #tpu.memory_space<vmem>>
    %dma_start3A_76 = arith.constant 0 : i32
    %dma_start3A_77 = arith.constant 0 : i32
    %dma_start3A_78 = tpu.memref_slice %arg25[%dma_start3A_76, %dma_start3A_77] : memref<10000x64xf32, #tpu.memory_space<vmem_shared>> -> memref<10000x64xf32, #tpu.memory_space<vmem_shared>>
    tpu.enqueue_indirect_dma source(%dma_start3A_78 : memref<10000x64xf32, #tpu.memory_space<vmem_shared>>) target(%arg10 : memref<128x64xf32, #tpu.memory_space<vmem>>) offsets(%dma_start3A_75 : memref<128xi32, #tpu.memory_space<vmem>>) semaphore(%arg16 : memref<!tpu.dma_semaphore, #tpu.memory_space<semaphore_mem>>)
    %scan3A = arith.constant 0 : i32
    %scan3A_79 = arith.constant 53 : i32
    %scan3A_80 = arith.addi %scan3A, %scan3A_79 : i32
    %scan3A_81 = arith.constant 1 : i32
    scf.for %scan3A_152 = %scan3A to %scan3A_80 step %scan3A_81  : i32 {
      %mul3A_153 = arith.constant 1 : i32
      %mul3A_154 = arith.muli %scan3A_152, %mul3A_153 : i32
      %add3A_155 = arith.constant 0 : i32
      %add3A_156 = arith.addi %add3A_155, %mul3A_154 : i32
      %mul3A_157 = arith.constant 3 : i32
      %mul3A_158 = arith.muli %mul3A_157, %add3A_156 : i32
      %add3A_159 = arith.constant 0 : i32
      %add3A_160 = arith.addi %mul3A_158, %add3A_159 : i32
      tpu.wait_dma2 semaphore(%arg15 : memref<!tpu.dma_semaphore, #tpu.memory_space<semaphore_mem>>) src(%arg4 : memref<128x64xf32, #tpu.memory_space<hbm>>) dst(%arg9 : memref<128x64xf32, #tpu.memory_space<vmem>>)
      %run_scoped3A_161 = arith.constant 1 : i32
      "tpu.region"() ({
        %run_scoped3A_296 = tpu.sem_alloc : memref<!tpu.dma_semaphore, #tpu.memory_space<semaphore_mem>>
        %dma_start3A_297 = arith.constant 0 : i32
        %dma_start3A_298 = tpu.memref_slice %arg12[%run_scoped3A_161, %dma_start3A_297] : memref<2x128xi32, #tpu.memory_space<vmem>> -> memref<1x128xi32, #tpu.memory_space<vmem>>
        %dma_start3A_299 = tpu.memref_squeeze %dma_start3A_298 : memref<1x128xi32, #tpu.memory_space<vmem>> -> memref<128xi32, #tpu.memory_space<vmem>>
        %dma_start3A_300 = arith.constant 0 : i32
        %dma_start3A_301 = arith.constant 0 : i32
        %dma_start3A_302 = tpu.memref_slice %arg24[%dma_start3A_300, %dma_start3A_301] : memref<10240x64xf32, #tpu.memory_space<vmem_shared>> -> memref<10240x64xf32, #tpu.memory_space<vmem_shared>>
        tpu.enqueue_indirect_dma source(%arg9 : memref<128x64xf32, #tpu.memory_space<vmem>>) target(%dma_start3A_302 : memref<10240x64xf32, #tpu.memory_space<vmem_shared>>) offsets(%dma_start3A_299 : memref<128xi32, #tpu.memory_space<vmem>>) semaphore(%run_scoped3A_296 : memref<!tpu.dma_semaphore, #tpu.memory_space<semaphore_mem>>) {add = true}
        %dma_wait3A_303 = arith.constant 0 : i32
        %dma_wait3A_304 = tpu.memref_slice %arg12[%run_scoped3A_161, %dma_wait3A_303] : memref<2x128xi32, #tpu.memory_space<vmem>> -> memref<1x128xi32, #tpu.memory_space<vmem>>
        %dma_wait3A_305 = tpu.memref_squeeze %dma_wait3A_304 : memref<1x128xi32, #tpu.memory_space<vmem>> -> memref<128xi32, #tpu.memory_space<vmem>>
        %dma_wait3A_306 = arith.constant 0 : i32
        %dma_wait3A_307 = arith.constant 0 : i32
        %dma_wait3A_308 = tpu.memref_slice %arg24[%dma_wait3A_306, %dma_wait3A_307] : memref<10240x64xf32, #tpu.memory_space<vmem_shared>> -> memref<10240x64xf32, #tpu.memory_space<vmem_shared>>
        tpu.wait_indirect_dma semaphore(%run_scoped3A_296 : memref<!tpu.dma_semaphore, #tpu.memory_space<semaphore_mem>>) src(%arg9 : memref<128x64xf32, #tpu.memory_space<vmem>>) dst(%dma_wait3A_308 : memref<10240x64xf32, #tpu.memory_space<vmem_shared>>)
        tpu.yield
      }) : () -> ()
      %eq3A_162 = arith.constant 0 : i32
      %eq3A_163 = arith.cmpi eq, %arg0, %eq3A_162 : i32
      %lt3A = arith.constant 81 : i32
      %lt3A_164 = arith.cmpi slt, %add3A_160, %lt3A : i32
      %and3A_165 = arith.andi %eq3A_163, %lt3A_164 : i1
      %ne3A_166 = arith.constant 0 : i32
      %ne3A_167 = arith.cmpi ne, %arg0, %ne3A_166 : i32
      %ge3A = arith.constant 81 : i32
      %ge3A_168 = arith.cmpi sge, %add3A_160, %ge3A : i32
      %and3A_169 = arith.andi %ne3A_167, %ge3A_168 : i1
      %or3A_170 = arith.ori %and3A_165, %and3A_169 : i1
      %convert_element_type3A_171 = arith.extui %or3A_170 : i1 to i32
      %cond3A_172 = arith.constant 0 : i32
      %cond3A_173 = arith.cmpi ne, %convert_element_type3A_171, %cond3A_172 : i32
      scf.if %cond3A_173 {
        %run_scoped3A_296 = arith.constant 1 : i32
        "tpu.region"() ({
          %run_scoped3A_297 = tpu.sem_alloc : memref<!tpu.dma_semaphore, #tpu.memory_space<semaphore_mem>>
          %dma_start3A_298 = arith.constant 0 : i32
          %dma_start3A_299 = tpu.memref_slice %arg12[%run_scoped3A_296, %dma_start3A_298] : memref<2x128xi32, #tpu.memory_space<vmem>> -> memref<1x128xi32, #tpu.memory_space<vmem>>
          %dma_start3A_300 = tpu.memref_squeeze %dma_start3A_299 : memref<1x128xi32, #tpu.memory_space<vmem>> -> memref<128xi32, #tpu.memory_space<vmem>>
          %dma_start3A_301 = arith.constant 0 : i32
          %dma_start3A_302 = arith.constant 0 : i32
          %dma_start3A_303 = tpu.memref_slice %arg23[%dma_start3A_301, %dma_start3A_302] : memref<10240x16xf32, #tpu.memory_space<vmem_shared>> -> memref<10240x16xf32, #tpu.memory_space<vmem_shared>>
          tpu.enqueue_indirect_dma source(%arg21 : memref<128x16xf32, #tpu.memory_space<vmem>>) target(%dma_start3A_303 : memref<10240x16xf32, #tpu.memory_space<vmem_shared>>) offsets(%dma_start3A_300 : memref<128xi32, #tpu.memory_space<vmem>>) semaphore(%run_scoped3A_297 : memref<!tpu.dma_semaphore, #tpu.memory_space<semaphore_mem>>) {add = true}
          %dma_wait3A_304 = arith.constant 0 : i32
          %dma_wait3A_305 = tpu.memref_slice %arg12[%run_scoped3A_296, %dma_wait3A_304] : memref<2x128xi32, #tpu.memory_space<vmem>> -> memref<1x128xi32, #tpu.memory_space<vmem>>
          %dma_wait3A_306 = tpu.memref_squeeze %dma_wait3A_305 : memref<1x128xi32, #tpu.memory_space<vmem>> -> memref<128xi32, #tpu.memory_space<vmem>>
          %dma_wait3A_307 = arith.constant 0 : i32
          %dma_wait3A_308 = arith.constant 0 : i32
          %dma_wait3A_309 = tpu.memref_slice %arg23[%dma_wait3A_307, %dma_wait3A_308] : memref<10240x16xf32, #tpu.memory_space<vmem_shared>> -> memref<10240x16xf32, #tpu.memory_space<vmem_shared>>
          tpu.wait_indirect_dma semaphore(%run_scoped3A_297 : memref<!tpu.dma_semaphore, #tpu.memory_space<semaphore_mem>>) src(%arg21 : memref<128x16xf32, #tpu.memory_space<vmem>>) dst(%dma_wait3A_309 : memref<10240x16xf32, #tpu.memory_space<vmem_shared>>)
          tpu.yield
        }) : () -> ()
      } else {
      }
      %add3A_174 = arith.constant 3 : i32
      %add3A_175 = arith.addi %add3A_160, %add3A_174 : i32
      %dma_start3A_176 = arith.constant 0 : i32
      %dma_start3A_177 = arith.constant 0 : i32
      %dma_start3A_178 = tpu.memref_slice %arg3[%arg1, %add3A_175, %dma_start3A_176, %dma_start3A_177] : memref<16x162x2x128xi32, #tpu.memory_space<hbm>> -> memref<1x1x2x128xi32, #tpu.memory_space<hbm>>
      %dma_start3A_179 = tpu.memref_squeeze %dma_start3A_178 : memref<1x1x2x128xi32, #tpu.memory_space<hbm>> -> memref<2x128xi32, #tpu.memory_space<hbm>>
      %dma_start3A_180 = arith.constant 0 : i32
      %dma_start3A_181 = arith.constant 0 : i32
      %dma_start3A_182 = tpu.memref_slice %arg3[%arg1, %add3A_175, %dma_start3A_180, %dma_start3A_181] : memref<16x162x2x128xi32, #tpu.memory_space<hbm>> -> memref<1x1x2x128xi32, #tpu.memory_space<hbm>>
      %dma_start3A_183 = tpu.memref_squeeze %dma_start3A_182 : memref<1x1x2x128xi32, #tpu.memory_space<hbm>> -> memref<2x128xi32, #tpu.memory_space<hbm>>
      tpu.enqueue_dma source(%dma_start3A_183 : memref<2x128xi32, #tpu.memory_space<hbm>>) target(%arg12 : memref<2x128xi32, #tpu.memory_space<vmem>>) target_semaphore(%arg18 : memref<!tpu.dma_semaphore, #tpu.memory_space<semaphore_mem>>)
      %dma_wait3A_184 = arith.constant 0 : i32
      %dma_wait3A_185 = arith.constant 0 : i32
      %dma_wait3A_186 = arith.constant 0 : i32
      %dma_wait3A_187 = tpu.memref_slice %arg3[%arg1, %dma_wait3A_184, %dma_wait3A_185, %dma_wait3A_186] : memref<16x162x2x128xi32, #tpu.memory_space<hbm>> -> memref<1x1x2x128xi32, #tpu.memory_space<hbm>>
      %dma_wait3A_188 = tpu.memref_squeeze %dma_wait3A_187 : memref<1x1x2x128xi32, #tpu.memory_space<hbm>> -> memref<2x128xi32, #tpu.memory_space<hbm>>
      %dma_wait3A_189 = arith.constant 0 : i32
      %dma_wait3A_190 = arith.constant 0 : i32
      %dma_wait3A_191 = tpu.memref_slice %arg3[%arg1, %dma_wait3A_184, %dma_wait3A_189, %dma_wait3A_190] : memref<16x162x2x128xi32, #tpu.memory_space<hbm>> -> memref<1x1x2x128xi32, #tpu.memory_space<hbm>>
      %dma_wait3A_192 = tpu.memref_squeeze %dma_wait3A_191 : memref<1x1x2x128xi32, #tpu.memory_space<hbm>> -> memref<2x128xi32, #tpu.memory_space<hbm>>
      tpu.wait_dma2 semaphore(%arg20 : memref<!tpu.dma_semaphore, #tpu.memory_space<semaphore_mem>>) src(%dma_wait3A_192 : memref<2x128xi32, #tpu.memory_space<hbm>>) dst(%arg14 : memref<2x128xi32, #tpu.memory_space<vmem>>)
      %add3A_193 = arith.constant 2 : i32
      %add3A_194 = arith.addi %add3A_160, %add3A_193 : i32
      %dma_start3A_195 = arith.constant 0 : i32
      %dma_start3A_196 = arith.constant 0 : i32
      %dma_start3A_197 = tpu.memref_slice %arg14[%dma_start3A_195, %dma_start3A_196] : memref<2x128xi32, #tpu.memory_space<vmem>> -> memref<1x128xi32, #tpu.memory_space<vmem>>
      %dma_start3A_198 = tpu.memref_squeeze %dma_start3A_197 : memref<1x128xi32, #tpu.memory_space<vmem>> -> memref<128xi32, #tpu.memory_space<vmem>>
      %dma_start3A_199 = arith.constant 0 : i32
      %dma_start3A_200 = arith.constant 0 : i32
      %dma_start3A_201 = tpu.memref_slice %arg25[%dma_start3A_199, %dma_start3A_200] : memref<10000x64xf32, #tpu.memory_space<vmem_shared>> -> memref<10000x64xf32, #tpu.memory_space<vmem_shared>>
      tpu.enqueue_indirect_dma source(%dma_start3A_201 : memref<10000x64xf32, #tpu.memory_space<vmem_shared>>) target(%arg11 : memref<128x64xf32, #tpu.memory_space<vmem>>) offsets(%dma_start3A_198 : memref<128xi32, #tpu.memory_space<vmem>>) semaphore(%arg17 : memref<!tpu.dma_semaphore, #tpu.memory_space<semaphore_mem>>)
      %mul3A_202 = arith.constant 3 : i32
      %mul3A_203 = arith.muli %mul3A_202, %add3A_156 : i32
      %add3A_204 = arith.constant 1 : i32
      %add3A_205 = arith.addi %mul3A_203, %add3A_204 : i32
      tpu.wait_dma2 semaphore(%arg16 : memref<!tpu.dma_semaphore, #tpu.memory_space<semaphore_mem>>) src(%arg4 : memref<128x64xf32, #tpu.memory_space<hbm>>) dst(%arg10 : memref<128x64xf32, #tpu.memory_space<vmem>>)
      %run_scoped3A_206 = arith.constant 1 : i32
      "tpu.region"() ({
        %run_scoped3A_296 = tpu.sem_alloc : memref<!tpu.dma_semaphore, #tpu.memory_space<semaphore_mem>>
        %dma_start3A_297 = arith.constant 0 : i32
        %dma_start3A_298 = tpu.memref_slice %arg13[%run_scoped3A_206, %dma_start3A_297] : memref<2x128xi32, #tpu.memory_space<vmem>> -> memref<1x128xi32, #tpu.memory_space<vmem>>
        %dma_start3A_299 = tpu.memref_squeeze %dma_start3A_298 : memref<1x128xi32, #tpu.memory_space<vmem>> -> memref<128xi32, #tpu.memory_space<vmem>>
        %dma_start3A_300 = arith.constant 0 : i32
        %dma_start3A_301 = arith.constant 0 : i32
        %dma_start3A_302 = tpu.memref_slice %arg24[%dma_start3A_300, %dma_start3A_301] : memref<10240x64xf32, #tpu.memory_space<vmem_shared>> -> memref<10240x64xf32, #tpu.memory_space<vmem_shared>>
        tpu.enqueue_indirect_dma source(%arg10 : memref<128x64xf32, #tpu.memory_space<vmem>>) target(%dma_start3A_302 : memref<10240x64xf32, #tpu.memory_space<vmem_shared>>) offsets(%dma_start3A_299 : memref<128xi32, #tpu.memory_space<vmem>>) semaphore(%run_scoped3A_296 : memref<!tpu.dma_semaphore, #tpu.memory_space<semaphore_mem>>) {add = true}
        %dma_wait3A_303 = arith.constant 0 : i32
        %dma_wait3A_304 = tpu.memref_slice %arg13[%run_scoped3A_206, %dma_wait3A_303] : memref<2x128xi32, #tpu.memory_space<vmem>> -> memref<1x128xi32, #tpu.memory_space<vmem>>
        %dma_wait3A_305 = tpu.memref_squeeze %dma_wait3A_304 : memref<1x128xi32, #tpu.memory_space<vmem>> -> memref<128xi32, #tpu.memory_space<vmem>>
        %dma_wait3A_306 = arith.constant 0 : i32
        %dma_wait3A_307 = arith.constant 0 : i32
        %dma_wait3A_308 = tpu.memref_slice %arg24[%dma_wait3A_306, %dma_wait3A_307] : memref<10240x64xf32, #tpu.memory_space<vmem_shared>> -> memref<10240x64xf32, #tpu.memory_space<vmem_shared>>
        tpu.wait_indirect_dma semaphore(%run_scoped3A_296 : memref<!tpu.dma_semaphore, #tpu.memory_space<semaphore_mem>>) src(%arg10 : memref<128x64xf32, #tpu.memory_space<vmem>>) dst(%dma_wait3A_308 : memref<10240x64xf32, #tpu.memory_space<vmem_shared>>)
        tpu.yield
      }) : () -> ()
      %eq3A_207 = arith.constant 0 : i32
      %eq3A_208 = arith.cmpi eq, %arg0, %eq3A_207 : i32
      %lt3A_209 = arith.constant 81 : i32
      %lt3A_210 = arith.cmpi slt, %add3A_205, %lt3A_209 : i32
      %and3A_211 = arith.andi %eq3A_208, %lt3A_210 : i1
      %ne3A_212 = arith.constant 0 : i32
      %ne3A_213 = arith.cmpi ne, %arg0, %ne3A_212 : i32
      %ge3A_214 = arith.constant 81 : i32
      %ge3A_215 = arith.cmpi sge, %add3A_205, %ge3A_214 : i32
      %and3A_216 = arith.andi %ne3A_213, %ge3A_215 : i1
      %or3A_217 = arith.ori %and3A_211, %and3A_216 : i1
      %convert_element_type3A_218 = arith.extui %or3A_217 : i1 to i32
      %cond3A_219 = arith.constant 0 : i32
      %cond3A_220 = arith.cmpi ne, %convert_element_type3A_218, %cond3A_219 : i32
      scf.if %cond3A_220 {
        %run_scoped3A_296 = arith.constant 1 : i32
        "tpu.region"() ({
          %run_scoped3A_297 = tpu.sem_alloc : memref<!tpu.dma_semaphore, #tpu.memory_space<semaphore_mem>>
          %dma_start3A_298 = arith.constant 0 : i32
          %dma_start3A_299 = tpu.memref_slice %arg13[%run_scoped3A_296, %dma_start3A_298] : memref<2x128xi32, #tpu.memory_space<vmem>> -> memref<1x128xi32, #tpu.memory_space<vmem>>
          %dma_start3A_300 = tpu.memref_squeeze %dma_start3A_299 : memref<1x128xi32, #tpu.memory_space<vmem>> -> memref<128xi32, #tpu.memory_space<vmem>>
          %dma_start3A_301 = arith.constant 0 : i32
          %dma_start3A_302 = arith.constant 0 : i32
          %dma_start3A_303 = tpu.memref_slice %arg23[%dma_start3A_301, %dma_start3A_302] : memref<10240x16xf32, #tpu.memory_space<vmem_shared>> -> memref<10240x16xf32, #tpu.memory_space<vmem_shared>>
          tpu.enqueue_indirect_dma source(%arg21 : memref<128x16xf32, #tpu.memory_space<vmem>>) target(%dma_start3A_303 : memref<10240x16xf32, #tpu.memory_space<vmem_shared>>) offsets(%dma_start3A_300 : memref<128xi32, #tpu.memory_space<vmem>>) semaphore(%run_scoped3A_297 : memref<!tpu.dma_semaphore, #tpu.memory_space<semaphore_mem>>) {add = true}
          %dma_wait3A_304 = arith.constant 0 : i32
          %dma_wait3A_305 = tpu.memref_slice %arg13[%run_scoped3A_296, %dma_wait3A_304] : memref<2x128xi32, #tpu.memory_space<vmem>> -> memref<1x128xi32, #tpu.memory_space<vmem>>
          %dma_wait3A_306 = tpu.memref_squeeze %dma_wait3A_305 : memref<1x128xi32, #tpu.memory_space<vmem>> -> memref<128xi32, #tpu.memory_space<vmem>>
          %dma_wait3A_307 = arith.constant 0 : i32
          %dma_wait3A_308 = arith.constant 0 : i32
          %dma_wait3A_309 = tpu.memref_slice %arg23[%dma_wait3A_307, %dma_wait3A_308] : memref<10240x16xf32, #tpu.memory_space<vmem_shared>> -> memref<10240x16xf32, #tpu.memory_space<vmem_shared>>
          tpu.wait_indirect_dma semaphore(%run_scoped3A_297 : memref<!tpu.dma_semaphore, #tpu.memory_space<semaphore_mem>>) src(%arg21 : memref<128x16xf32, #tpu.memory_space<vmem>>) dst(%dma_wait3A_309 : memref<10240x16xf32, #tpu.memory_space<vmem_shared>>)
          tpu.yield
        }) : () -> ()
      } else {
      }
      %add3A_221 = arith.constant 3 : i32
      %add3A_222 = arith.addi %add3A_205, %add3A_221 : i32
      %dma_start3A_223 = arith.constant 0 : i32
      %dma_start3A_224 = arith.constant 0 : i32
      %dma_start3A_225 = tpu.memref_slice %arg3[%arg1, %add3A_222, %dma_start3A_223, %dma_start3A_224] : memref<16x162x2x128xi32, #tpu.memory_space<hbm>> -> memref<1x1x2x128xi32, #tpu.memory_space<hbm>>
      %dma_start3A_226 = tpu.memref_squeeze %dma_start3A_225 : memref<1x1x2x128xi32, #tpu.memory_space<hbm>> -> memref<2x128xi32, #tpu.memory_space<hbm>>
      %dma_start3A_227 = arith.constant 0 : i32
      %dma_start3A_228 = arith.constant 0 : i32
      %dma_start3A_229 = tpu.memref_slice %arg3[%arg1, %add3A_222, %dma_start3A_227, %dma_start3A_228] : memref<16x162x2x128xi32, #tpu.memory_space<hbm>> -> memref<1x1x2x128xi32, #tpu.memory_space<hbm>>
      %dma_start3A_230 = tpu.memref_squeeze %dma_start3A_229 : memref<1x1x2x128xi32, #tpu.memory_space<hbm>> -> memref<2x128xi32, #tpu.memory_space<hbm>>
      tpu.enqueue_dma source(%dma_start3A_230 : memref<2x128xi32, #tpu.memory_space<hbm>>) target(%arg13 : memref<2x128xi32, #tpu.memory_space<vmem>>) target_semaphore(%arg19 : memref<!tpu.dma_semaphore, #tpu.memory_space<semaphore_mem>>)
      %dma_wait3A_231 = arith.constant 0 : i32
      %dma_wait3A_232 = arith.constant 0 : i32
      %dma_wait3A_233 = arith.constant 0 : i32
      %dma_wait3A_234 = tpu.memref_slice %arg3[%arg1, %dma_wait3A_231, %dma_wait3A_232, %dma_wait3A_233] : memref<16x162x2x128xi32, #tpu.memory_space<hbm>> -> memref<1x1x2x128xi32, #tpu.memory_space<hbm>>
      %dma_wait3A_235 = tpu.memref_squeeze %dma_wait3A_234 : memref<1x1x2x128xi32, #tpu.memory_space<hbm>> -> memref<2x128xi32, #tpu.memory_space<hbm>>
      %dma_wait3A_236 = arith.constant 0 : i32
      %dma_wait3A_237 = arith.constant 0 : i32
      %dma_wait3A_238 = tpu.memref_slice %arg3[%arg1, %dma_wait3A_231, %dma_wait3A_236, %dma_wait3A_237] : memref<16x162x2x128xi32, #tpu.memory_space<hbm>> -> memref<1x1x2x128xi32, #tpu.memory_space<hbm>>
      %dma_wait3A_239 = tpu.memref_squeeze %dma_wait3A_238 : memref<1x1x2x128xi32, #tpu.memory_space<hbm>> -> memref<2x128xi32, #tpu.memory_space<hbm>>
      tpu.wait_dma2 semaphore(%arg18 : memref<!tpu.dma_semaphore, #tpu.memory_space<semaphore_mem>>) src(%dma_wait3A_239 : memref<2x128xi32, #tpu.memory_space<hbm>>) dst(%arg12 : memref<2x128xi32, #tpu.memory_space<vmem>>)
      %add3A_240 = arith.constant 2 : i32
      %add3A_241 = arith.addi %add3A_205, %add3A_240 : i32
      %dma_start3A_242 = arith.constant 0 : i32
      %dma_start3A_243 = arith.constant 0 : i32
      %dma_start3A_244 = tpu.memref_slice %arg12[%dma_start3A_242, %dma_start3A_243] : memref<2x128xi32, #tpu.memory_space<vmem>> -> memref<1x128xi32, #tpu.memory_space<vmem>>
      %dma_start3A_245 = tpu.memref_squeeze %dma_start3A_244 : memref<1x128xi32, #tpu.memory_space<vmem>> -> memref<128xi32, #tpu.memory_space<vmem>>
      %dma_start3A_246 = arith.constant 0 : i32
      %dma_start3A_247 = arith.constant 0 : i32
      %dma_start3A_248 = tpu.memref_slice %arg25[%dma_start3A_246, %dma_start3A_247] : memref<10000x64xf32, #tpu.memory_space<vmem_shared>> -> memref<10000x64xf32, #tpu.memory_space<vmem_shared>>
      tpu.enqueue_indirect_dma source(%dma_start3A_248 : memref<10000x64xf32, #tpu.memory_space<vmem_shared>>) target(%arg9 : memref<128x64xf32, #tpu.memory_space<vmem>>) offsets(%dma_start3A_245 : memref<128xi32, #tpu.memory_space<vmem>>) semaphore(%arg15 : memref<!tpu.dma_semaphore, #tpu.memory_space<semaphore_mem>>)
      %mul3A_249 = arith.constant 3 : i32
      %mul3A_250 = arith.muli %mul3A_249, %add3A_156 : i32
      %add3A_251 = arith.constant 2 : i32
      %add3A_252 = arith.addi %mul3A_250, %add3A_251 : i32
      tpu.wait_dma2 semaphore(%arg17 : memref<!tpu.dma_semaphore, #tpu.memory_space<semaphore_mem>>) src(%arg4 : memref<128x64xf32, #tpu.memory_space<hbm>>) dst(%arg11 : memref<128x64xf32, #tpu.memory_space<vmem>>)
      %run_scoped3A_253 = arith.constant 1 : i32
      "tpu.region"() ({
        %run_scoped3A_296 = tpu.sem_alloc : memref<!tpu.dma_semaphore, #tpu.memory_space<semaphore_mem>>
        %dma_start3A_297 = arith.constant 0 : i32
        %dma_start3A_298 = tpu.memref_slice %arg14[%run_scoped3A_253, %dma_start3A_297] : memref<2x128xi32, #tpu.memory_space<vmem>> -> memref<1x128xi32, #tpu.memory_space<vmem>>
        %dma_start3A_299 = tpu.memref_squeeze %dma_start3A_298 : memref<1x128xi32, #tpu.memory_space<vmem>> -> memref<128xi32, #tpu.memory_space<vmem>>
        %dma_start3A_300 = arith.constant 0 : i32
        %dma_start3A_301 = arith.constant 0 : i32
        %dma_start3A_302 = tpu.memref_slice %arg24[%dma_start3A_300, %dma_start3A_301] : memref<10240x64xf32, #tpu.memory_space<vmem_shared>> -> memref<10240x64xf32, #tpu.memory_space<vmem_shared>>
        tpu.enqueue_indirect_dma source(%arg11 : memref<128x64xf32, #tpu.memory_space<vmem>>) target(%dma_start3A_302 : memref<10240x64xf32, #tpu.memory_space<vmem_shared>>) offsets(%dma_start3A_299 : memref<128xi32, #tpu.memory_space<vmem>>) semaphore(%run_scoped3A_296 : memref<!tpu.dma_semaphore, #tpu.memory_space<semaphore_mem>>) {add = true}
        %dma_wait3A_303 = arith.constant 0 : i32
        %dma_wait3A_304 = tpu.memref_slice %arg14[%run_scoped3A_253, %dma_wait3A_303] : memref<2x128xi32, #tpu.memory_space<vmem>> -> memref<1x128xi32, #tpu.memory_space<vmem>>
        %dma_wait3A_305 = tpu.memref_squeeze %dma_wait3A_304 : memref<1x128xi32, #tpu.memory_space<vmem>> -> memref<128xi32, #tpu.memory_space<vmem>>
        %dma_wait3A_306 = arith.constant 0 : i32
        %dma_wait3A_307 = arith.constant 0 : i32
        %dma_wait3A_308 = tpu.memref_slice %arg24[%dma_wait3A_306, %dma_wait3A_307] : memref<10240x64xf32, #tpu.memory_space<vmem_shared>> -> memref<10240x64xf32, #tpu.memory_space<vmem_shared>>
        tpu.wait_indirect_dma semaphore(%run_scoped3A_296 : memref<!tpu.dma_semaphore, #tpu.memory_space<semaphore_mem>>) src(%arg11 : memref<128x64xf32, #tpu.memory_space<vmem>>) dst(%dma_wait3A_308 : memref<10240x64xf32, #tpu.memory_space<vmem_shared>>)
        tpu.yield
      }) : () -> ()
      %eq3A_254 = arith.constant 0 : i32
      %eq3A_255 = arith.cmpi eq, %arg0, %eq3A_254 : i32
      %lt3A_256 = arith.constant 81 : i32
      %lt3A_257 = arith.cmpi slt, %add3A_252, %lt3A_256 : i32
      %and3A_258 = arith.andi %eq3A_255, %lt3A_257 : i1
      %ne3A_259 = arith.constant 0 : i32
      %ne3A_260 = arith.cmpi ne, %arg0, %ne3A_259 : i32
      %ge3A_261 = arith.constant 81 : i32
      %ge3A_262 = arith.cmpi sge, %add3A_252, %ge3A_261 : i32
      %and3A_263 = arith.andi %ne3A_260, %ge3A_262 : i1
      %or3A_264 = arith.ori %and3A_258, %and3A_263 : i1
      %convert_element_type3A_265 = arith.extui %or3A_264 : i1 to i32
      %cond3A_266 = arith.constant 0 : i32
      %cond3A_267 = arith.cmpi ne, %convert_element_type3A_265, %cond3A_266 : i32
      scf.if %cond3A_267 {
        %run_scoped3A_296 = arith.constant 1 : i32
        "tpu.region"() ({
          %run_scoped3A_297 = tpu.sem_alloc : memref<!tpu.dma_semaphore, #tpu.memory_space<semaphore_mem>>
          %dma_start3A_298 = arith.constant 0 : i32
          %dma_start3A_299 = tpu.memref_slice %arg14[%run_scoped3A_296, %dma_start3A_298] : memref<2x128xi32, #tpu.memory_space<vmem>> -> memref<1x128xi32, #tpu.memory_space<vmem>>
          %dma_start3A_300 = tpu.memref_squeeze %dma_start3A_299 : memref<1x128xi32, #tpu.memory_space<vmem>> -> memref<128xi32, #tpu.memory_space<vmem>>
          %dma_start3A_301 = arith.constant 0 : i32
          %dma_start3A_302 = arith.constant 0 : i32
          %dma_start3A_303 = tpu.memref_slice %arg23[%dma_start3A_301, %dma_start3A_302] : memref<10240x16xf32, #tpu.memory_space<vmem_shared>> -> memref<10240x16xf32, #tpu.memory_space<vmem_shared>>
          tpu.enqueue_indirect_dma source(%arg21 : memref<128x16xf32, #tpu.memory_space<vmem>>) target(%dma_start3A_303 : memref<10240x16xf32, #tpu.memory_space<vmem_shared>>) offsets(%dma_start3A_300 : memref<128xi32, #tpu.memory_space<vmem>>) semaphore(%run_scoped3A_297 : memref<!tpu.dma_semaphore, #tpu.memory_space<semaphore_mem>>) {add = true}
          %dma_wait3A_304 = arith.constant 0 : i32
          %dma_wait3A_305 = tpu.memref_slice %arg14[%run_scoped3A_296, %dma_wait3A_304] : memref<2x128xi32, #tpu.memory_space<vmem>> -> memref<1x128xi32, #tpu.memory_space<vmem>>
          %dma_wait3A_306 = tpu.memref_squeeze %dma_wait3A_305 : memref<1x128xi32, #tpu.memory_space<vmem>> -> memref<128xi32, #tpu.memory_space<vmem>>
          %dma_wait3A_307 = arith.constant 0 : i32
          %dma_wait3A_308 = arith.constant 0 : i32
          %dma_wait3A_309 = tpu.memref_slice %arg23[%dma_wait3A_307, %dma_wait3A_308] : memref<10240x16xf32, #tpu.memory_space<vmem_shared>> -> memref<10240x16xf32, #tpu.memory_space<vmem_shared>>
          tpu.wait_indirect_dma semaphore(%run_scoped3A_297 : memref<!tpu.dma_semaphore, #tpu.memory_space<semaphore_mem>>) src(%arg21 : memref<128x16xf32, #tpu.memory_space<vmem>>) dst(%dma_wait3A_309 : memref<10240x16xf32, #tpu.memory_space<vmem_shared>>)
          tpu.yield
        }) : () -> ()
      } else {
      }
      %add3A_268 = arith.constant 3 : i32
      %add3A_269 = arith.addi %add3A_252, %add3A_268 : i32
      %dma_start3A_270 = arith.constant 0 : i32
      %dma_start3A_271 = arith.constant 0 : i32
      %dma_start3A_272 = tpu.memref_slice %arg3[%arg1, %add3A_269, %dma_start3A_270, %dma_start3A_271] : memref<16x162x2x128xi32, #tpu.memory_space<hbm>> -> memref<1x1x2x128xi32, #tpu.memory_space<hbm>>
      %dma_start3A_273 = tpu.memref_squeeze %dma_start3A_272 : memref<1x1x2x128xi32, #tpu.memory_space<hbm>> -> memref<2x128xi32, #tpu.memory_space<hbm>>
      %dma_start3A_274 = arith.constant 0 : i32
      %dma_start3A_275 = arith.constant 0 : i32
      %dma_start3A_276 = tpu.memref_slice %arg3[%arg1, %add3A_269, %dma_start3A_274, %dma_start3A_275] : memref<16x162x2x128xi32, #tpu.memory_space<hbm>> -> memref<1x1x2x128xi32, #tpu.memory_space<hbm>>
      %dma_start3A_277 = tpu.memref_squeeze %dma_start3A_276 : memref<1x1x2x128xi32, #tpu.memory_space<hbm>> -> memref<2x128xi32, #tpu.memory_space<hbm>>
      tpu.enqueue_dma source(%dma_start3A_277 : memref<2x128xi32, #tpu.memory_space<hbm>>) target(%arg14 : memref<2x128xi32, #tpu.memory_space<vmem>>) target_semaphore(%arg20 : memref<!tpu.dma_semaphore, #tpu.memory_space<semaphore_mem>>)
      %dma_wait3A_278 = arith.constant 0 : i32
      %dma_wait3A_279 = arith.constant 0 : i32
      %dma_wait3A_280 = arith.constant 0 : i32
      %dma_wait3A_281 = tpu.memref_slice %arg3[%arg1, %dma_wait3A_278, %dma_wait3A_279, %dma_wait3A_280] : memref<16x162x2x128xi32, #tpu.memory_space<hbm>> -> memref<1x1x2x128xi32, #tpu.memory_space<hbm>>
      %dma_wait3A_282 = tpu.memref_squeeze %dma_wait3A_281 : memref<1x1x2x128xi32, #tpu.memory_space<hbm>> -> memref<2x128xi32, #tpu.memory_space<hbm>>
      %dma_wait3A_283 = arith.constant 0 : i32
      %dma_wait3A_284 = arith.constant 0 : i32
      %dma_wait3A_285 = tpu.memref_slice %arg3[%arg1, %dma_wait3A_278, %dma_wait3A_283, %dma_wait3A_284] : memref<16x162x2x128xi32, #tpu.memory_space<hbm>> -> memref<1x1x2x128xi32, #tpu.memory_space<hbm>>
      %dma_wait3A_286 = tpu.memref_squeeze %dma_wait3A_285 : memref<1x1x2x128xi32, #tpu.memory_space<hbm>> -> memref<2x128xi32, #tpu.memory_space<hbm>>
      tpu.wait_dma2 semaphore(%arg19 : memref<!tpu.dma_semaphore, #tpu.memory_space<semaphore_mem>>) src(%dma_wait3A_286 : memref<2x128xi32, #tpu.memory_space<hbm>>) dst(%arg13 : memref<2x128xi32, #tpu.memory_space<vmem>>)
      %add3A_287 = arith.constant 2 : i32
      %add3A_288 = arith.addi %add3A_252, %add3A_287 : i32
      %dma_start3A_289 = arith.constant 0 : i32
      %dma_start3A_290 = arith.constant 0 : i32
      %dma_start3A_291 = tpu.memref_slice %arg13[%dma_start3A_289, %dma_start3A_290] : memref<2x128xi32, #tpu.memory_space<vmem>> -> memref<1x128xi32, #tpu.memory_space<vmem>>
      %dma_start3A_292 = tpu.memref_squeeze %dma_start3A_291 : memref<1x128xi32, #tpu.memory_space<vmem>> -> memref<128xi32, #tpu.memory_space<vmem>>
      %dma_start3A_293 = arith.constant 0 : i32
      %dma_start3A_294 = arith.constant 0 : i32
      %dma_start3A_295 = tpu.memref_slice %arg25[%dma_start3A_293, %dma_start3A_294] : memref<10000x64xf32, #tpu.memory_space<vmem_shared>> -> memref<10000x64xf32, #tpu.memory_space<vmem_shared>>
      tpu.enqueue_indirect_dma source(%dma_start3A_295 : memref<10000x64xf32, #tpu.memory_space<vmem_shared>>) target(%arg10 : memref<128x64xf32, #tpu.memory_space<vmem>>) offsets(%dma_start3A_292 : memref<128xi32, #tpu.memory_space<vmem>>) semaphore(%arg16 : memref<!tpu.dma_semaphore, #tpu.memory_space<semaphore_mem>>)
    }
    %scan3A_82 = arith.constant 53 : i32
    tpu.wait_dma2 semaphore(%arg15 : memref<!tpu.dma_semaphore, #tpu.memory_space<semaphore_mem>>) src(%arg4 : memref<128x64xf32, #tpu.memory_space<hbm>>) dst(%arg9 : memref<128x64xf32, #tpu.memory_space<vmem>>)
    %dma_wait3A_83 = arith.constant 0 : i32
    %dma_wait3A_84 = arith.constant 0 : i32
    %dma_wait3A_85 = arith.constant 0 : i32
    %dma_wait3A_86 = tpu.memref_slice %arg3[%arg1, %dma_wait3A_83, %dma_wait3A_84, %dma_wait3A_85] : memref<16x162x2x128xi32, #tpu.memory_space<hbm>> -> memref<1x1x2x128xi32, #tpu.memory_space<hbm>>
    %dma_wait3A_87 = tpu.memref_squeeze %dma_wait3A_86 : memref<1x1x2x128xi32, #tpu.memory_space<hbm>> -> memref<2x128xi32, #tpu.memory_space<hbm>>
    %dma_wait3A_88 = arith.constant 0 : i32
    %dma_wait3A_89 = arith.constant 0 : i32
    %dma_wait3A_90 = tpu.memref_slice %arg3[%arg1, %dma_wait3A_83, %dma_wait3A_88, %dma_wait3A_89] : memref<16x162x2x128xi32, #tpu.memory_space<hbm>> -> memref<1x1x2x128xi32, #tpu.memory_space<hbm>>
    %dma_wait3A_91 = tpu.memref_squeeze %dma_wait3A_90 : memref<1x1x2x128xi32, #tpu.memory_space<hbm>> -> memref<2x128xi32, #tpu.memory_space<hbm>>
    tpu.wait_dma2 semaphore(%arg20 : memref<!tpu.dma_semaphore, #tpu.memory_space<semaphore_mem>>) src(%dma_wait3A_91 : memref<2x128xi32, #tpu.memory_space<hbm>>) dst(%arg14 : memref<2x128xi32, #tpu.memory_space<vmem>>)
    %dma_start3A_92 = arith.constant 0 : i32
    %dma_start3A_93 = arith.constant 0 : i32
    %dma_start3A_94 = tpu.memref_slice %arg14[%dma_start3A_92, %dma_start3A_93] : memref<2x128xi32, #tpu.memory_space<vmem>> -> memref<1x128xi32, #tpu.memory_space<vmem>>
    %dma_start3A_95 = tpu.memref_squeeze %dma_start3A_94 : memref<1x128xi32, #tpu.memory_space<vmem>> -> memref<128xi32, #tpu.memory_space<vmem>>
    %dma_start3A_96 = arith.constant 0 : i32
    %dma_start3A_97 = arith.constant 0 : i32
    %dma_start3A_98 = tpu.memref_slice %arg25[%dma_start3A_96, %dma_start3A_97] : memref<10000x64xf32, #tpu.memory_space<vmem_shared>> -> memref<10000x64xf32, #tpu.memory_space<vmem_shared>>
    tpu.enqueue_indirect_dma source(%dma_start3A_98 : memref<10000x64xf32, #tpu.memory_space<vmem_shared>>) target(%arg11 : memref<128x64xf32, #tpu.memory_space<vmem>>) offsets(%dma_start3A_95 : memref<128xi32, #tpu.memory_space<vmem>>) semaphore(%arg17 : memref<!tpu.dma_semaphore, #tpu.memory_space<semaphore_mem>>)
    %run_scoped3A = arith.constant 1 : i32
    "tpu.region"() ({
      %run_scoped3A_152 = tpu.sem_alloc : memref<!tpu.dma_semaphore, #tpu.memory_space<semaphore_mem>>
      %dma_start3A_153 = arith.constant 0 : i32
      %dma_start3A_154 = tpu.memref_slice %arg12[%run_scoped3A, %dma_start3A_153] : memref<2x128xi32, #tpu.memory_space<vmem>> -> memref<1x128xi32, #tpu.memory_space<vmem>>
      %dma_start3A_155 = tpu.memref_squeeze %dma_start3A_154 : memref<1x128xi32, #tpu.memory_space<vmem>> -> memref<128xi32, #tpu.memory_space<vmem>>
      %dma_start3A_156 = arith.constant 0 : i32
      %dma_start3A_157 = arith.constant 0 : i32
      %dma_start3A_158 = tpu.memref_slice %arg24[%dma_start3A_156, %dma_start3A_157] : memref<10240x64xf32, #tpu.memory_space<vmem_shared>> -> memref<10240x64xf32, #tpu.memory_space<vmem_shared>>
      tpu.enqueue_indirect_dma source(%arg9 : memref<128x64xf32, #tpu.memory_space<vmem>>) target(%dma_start3A_158 : memref<10240x64xf32, #tpu.memory_space<vmem_shared>>) offsets(%dma_start3A_155 : memref<128xi32, #tpu.memory_space<vmem>>) semaphore(%run_scoped3A_152 : memref<!tpu.dma_semaphore, #tpu.memory_space<semaphore_mem>>) {add = true}
      %dma_wait3A_159 = arith.constant 0 : i32
      %dma_wait3A_160 = tpu.memref_slice %arg12[%run_scoped3A, %dma_wait3A_159] : memref<2x128xi32, #tpu.memory_space<vmem>> -> memref<1x128xi32, #tpu.memory_space<vmem>>
      %dma_wait3A_161 = tpu.memref_squeeze %dma_wait3A_160 : memref<1x128xi32, #tpu.memory_space<vmem>> -> memref<128xi32, #tpu.memory_space<vmem>>
      %dma_wait3A_162 = arith.constant 0 : i32
      %dma_wait3A_163 = arith.constant 0 : i32
      %dma_wait3A_164 = tpu.memref_slice %arg24[%dma_wait3A_162, %dma_wait3A_163] : memref<10240x64xf32, #tpu.memory_space<vmem_shared>> -> memref<10240x64xf32, #tpu.memory_space<vmem_shared>>
      tpu.wait_indirect_dma semaphore(%run_scoped3A_152 : memref<!tpu.dma_semaphore, #tpu.memory_space<semaphore_mem>>) src(%arg9 : memref<128x64xf32, #tpu.memory_space<vmem>>) dst(%dma_wait3A_164 : memref<10240x64xf32, #tpu.memory_space<vmem_shared>>)
      tpu.yield
    }) : () -> ()
    %eq3A = arith.constant 0 : i32
    %eq3A_99 = arith.cmpi eq, %arg0, %eq3A : i32
    %and3A = arith.constant false
    %and3A_100 = arith.andi %eq3A_99, %and3A : i1
    %ne3A = arith.constant 0 : i32
    %ne3A_101 = arith.cmpi ne, %arg0, %ne3A : i32
    %and3A_102 = arith.constant true
    %and3A_103 = arith.andi %ne3A_101, %and3A_102 : i1
    %or3A = arith.ori %and3A_100, %and3A_103 : i1
    %convert_element_type3A = arith.extui %or3A : i1 to i32
    %cond3A = arith.constant 0 : i32
    %cond3A_104 = arith.cmpi ne, %convert_element_type3A, %cond3A : i32
    scf.if %cond3A_104 {
      %run_scoped3A_152 = arith.constant 1 : i32
      "tpu.region"() ({
        %run_scoped3A_153 = tpu.sem_alloc : memref<!tpu.dma_semaphore, #tpu.memory_space<semaphore_mem>>
        %dma_start3A_154 = arith.constant 0 : i32
        %dma_start3A_155 = tpu.memref_slice %arg12[%run_scoped3A_152, %dma_start3A_154] : memref<2x128xi32, #tpu.memory_space<vmem>> -> memref<1x128xi32, #tpu.memory_space<vmem>>
        %dma_start3A_156 = tpu.memref_squeeze %dma_start3A_155 : memref<1x128xi32, #tpu.memory_space<vmem>> -> memref<128xi32, #tpu.memory_space<vmem>>
        %dma_start3A_157 = arith.constant 0 : i32
        %dma_start3A_158 = arith.constant 0 : i32
        %dma_start3A_159 = tpu.memref_slice %arg23[%dma_start3A_157, %dma_start3A_158] : memref<10240x16xf32, #tpu.memory_space<vmem_shared>> -> memref<10240x16xf32, #tpu.memory_space<vmem_shared>>
        tpu.enqueue_indirect_dma source(%arg21 : memref<128x16xf32, #tpu.memory_space<vmem>>) target(%dma_start3A_159 : memref<10240x16xf32, #tpu.memory_space<vmem_shared>>) offsets(%dma_start3A_156 : memref<128xi32, #tpu.memory_space<vmem>>) semaphore(%run_scoped3A_153 : memref<!tpu.dma_semaphore, #tpu.memory_space<semaphore_mem>>) {add = true}
        %dma_wait3A_160 = arith.constant 0 : i32
        %dma_wait3A_161 = tpu.memref_slice %arg12[%run_scoped3A_152, %dma_wait3A_160] : memref<2x128xi32, #tpu.memory_space<vmem>> -> memref<1x128xi32, #tpu.memory_space<vmem>>
        %dma_wait3A_162 = tpu.memref_squeeze %dma_wait3A_161 : memref<1x128xi32, #tpu.memory_space<vmem>> -> memref<128xi32, #tpu.memory_space<vmem>>
        %dma_wait3A_163 = arith.constant 0 : i32
        %dma_wait3A_164 = arith.constant 0 : i32
        %dma_wait3A_165 = tpu.memref_slice %arg23[%dma_wait3A_163, %dma_wait3A_164] : memref<10240x16xf32, #tpu.memory_space<vmem_shared>> -> memref<10240x16xf32, #tpu.memory_space<vmem_shared>>
        tpu.wait_indirect_dma semaphore(%run_scoped3A_153 : memref<!tpu.dma_semaphore, #tpu.memory_space<semaphore_mem>>) src(%arg21 : memref<128x16xf32, #tpu.memory_space<vmem>>) dst(%dma_wait3A_165 : memref<10240x16xf32, #tpu.memory_space<vmem_shared>>)
        tpu.yield
      }) : () -> ()
    } else {
    }
    tpu.wait_dma2 semaphore(%arg16 : memref<!tpu.dma_semaphore, #tpu.memory_space<semaphore_mem>>) src(%arg4 : memref<128x64xf32, #tpu.memory_space<hbm>>) dst(%arg10 : memref<128x64xf32, #tpu.memory_space<vmem>>)
    %run_scoped3A_105 = arith.constant 1 : i32
    "tpu.region"() ({
      %run_scoped3A_152 = tpu.sem_alloc : memref<!tpu.dma_semaphore, #tpu.memory_space<semaphore_mem>>
      %dma_start3A_153 = arith.constant 0 : i32
      %dma_start3A_154 = tpu.memref_slice %arg13[%run_scoped3A_105, %dma_start3A_153] : memref<2x128xi32, #tpu.memory_space<vmem>> -> memref<1x128xi32, #tpu.memory_space<vmem>>
      %dma_start3A_155 = tpu.memref_squeeze %dma_start3A_154 : memref<1x128xi32, #tpu.memory_space<vmem>> -> memref<128xi32, #tpu.memory_space<vmem>>
      %dma_start3A_156 = arith.constant 0 : i32
      %dma_start3A_157 = arith.constant 0 : i32
      %dma_start3A_158 = tpu.memref_slice %arg24[%dma_start3A_156, %dma_start3A_157] : memref<10240x64xf32, #tpu.memory_space<vmem_shared>> -> memref<10240x64xf32, #tpu.memory_space<vmem_shared>>
      tpu.enqueue_indirect_dma source(%arg10 : memref<128x64xf32, #tpu.memory_space<vmem>>) target(%dma_start3A_158 : memref<10240x64xf32, #tpu.memory_space<vmem_shared>>) offsets(%dma_start3A_155 : memref<128xi32, #tpu.memory_space<vmem>>) semaphore(%run_scoped3A_152 : memref<!tpu.dma_semaphore, #tpu.memory_space<semaphore_mem>>) {add = true}
      %dma_wait3A_159 = arith.constant 0 : i32
      %dma_wait3A_160 = tpu.memref_slice %arg13[%run_scoped3A_105, %dma_wait3A_159] : memref<2x128xi32, #tpu.memory_space<vmem>> -> memref<1x128xi32, #tpu.memory_space<vmem>>
      %dma_wait3A_161 = tpu.memref_squeeze %dma_wait3A_160 : memref<1x128xi32, #tpu.memory_space<vmem>> -> memref<128xi32, #tpu.memory_space<vmem>>
      %dma_wait3A_162 = arith.constant 0 : i32
      %dma_wait3A_163 = arith.constant 0 : i32
      %dma_wait3A_164 = tpu.memref_slice %arg24[%dma_wait3A_162, %dma_wait3A_163] : memref<10240x64xf32, #tpu.memory_space<vmem_shared>> -> memref<10240x64xf32, #tpu.memory_space<vmem_shared>>
      tpu.wait_indirect_dma semaphore(%run_scoped3A_152 : memref<!tpu.dma_semaphore, #tpu.memory_space<semaphore_mem>>) src(%arg10 : memref<128x64xf32, #tpu.memory_space<vmem>>) dst(%dma_wait3A_164 : memref<10240x64xf32, #tpu.memory_space<vmem_shared>>)
      tpu.yield
    }) : () -> ()
    %eq3A_106 = arith.constant 0 : i32
    %eq3A_107 = arith.cmpi eq, %arg0, %eq3A_106 : i32
    %and3A_108 = arith.constant false
    %and3A_109 = arith.andi %eq3A_107, %and3A_108 : i1
    %ne3A_110 = arith.constant 0 : i32
    %ne3A_111 = arith.cmpi ne, %arg0, %ne3A_110 : i32
    %and3A_112 = arith.constant true
    %and3A_113 = arith.andi %ne3A_111, %and3A_112 : i1
    %or3A_114 = arith.ori %and3A_109, %and3A_113 : i1
    %convert_element_type3A_115 = arith.extui %or3A_114 : i1 to i32
    %cond3A_116 = arith.constant 0 : i32
    %cond3A_117 = arith.cmpi ne, %convert_element_type3A_115, %cond3A_116 : i32
    scf.if %cond3A_117 {
      %run_scoped3A_152 = arith.constant 1 : i32
      "tpu.region"() ({
        %run_scoped3A_153 = tpu.sem_alloc : memref<!tpu.dma_semaphore, #tpu.memory_space<semaphore_mem>>
        %dma_start3A_154 = arith.constant 0 : i32
        %dma_start3A_155 = tpu.memref_slice %arg13[%run_scoped3A_152, %dma_start3A_154] : memref<2x128xi32, #tpu.memory_space<vmem>> -> memref<1x128xi32, #tpu.memory_space<vmem>>
        %dma_start3A_156 = tpu.memref_squeeze %dma_start3A_155 : memref<1x128xi32, #tpu.memory_space<vmem>> -> memref<128xi32, #tpu.memory_space<vmem>>
        %dma_start3A_157 = arith.constant 0 : i32
        %dma_start3A_158 = arith.constant 0 : i32
        %dma_start3A_159 = tpu.memref_slice %arg23[%dma_start3A_157, %dma_start3A_158] : memref<10240x16xf32, #tpu.memory_space<vmem_shared>> -> memref<10240x16xf32, #tpu.memory_space<vmem_shared>>
        tpu.enqueue_indirect_dma source(%arg21 : memref<128x16xf32, #tpu.memory_space<vmem>>) target(%dma_start3A_159 : memref<10240x16xf32, #tpu.memory_space<vmem_shared>>) offsets(%dma_start3A_156 : memref<128xi32, #tpu.memory_space<vmem>>) semaphore(%run_scoped3A_153 : memref<!tpu.dma_semaphore, #tpu.memory_space<semaphore_mem>>) {add = true}
        %dma_wait3A_160 = arith.constant 0 : i32
        %dma_wait3A_161 = tpu.memref_slice %arg13[%run_scoped3A_152, %dma_wait3A_160] : memref<2x128xi32, #tpu.memory_space<vmem>> -> memref<1x128xi32, #tpu.memory_space<vmem>>
        %dma_wait3A_162 = tpu.memref_squeeze %dma_wait3A_161 : memref<1x128xi32, #tpu.memory_space<vmem>> -> memref<128xi32, #tpu.memory_space<vmem>>
        %dma_wait3A_163 = arith.constant 0 : i32
        %dma_wait3A_164 = arith.constant 0 : i32
        %dma_wait3A_165 = tpu.memref_slice %arg23[%dma_wait3A_163, %dma_wait3A_164] : memref<10240x16xf32, #tpu.memory_space<vmem_shared>> -> memref<10240x16xf32, #tpu.memory_space<vmem_shared>>
        tpu.wait_indirect_dma semaphore(%run_scoped3A_153 : memref<!tpu.dma_semaphore, #tpu.memory_space<semaphore_mem>>) src(%arg21 : memref<128x16xf32, #tpu.memory_space<vmem>>) dst(%dma_wait3A_165 : memref<10240x16xf32, #tpu.memory_space<vmem_shared>>)
        tpu.yield
      }) : () -> ()
    } else {
    }
    tpu.wait_dma2 semaphore(%arg17 : memref<!tpu.dma_semaphore, #tpu.memory_space<semaphore_mem>>) src(%arg4 : memref<128x64xf32, #tpu.memory_space<hbm>>) dst(%arg11 : memref<128x64xf32, #tpu.memory_space<vmem>>)
    %run_scoped3A_118 = arith.constant 1 : i32
    "tpu.region"() ({
      %run_scoped3A_152 = tpu.sem_alloc : memref<!tpu.dma_semaphore, #tpu.memory_space<semaphore_mem>>
      %dma_start3A_153 = arith.constant 0 : i32
      %dma_start3A_154 = tpu.memref_slice %arg14[%run_scoped3A_118, %dma_start3A_153] : memref<2x128xi32, #tpu.memory_space<vmem>> -> memref<1x128xi32, #tpu.memory_space<vmem>>
      %dma_start3A_155 = tpu.memref_squeeze %dma_start3A_154 : memref<1x128xi32, #tpu.memory_space<vmem>> -> memref<128xi32, #tpu.memory_space<vmem>>
      %dma_start3A_156 = arith.constant 0 : i32
      %dma_start3A_157 = arith.constant 0 : i32
      %dma_start3A_158 = tpu.memref_slice %arg24[%dma_start3A_156, %dma_start3A_157] : memref<10240x64xf32, #tpu.memory_space<vmem_shared>> -> memref<10240x64xf32, #tpu.memory_space<vmem_shared>>
      tpu.enqueue_indirect_dma source(%arg11 : memref<128x64xf32, #tpu.memory_space<vmem>>) target(%dma_start3A_158 : memref<10240x64xf32, #tpu.memory_space<vmem_shared>>) offsets(%dma_start3A_155 : memref<128xi32, #tpu.memory_space<vmem>>) semaphore(%run_scoped3A_152 : memref<!tpu.dma_semaphore, #tpu.memory_space<semaphore_mem>>) {add = true}
      %dma_wait3A_159 = arith.constant 0 : i32
      %dma_wait3A_160 = tpu.memref_slice %arg14[%run_scoped3A_118, %dma_wait3A_159] : memref<2x128xi32, #tpu.memory_space<vmem>> -> memref<1x128xi32, #tpu.memory_space<vmem>>
      %dma_wait3A_161 = tpu.memref_squeeze %dma_wait3A_160 : memref<1x128xi32, #tpu.memory_space<vmem>> -> memref<128xi32, #tpu.memory_space<vmem>>
      %dma_wait3A_162 = arith.constant 0 : i32
      %dma_wait3A_163 = arith.constant 0 : i32
      %dma_wait3A_164 = tpu.memref_slice %arg24[%dma_wait3A_162, %dma_wait3A_163] : memref<10240x64xf32, #tpu.memory_space<vmem_shared>> -> memref<10240x64xf32, #tpu.memory_space<vmem_shared>>
      tpu.wait_indirect_dma semaphore(%run_scoped3A_152 : memref<!tpu.dma_semaphore, #tpu.memory_space<semaphore_mem>>) src(%arg11 : memref<128x64xf32, #tpu.memory_space<vmem>>) dst(%dma_wait3A_164 : memref<10240x64xf32, #tpu.memory_space<vmem_shared>>)
      tpu.yield
    }) : () -> ()
    %eq3A_119 = arith.constant 0 : i32
    %eq3A_120 = arith.cmpi eq, %arg0, %eq3A_119 : i32
    %and3A_121 = arith.constant false
    %and3A_122 = arith.andi %eq3A_120, %and3A_121 : i1
    %ne3A_123 = arith.constant 0 : i32
    %ne3A_124 = arith.cmpi ne, %arg0, %ne3A_123 : i32
    %and3A_125 = arith.constant true
    %and3A_126 = arith.andi %ne3A_124, %and3A_125 : i1
    %or3A_127 = arith.ori %and3A_122, %and3A_126 : i1
    %convert_element_type3A_128 = arith.extui %or3A_127 : i1 to i32
    %cond3A_129 = arith.constant 0 : i32
    %cond3A_130 = arith.cmpi ne, %convert_element_type3A_128, %cond3A_129 : i32
    scf.if %cond3A_130 {
      %run_scoped3A_152 = arith.constant 1 : i32
      "tpu.region"() ({
        %run_scoped3A_153 = tpu.sem_alloc : memref<!tpu.dma_semaphore, #tpu.memory_space<semaphore_mem>>
        %dma_start3A_154 = arith.constant 0 : i32
        %dma_start3A_155 = tpu.memref_slice %arg14[%run_scoped3A_152, %dma_start3A_154] : memref<2x128xi32, #tpu.memory_space<vmem>> -> memref<1x128xi32, #tpu.memory_space<vmem>>
        %dma_start3A_156 = tpu.memref_squeeze %dma_start3A_155 : memref<1x128xi32, #tpu.memory_space<vmem>> -> memref<128xi32, #tpu.memory_space<vmem>>
        %dma_start3A_157 = arith.constant 0 : i32
        %dma_start3A_158 = arith.constant 0 : i32
        %dma_start3A_159 = tpu.memref_slice %arg23[%dma_start3A_157, %dma_start3A_158] : memref<10240x16xf32, #tpu.memory_space<vmem_shared>> -> memref<10240x16xf32, #tpu.memory_space<vmem_shared>>
        tpu.enqueue_indirect_dma source(%arg21 : memref<128x16xf32, #tpu.memory_space<vmem>>) target(%dma_start3A_159 : memref<10240x16xf32, #tpu.memory_space<vmem_shared>>) offsets(%dma_start3A_156 : memref<128xi32, #tpu.memory_space<vmem>>) semaphore(%run_scoped3A_153 : memref<!tpu.dma_semaphore, #tpu.memory_space<semaphore_mem>>) {add = true}
        %dma_wait3A_160 = arith.constant 0 : i32
        %dma_wait3A_161 = tpu.memref_slice %arg14[%run_scoped3A_152, %dma_wait3A_160] : memref<2x128xi32, #tpu.memory_space<vmem>> -> memref<1x128xi32, #tpu.memory_space<vmem>>
        %dma_wait3A_162 = tpu.memref_squeeze %dma_wait3A_161 : memref<1x128xi32, #tpu.memory_space<vmem>> -> memref<128xi32, #tpu.memory_space<vmem>>
        %dma_wait3A_163 = arith.constant 0 : i32
        %dma_wait3A_164 = arith.constant 0 : i32
        %dma_wait3A_165 = tpu.memref_slice %arg23[%dma_wait3A_163, %dma_wait3A_164] : memref<10240x16xf32, #tpu.memory_space<vmem_shared>> -> memref<10240x16xf32, #tpu.memory_space<vmem_shared>>
        tpu.wait_indirect_dma semaphore(%run_scoped3A_153 : memref<!tpu.dma_semaphore, #tpu.memory_space<semaphore_mem>>) src(%arg21 : memref<128x16xf32, #tpu.memory_space<vmem>>) dst(%dma_wait3A_165 : memref<10240x16xf32, #tpu.memory_space<vmem_shared>>)
        tpu.yield
      }) : () -> ()
    } else {
    }
    %barrier3A_131 = arith.constant 0 : index
    tpu.barrier barrier_id(%barrier3A_131)
    %add3A_132 = arith.constant 0 : i32
    %add3A_133 = arith.addi %mul3A_0, %add3A_132 : i32
    "tpu.region"() ({
      %run_scoped3A_152 = tpu.sem_alloc : memref<!tpu.dma_semaphore, #tpu.memory_space<semaphore_mem>>
      %dma_start3A_153 = arith.constant 0 : i32
      %dma_start3A_154 = tpu.memref_slice %arg24[%add3A_133, %dma_start3A_153] : memref<10240x64xf32, #tpu.memory_space<vmem_shared>> -> memref<128x64xf32, #tpu.memory_space<vmem_shared>>
      %dma_start3A_155 = arith.constant 0 : i32
      %dma_start3A_156 = tpu.memref_slice %arg24[%add3A_133, %dma_start3A_155] : memref<10240x64xf32, #tpu.memory_space<vmem_shared>> -> memref<128x64xf32, #tpu.memory_space<vmem_shared>>
      tpu.enqueue_dma source(%dma_start3A_156 : memref<128x64xf32, #tpu.memory_space<vmem_shared>>) target(%arg9 : memref<128x64xf32, #tpu.memory_space<vmem>>) target_semaphore(%run_scoped3A_152 : memref<!tpu.dma_semaphore, #tpu.memory_space<semaphore_mem>>)
      %dma_wait3A_157 = arith.constant 0 : i32
      %dma_wait3A_158 = tpu.memref_slice %arg24[%add3A_133, %dma_wait3A_157] : memref<10240x64xf32, #tpu.memory_space<vmem_shared>> -> memref<128x64xf32, #tpu.memory_space<vmem_shared>>
      %dma_wait3A_159 = arith.constant 0 : i32
      %dma_wait3A_160 = tpu.memref_slice %arg24[%add3A_133, %dma_wait3A_159] : memref<10240x64xf32, #tpu.memory_space<vmem_shared>> -> memref<128x64xf32, #tpu.memory_space<vmem_shared>>
      tpu.wait_dma2 semaphore(%run_scoped3A_152 : memref<!tpu.dma_semaphore, #tpu.memory_space<semaphore_mem>>) src(%dma_wait3A_160 : memref<128x64xf32, #tpu.memory_space<vmem_shared>>) dst(%arg9 : memref<128x64xf32, #tpu.memory_space<vmem>>)
      tpu.yield
    }) : () -> ()
    "tpu.region"() ({
      %run_scoped3A_152 = tpu.sem_alloc : memref<!tpu.dma_semaphore, #tpu.memory_space<semaphore_mem>>
      %dma_start3A_153 = arith.constant 0 : i32
      %dma_start3A_154 = tpu.memref_slice %arg7[%arg0, %add3A_133, %dma_start3A_153] : memref<2x10240x64xf32, #tpu.memory_space<hbm>> -> memref<1x128x64xf32, #tpu.memory_space<hbm>>
      %dma_start3A_155 = tpu.memref_squeeze %dma_start3A_154 : memref<1x128x64xf32, #tpu.memory_space<hbm>> -> memref<128x64xf32, #tpu.memory_space<hbm>>
      %dma_start3A_156 = arith.constant 0 : i32
      %dma_start3A_157 = tpu.memref_slice %arg7[%arg0, %add3A_133, %dma_start3A_156] : memref<2x10240x64xf32, #tpu.memory_space<hbm>> -> memref<1x128x64xf32, #tpu.memory_space<hbm>>
      %dma_start3A_158 = tpu.memref_squeeze %dma_start3A_157 : memref<1x128x64xf32, #tpu.memory_space<hbm>> -> memref<128x64xf32, #tpu.memory_space<hbm>>
      tpu.enqueue_dma source(%arg9 : memref<128x64xf32, #tpu.memory_space<vmem>>) target(%dma_start3A_158 : memref<128x64xf32, #tpu.memory_space<hbm>>) target_semaphore(%run_scoped3A_152 : memref<!tpu.dma_semaphore, #tpu.memory_space<semaphore_mem>>)
      %dma_wait3A_159 = arith.constant 0 : i32
      %dma_wait3A_160 = tpu.memref_slice %arg7[%arg0, %add3A_133, %dma_wait3A_159] : memref<2x10240x64xf32, #tpu.memory_space<hbm>> -> memref<1x128x64xf32, #tpu.memory_space<hbm>>
      %dma_wait3A_161 = tpu.memref_squeeze %dma_wait3A_160 : memref<1x128x64xf32, #tpu.memory_space<hbm>> -> memref<128x64xf32, #tpu.memory_space<hbm>>
      %dma_wait3A_162 = arith.constant 0 : i32
      %dma_wait3A_163 = tpu.memref_slice %arg7[%arg0, %add3A_133, %dma_wait3A_162] : memref<2x10240x64xf32, #tpu.memory_space<hbm>> -> memref<1x128x64xf32, #tpu.memory_space<hbm>>
      %dma_wait3A_164 = tpu.memref_squeeze %dma_wait3A_163 : memref<1x128x64xf32, #tpu.memory_space<hbm>> -> memref<128x64xf32, #tpu.memory_space<hbm>>
      tpu.wait_dma2 semaphore(%run_scoped3A_152 : memref<!tpu.dma_semaphore, #tpu.memory_space<semaphore_mem>>) src(%arg9 : memref<128x64xf32, #tpu.memory_space<vmem>>) dst(%dma_wait3A_164 : memref<128x64xf32, #tpu.memory_space<hbm>>)
      tpu.yield
    }) : () -> ()
    %add3A_134 = arith.constant 128 : i32
    %add3A_135 = arith.addi %mul3A_0, %add3A_134 : i32
    "tpu.region"() ({
      %run_scoped3A_152 = tpu.sem_alloc : memref<!tpu.dma_semaphore, #tpu.memory_space<semaphore_mem>>
      %dma_start3A_153 = arith.constant 0 : i32
      %dma_start3A_154 = tpu.memref_slice %arg24[%add3A_135, %dma_start3A_153] : memref<10240x64xf32, #tpu.memory_space<vmem_shared>> -> memref<128x64xf32, #tpu.memory_space<vmem_shared>>
      %dma_start3A_155 = arith.constant 0 : i32
      %dma_start3A_156 = tpu.memref_slice %arg24[%add3A_135, %dma_start3A_155] : memref<10240x64xf32, #tpu.memory_space<vmem_shared>> -> memref<128x64xf32, #tpu.memory_space<vmem_shared>>
      tpu.enqueue_dma source(%dma_start3A_156 : memref<128x64xf32, #tpu.memory_space<vmem_shared>>) target(%arg9 : memref<128x64xf32, #tpu.memory_space<vmem>>) target_semaphore(%run_scoped3A_152 : memref<!tpu.dma_semaphore, #tpu.memory_space<semaphore_mem>>)
      %dma_wait3A_157 = arith.constant 0 : i32
      %dma_wait3A_158 = tpu.memref_slice %arg24[%add3A_135, %dma_wait3A_157] : memref<10240x64xf32, #tpu.memory_space<vmem_shared>> -> memref<128x64xf32, #tpu.memory_space<vmem_shared>>
      %dma_wait3A_159 = arith.constant 0 : i32
      %dma_wait3A_160 = tpu.memref_slice %arg24[%add3A_135, %dma_wait3A_159] : memref<10240x64xf32, #tpu.memory_space<vmem_shared>> -> memref<128x64xf32, #tpu.memory_space<vmem_shared>>
      tpu.wait_dma2 semaphore(%run_scoped3A_152 : memref<!tpu.dma_semaphore, #tpu.memory_space<semaphore_mem>>) src(%dma_wait3A_160 : memref<128x64xf32, #tpu.memory_space<vmem_shared>>) dst(%arg9 : memref<128x64xf32, #tpu.memory_space<vmem>>)
      tpu.yield
    }) : () -> ()
    "tpu.region"() ({
      %run_scoped3A_152 = tpu.sem_alloc : memref<!tpu.dma_semaphore, #tpu.memory_space<semaphore_mem>>
      %dma_start3A_153 = arith.constant 0 : i32
      %dma_start3A_154 = tpu.memref_slice %arg7[%arg0, %add3A_135, %dma_start3A_153] : memref<2x10240x64xf32, #tpu.memory_space<hbm>> -> memref<1x128x64xf32, #tpu.memory_space<hbm>>
      %dma_start3A_155 = tpu.memref_squeeze %dma_start3A_154 : memref<1x128x64xf32, #tpu.memory_space<hbm>> -> memref<128x64xf32, #tpu.memory_space<hbm>>
      %dma_start3A_156 = arith.constant 0 : i32
      %dma_start3A_157 = tpu.memref_slice %arg7[%arg0, %add3A_135, %dma_start3A_156] : memref<2x10240x64xf32, #tpu.memory_space<hbm>> -> memref<1x128x64xf32, #tpu.memory_space<hbm>>
      %dma_start3A_158 = tpu.memref_squeeze %dma_start3A_157 : memref<1x128x64xf32, #tpu.memory_space<hbm>> -> memref<128x64xf32, #tpu.memory_space<hbm>>
      tpu.enqueue_dma source(%arg9 : memref<128x64xf32, #tpu.memory_space<vmem>>) target(%dma_start3A_158 : memref<128x64xf32, #tpu.memory_space<hbm>>) target_semaphore(%run_scoped3A_152 : memref<!tpu.dma_semaphore, #tpu.memory_space<semaphore_mem>>)
      %dma_wait3A_159 = arith.constant 0 : i32
      %dma_wait3A_160 = tpu.memref_slice %arg7[%arg0, %add3A_135, %dma_wait3A_159] : memref<2x10240x64xf32, #tpu.memory_space<hbm>> -> memref<1x128x64xf32, #tpu.memory_space<hbm>>
      %dma_wait3A_161 = tpu.memref_squeeze %dma_wait3A_160 : memref<1x128x64xf32, #tpu.memory_space<hbm>> -> memref<128x64xf32, #tpu.memory_space<hbm>>
      %dma_wait3A_162 = arith.constant 0 : i32
      %dma_wait3A_163 = tpu.memref_slice %arg7[%arg0, %add3A_135, %dma_wait3A_162] : memref<2x10240x64xf32, #tpu.memory_space<hbm>> -> memref<1x128x64xf32, #tpu.memory_space<hbm>>
      %dma_wait3A_164 = tpu.memref_squeeze %dma_wait3A_163 : memref<1x128x64xf32, #tpu.memory_space<hbm>> -> memref<128x64xf32, #tpu.memory_space<hbm>>
      tpu.wait_dma2 semaphore(%run_scoped3A_152 : memref<!tpu.dma_semaphore, #tpu.memory_space<semaphore_mem>>) src(%arg9 : memref<128x64xf32, #tpu.memory_space<vmem>>) dst(%dma_wait3A_164 : memref<128x64xf32, #tpu.memory_space<hbm>>)
      tpu.yield
    }) : () -> ()
    %add3A_136 = arith.constant 256 : i32
    %add3A_137 = arith.addi %mul3A_0, %add3A_136 : i32
    "tpu.region"() ({
      %run_scoped3A_152 = tpu.sem_alloc : memref<!tpu.dma_semaphore, #tpu.memory_space<semaphore_mem>>
      %dma_start3A_153 = arith.constant 0 : i32
      %dma_start3A_154 = tpu.memref_slice %arg24[%add3A_137, %dma_start3A_153] : memref<10240x64xf32, #tpu.memory_space<vmem_shared>> -> memref<128x64xf32, #tpu.memory_space<vmem_shared>>
      %dma_start3A_155 = arith.constant 0 : i32
      %dma_start3A_156 = tpu.memref_slice %arg24[%add3A_137, %dma_start3A_155] : memref<10240x64xf32, #tpu.memory_space<vmem_shared>> -> memref<128x64xf32, #tpu.memory_space<vmem_shared>>
      tpu.enqueue_dma source(%dma_start3A_156 : memref<128x64xf32, #tpu.memory_space<vmem_shared>>) target(%arg9 : memref<128x64xf32, #tpu.memory_space<vmem>>) target_semaphore(%run_scoped3A_152 : memref<!tpu.dma_semaphore, #tpu.memory_space<semaphore_mem>>)
      %dma_wait3A_157 = arith.constant 0 : i32
      %dma_wait3A_158 = tpu.memref_slice %arg24[%add3A_137, %dma_wait3A_157] : memref<10240x64xf32, #tpu.memory_space<vmem_shared>> -> memref<128x64xf32, #tpu.memory_space<vmem_shared>>
      %dma_wait3A_159 = arith.constant 0 : i32
      %dma_wait3A_160 = tpu.memref_slice %arg24[%add3A_137, %dma_wait3A_159] : memref<10240x64xf32, #tpu.memory_space<vmem_shared>> -> memref<128x64xf32, #tpu.memory_space<vmem_shared>>
      tpu.wait_dma2 semaphore(%run_scoped3A_152 : memref<!tpu.dma_semaphore, #tpu.memory_space<semaphore_mem>>) src(%dma_wait3A_160 : memref<128x64xf32, #tpu.memory_space<vmem_shared>>) dst(%arg9 : memref<128x64xf32, #tpu.memory_space<vmem>>)
      tpu.yield
    }) : () -> ()
    "tpu.region"() ({
      %run_scoped3A_152 = tpu.sem_alloc : memref<!tpu.dma_semaphore, #tpu.memory_space<semaphore_mem>>
      %dma_start3A_153 = arith.constant 0 : i32
      %dma_start3A_154 = tpu.memref_slice %arg7[%arg0, %add3A_137, %dma_start3A_153] : memref<2x10240x64xf32, #tpu.memory_space<hbm>> -> memref<1x128x64xf32, #tpu.memory_space<hbm>>
      %dma_start3A_155 = tpu.memref_squeeze %dma_start3A_154 : memref<1x128x64xf32, #tpu.memory_space<hbm>> -> memref<128x64xf32, #tpu.memory_space<hbm>>
      %dma_start3A_156 = arith.constant 0 : i32
      %dma_start3A_157 = tpu.memref_slice %arg7[%arg0, %add3A_137, %dma_start3A_156] : memref<2x10240x64xf32, #tpu.memory_space<hbm>> -> memref<1x128x64xf32, #tpu.memory_space<hbm>>
      %dma_start3A_158 = tpu.memref_squeeze %dma_start3A_157 : memref<1x128x64xf32, #tpu.memory_space<hbm>> -> memref<128x64xf32, #tpu.memory_space<hbm>>
      tpu.enqueue_dma source(%arg9 : memref<128x64xf32, #tpu.memory_space<vmem>>) target(%dma_start3A_158 : memref<128x64xf32, #tpu.memory_space<hbm>>) target_semaphore(%run_scoped3A_152 : memref<!tpu.dma_semaphore, #tpu.memory_space<semaphore_mem>>)
      %dma_wait3A_159 = arith.constant 0 : i32
      %dma_wait3A_160 = tpu.memref_slice %arg7[%arg0, %add3A_137, %dma_wait3A_159] : memref<2x10240x64xf32, #tpu.memory_space<hbm>> -> memref<1x128x64xf32, #tpu.memory_space<hbm>>
      %dma_wait3A_161 = tpu.memref_squeeze %dma_wait3A_160 : memref<1x128x64xf32, #tpu.memory_space<hbm>> -> memref<128x64xf32, #tpu.memory_space<hbm>>
      %dma_wait3A_162 = arith.constant 0 : i32
      %dma_wait3A_163 = tpu.memref_slice %arg7[%arg0, %add3A_137, %dma_wait3A_162] : memref<2x10240x64xf32, #tpu.memory_space<hbm>> -> memref<1x128x64xf32, #tpu.memory_space<hbm>>
      %dma_wait3A_164 = tpu.memref_squeeze %dma_wait3A_163 : memref<1x128x64xf32, #tpu.memory_space<hbm>> -> memref<128x64xf32, #tpu.memory_space<hbm>>
      tpu.wait_dma2 semaphore(%run_scoped3A_152 : memref<!tpu.dma_semaphore, #tpu.memory_space<semaphore_mem>>) src(%arg9 : memref<128x64xf32, #tpu.memory_space<vmem>>) dst(%dma_wait3A_164 : memref<128x64xf32, #tpu.memory_space<hbm>>)
      tpu.yield
    }) : () -> ()
    %add3A_138 = arith.constant 384 : i32
    %add3A_139 = arith.addi %mul3A_0, %add3A_138 : i32
    "tpu.region"() ({
      %run_scoped3A_152 = tpu.sem_alloc : memref<!tpu.dma_semaphore, #tpu.memory_space<semaphore_mem>>
      %dma_start3A_153 = arith.constant 0 : i32
      %dma_start3A_154 = tpu.memref_slice %arg24[%add3A_139, %dma_start3A_153] : memref<10240x64xf32, #tpu.memory_space<vmem_shared>> -> memref<128x64xf32, #tpu.memory_space<vmem_shared>>
      %dma_start3A_155 = arith.constant 0 : i32
      %dma_start3A_156 = tpu.memref_slice %arg24[%add3A_139, %dma_start3A_155] : memref<10240x64xf32, #tpu.memory_space<vmem_shared>> -> memref<128x64xf32, #tpu.memory_space<vmem_shared>>
      tpu.enqueue_dma source(%dma_start3A_156 : memref<128x64xf32, #tpu.memory_space<vmem_shared>>) target(%arg9 : memref<128x64xf32, #tpu.memory_space<vmem>>) target_semaphore(%run_scoped3A_152 : memref<!tpu.dma_semaphore, #tpu.memory_space<semaphore_mem>>)
      %dma_wait3A_157 = arith.constant 0 : i32
      %dma_wait3A_158 = tpu.memref_slice %arg24[%add3A_139, %dma_wait3A_157] : memref<10240x64xf32, #tpu.memory_space<vmem_shared>> -> memref<128x64xf32, #tpu.memory_space<vmem_shared>>
      %dma_wait3A_159 = arith.constant 0 : i32
      %dma_wait3A_160 = tpu.memref_slice %arg24[%add3A_139, %dma_wait3A_159] : memref<10240x64xf32, #tpu.memory_space<vmem_shared>> -> memref<128x64xf32, #tpu.memory_space<vmem_shared>>
      tpu.wait_dma2 semaphore(%run_scoped3A_152 : memref<!tpu.dma_semaphore, #tpu.memory_space<semaphore_mem>>) src(%dma_wait3A_160 : memref<128x64xf32, #tpu.memory_space<vmem_shared>>) dst(%arg9 : memref<128x64xf32, #tpu.memory_space<vmem>>)
      tpu.yield
    }) : () -> ()
    "tpu.region"() ({
      %run_scoped3A_152 = tpu.sem_alloc : memref<!tpu.dma_semaphore, #tpu.memory_space<semaphore_mem>>
      %dma_start3A_153 = arith.constant 0 : i32
      %dma_start3A_154 = tpu.memref_slice %arg7[%arg0, %add3A_139, %dma_start3A_153] : memref<2x10240x64xf32, #tpu.memory_space<hbm>> -> memref<1x128x64xf32, #tpu.memory_space<hbm>>
      %dma_start3A_155 = tpu.memref_squeeze %dma_start3A_154 : memref<1x128x64xf32, #tpu.memory_space<hbm>> -> memref<128x64xf32, #tpu.memory_space<hbm>>
      %dma_start3A_156 = arith.constant 0 : i32
      %dma_start3A_157 = tpu.memref_slice %arg7[%arg0, %add3A_139, %dma_start3A_156] : memref<2x10240x64xf32, #tpu.memory_space<hbm>> -> memref<1x128x64xf32, #tpu.memory_space<hbm>>
      %dma_start3A_158 = tpu.memref_squeeze %dma_start3A_157 : memref<1x128x64xf32, #tpu.memory_space<hbm>> -> memref<128x64xf32, #tpu.memory_space<hbm>>
      tpu.enqueue_dma source(%arg9 : memref<128x64xf32, #tpu.memory_space<vmem>>) target(%dma_start3A_158 : memref<128x64xf32, #tpu.memory_space<hbm>>) target_semaphore(%run_scoped3A_152 : memref<!tpu.dma_semaphore, #tpu.memory_space<semaphore_mem>>)
      %dma_wait3A_159 = arith.constant 0 : i32
      %dma_wait3A_160 = tpu.memref_slice %arg7[%arg0, %add3A_139, %dma_wait3A_159] : memref<2x10240x64xf32, #tpu.memory_space<hbm>> -> memref<1x128x64xf32, #tpu.memory_space<hbm>>
      %dma_wait3A_161 = tpu.memref_squeeze %dma_wait3A_160 : memref<1x128x64xf32, #tpu.memory_space<hbm>> -> memref<128x64xf32, #tpu.memory_space<hbm>>
      %dma_wait3A_162 = arith.constant 0 : i32
      %dma_wait3A_163 = tpu.memref_slice %arg7[%arg0, %add3A_139, %dma_wait3A_162] : memref<2x10240x64xf32, #tpu.memory_space<hbm>> -> memref<1x128x64xf32, #tpu.memory_space<hbm>>
      %dma_wait3A_164 = tpu.memref_squeeze %dma_wait3A_163 : memref<1x128x64xf32, #tpu.memory_space<hbm>> -> memref<128x64xf32, #tpu.memory_space<hbm>>
      tpu.wait_dma2 semaphore(%run_scoped3A_152 : memref<!tpu.dma_semaphore, #tpu.memory_space<semaphore_mem>>) src(%arg9 : memref<128x64xf32, #tpu.memory_space<vmem>>) dst(%dma_wait3A_164 : memref<128x64xf32, #tpu.memory_space<hbm>>)
      tpu.yield
    }) : () -> ()
    %add3A_140 = arith.constant 512 : i32
    %add3A_141 = arith.addi %mul3A_0, %add3A_140 : i32
    "tpu.region"() ({
      %run_scoped3A_152 = tpu.sem_alloc : memref<!tpu.dma_semaphore, #tpu.memory_space<semaphore_mem>>
      %dma_start3A_153 = arith.constant 0 : i32
      %dma_start3A_154 = tpu.memref_slice %arg24[%add3A_141, %dma_start3A_153] : memref<10240x64xf32, #tpu.memory_space<vmem_shared>> -> memref<128x64xf32, #tpu.memory_space<vmem_shared>>
      %dma_start3A_155 = arith.constant 0 : i32
      %dma_start3A_156 = tpu.memref_slice %arg24[%add3A_141, %dma_start3A_155] : memref<10240x64xf32, #tpu.memory_space<vmem_shared>> -> memref<128x64xf32, #tpu.memory_space<vmem_shared>>
      tpu.enqueue_dma source(%dma_start3A_156 : memref<128x64xf32, #tpu.memory_space<vmem_shared>>) target(%arg9 : memref<128x64xf32, #tpu.memory_space<vmem>>) target_semaphore(%run_scoped3A_152 : memref<!tpu.dma_semaphore, #tpu.memory_space<semaphore_mem>>)
      %dma_wait3A_157 = arith.constant 0 : i32
      %dma_wait3A_158 = tpu.memref_slice %arg24[%add3A_141, %dma_wait3A_157] : memref<10240x64xf32, #tpu.memory_space<vmem_shared>> -> memref<128x64xf32, #tpu.memory_space<vmem_shared>>
      %dma_wait3A_159 = arith.constant 0 : i32
      %dma_wait3A_160 = tpu.memref_slice %arg24[%add3A_141, %dma_wait3A_159] : memref<10240x64xf32, #tpu.memory_space<vmem_shared>> -> memref<128x64xf32, #tpu.memory_space<vmem_shared>>
      tpu.wait_dma2 semaphore(%run_scoped3A_152 : memref<!tpu.dma_semaphore, #tpu.memory_space<semaphore_mem>>) src(%dma_wait3A_160 : memref<128x64xf32, #tpu.memory_space<vmem_shared>>) dst(%arg9 : memref<128x64xf32, #tpu.memory_space<vmem>>)
      tpu.yield
    }) : () -> ()
    "tpu.region"() ({
      %run_scoped3A_152 = tpu.sem_alloc : memref<!tpu.dma_semaphore, #tpu.memory_space<semaphore_mem>>
      %dma_start3A_153 = arith.constant 0 : i32
      %dma_start3A_154 = tpu.memref_slice %arg7[%arg0, %add3A_141, %dma_start3A_153] : memref<2x10240x64xf32, #tpu.memory_space<hbm>> -> memref<1x128x64xf32, #tpu.memory_space<hbm>>
      %dma_start3A_155 = tpu.memref_squeeze %dma_start3A_154 : memref<1x128x64xf32, #tpu.memory_space<hbm>> -> memref<128x64xf32, #tpu.memory_space<hbm>>
      %dma_start3A_156 = arith.constant 0 : i32
      %dma_start3A_157 = tpu.memref_slice %arg7[%arg0, %add3A_141, %dma_start3A_156] : memref<2x10240x64xf32, #tpu.memory_space<hbm>> -> memref<1x128x64xf32, #tpu.memory_space<hbm>>
      %dma_start3A_158 = tpu.memref_squeeze %dma_start3A_157 : memref<1x128x64xf32, #tpu.memory_space<hbm>> -> memref<128x64xf32, #tpu.memory_space<hbm>>
      tpu.enqueue_dma source(%arg9 : memref<128x64xf32, #tpu.memory_space<vmem>>) target(%dma_start3A_158 : memref<128x64xf32, #tpu.memory_space<hbm>>) target_semaphore(%run_scoped3A_152 : memref<!tpu.dma_semaphore, #tpu.memory_space<semaphore_mem>>)
      %dma_wait3A_159 = arith.constant 0 : i32
      %dma_wait3A_160 = tpu.memref_slice %arg7[%arg0, %add3A_141, %dma_wait3A_159] : memref<2x10240x64xf32, #tpu.memory_space<hbm>> -> memref<1x128x64xf32, #tpu.memory_space<hbm>>
      %dma_wait3A_161 = tpu.memref_squeeze %dma_wait3A_160 : memref<1x128x64xf32, #tpu.memory_space<hbm>> -> memref<128x64xf32, #tpu.memory_space<hbm>>
      %dma_wait3A_162 = arith.constant 0 : i32
      %dma_wait3A_163 = tpu.memref_slice %arg7[%arg0, %add3A_141, %dma_wait3A_162] : memref<2x10240x64xf32, #tpu.memory_space<hbm>> -> memref<1x128x64xf32, #tpu.memory_space<hbm>>
      %dma_wait3A_164 = tpu.memref_squeeze %dma_wait3A_163 : memref<1x128x64xf32, #tpu.memory_space<hbm>> -> memref<128x64xf32, #tpu.memory_space<hbm>>
      tpu.wait_dma2 semaphore(%run_scoped3A_152 : memref<!tpu.dma_semaphore, #tpu.memory_space<semaphore_mem>>) src(%arg9 : memref<128x64xf32, #tpu.memory_space<vmem>>) dst(%dma_wait3A_164 : memref<128x64xf32, #tpu.memory_space<hbm>>)
      tpu.yield
    }) : () -> ()
    %add3A_142 = arith.constant 0 : i32
    %add3A_143 = arith.addi %mul3A_0, %add3A_142 : i32
    "tpu.region"() ({
      %run_scoped3A_152 = tpu.sem_alloc : memref<!tpu.dma_semaphore, #tpu.memory_space<semaphore_mem>>
      %dma_start3A_153 = arith.constant 0 : i32
      %dma_start3A_154 = tpu.memref_slice %arg23[%add3A_143, %dma_start3A_153] : memref<10240x16xf32, #tpu.memory_space<vmem_shared>> -> memref<128x16xf32, #tpu.memory_space<vmem_shared>>
      %dma_start3A_155 = arith.constant 0 : i32
      %dma_start3A_156 = tpu.memref_slice %arg23[%add3A_143, %dma_start3A_155] : memref<10240x16xf32, #tpu.memory_space<vmem_shared>> -> memref<128x16xf32, #tpu.memory_space<vmem_shared>>
      tpu.enqueue_dma source(%dma_start3A_156 : memref<128x16xf32, #tpu.memory_space<vmem_shared>>) target(%arg22 : memref<128x16xf32, #tpu.memory_space<vmem>>) target_semaphore(%run_scoped3A_152 : memref<!tpu.dma_semaphore, #tpu.memory_space<semaphore_mem>>)
      %dma_wait3A_157 = arith.constant 0 : i32
      %dma_wait3A_158 = tpu.memref_slice %arg23[%add3A_143, %dma_wait3A_157] : memref<10240x16xf32, #tpu.memory_space<vmem_shared>> -> memref<128x16xf32, #tpu.memory_space<vmem_shared>>
      %dma_wait3A_159 = arith.constant 0 : i32
      %dma_wait3A_160 = tpu.memref_slice %arg23[%add3A_143, %dma_wait3A_159] : memref<10240x16xf32, #tpu.memory_space<vmem_shared>> -> memref<128x16xf32, #tpu.memory_space<vmem_shared>>
      tpu.wait_dma2 semaphore(%run_scoped3A_152 : memref<!tpu.dma_semaphore, #tpu.memory_space<semaphore_mem>>) src(%dma_wait3A_160 : memref<128x16xf32, #tpu.memory_space<vmem_shared>>) dst(%arg22 : memref<128x16xf32, #tpu.memory_space<vmem>>)
      tpu.yield
    }) : () -> ()
    "tpu.region"() ({
      %run_scoped3A_152 = tpu.sem_alloc : memref<!tpu.dma_semaphore, #tpu.memory_space<semaphore_mem>>
      %dma_start3A_153 = arith.constant 0 : i32
      %dma_start3A_154 = tpu.memref_slice %arg8[%arg0, %add3A_143, %dma_start3A_153] : memref<2x10240x16xf32, #tpu.memory_space<hbm>> -> memref<1x128x16xf32, #tpu.memory_space<hbm>>
      %dma_start3A_155 = tpu.memref_squeeze %dma_start3A_154 : memref<1x128x16xf32, #tpu.memory_space<hbm>> -> memref<128x16xf32, #tpu.memory_space<hbm>>
      %dma_start3A_156 = arith.constant 0 : i32
      %dma_start3A_157 = tpu.memref_slice %arg8[%arg0, %add3A_143, %dma_start3A_156] : memref<2x10240x16xf32, #tpu.memory_space<hbm>> -> memref<1x128x16xf32, #tpu.memory_space<hbm>>
      %dma_start3A_158 = tpu.memref_squeeze %dma_start3A_157 : memref<1x128x16xf32, #tpu.memory_space<hbm>> -> memref<128x16xf32, #tpu.memory_space<hbm>>
      tpu.enqueue_dma source(%arg22 : memref<128x16xf32, #tpu.memory_space<vmem>>) target(%dma_start3A_158 : memref<128x16xf32, #tpu.memory_space<hbm>>) target_semaphore(%run_scoped3A_152 : memref<!tpu.dma_semaphore, #tpu.memory_space<semaphore_mem>>)
      %dma_wait3A_159 = arith.constant 0 : i32
      %dma_wait3A_160 = tpu.memref_slice %arg8[%arg0, %add3A_143, %dma_wait3A_159] : memref<2x10240x16xf32, #tpu.memory_space<hbm>> -> memref<1x128x16xf32, #tpu.memory_space<hbm>>
      %dma_wait3A_161 = tpu.memref_squeeze %dma_wait3A_160 : memref<1x128x16xf32, #tpu.memory_space<hbm>> -> memref<128x16xf32, #tpu.memory_space<hbm>>
      %dma_wait3A_162 = arith.constant 0 : i32
      %dma_wait3A_163 = tpu.memref_slice %arg8[%arg0, %add3A_143, %dma_wait3A_162] : memref<2x10240x16xf32, #tpu.memory_space<hbm>> -> memref<1x128x16xf32, #tpu.memory_space<hbm>>
      %dma_wait3A_164 = tpu.memref_squeeze %dma_wait3A_163 : memref<1x128x16xf32, #tpu.memory_space<hbm>> -> memref<128x16xf32, #tpu.memory_space<hbm>>
      tpu.wait_dma2 semaphore(%run_scoped3A_152 : memref<!tpu.dma_semaphore, #tpu.memory_space<semaphore_mem>>) src(%arg22 : memref<128x16xf32, #tpu.memory_space<vmem>>) dst(%dma_wait3A_164 : memref<128x16xf32, #tpu.memory_space<hbm>>)
      tpu.yield
    }) : () -> ()
    %add3A_144 = arith.constant 128 : i32
    %add3A_145 = arith.addi %mul3A_0, %add3A_144 : i32
    "tpu.region"() ({
      %run_scoped3A_152 = tpu.sem_alloc : memref<!tpu.dma_semaphore, #tpu.memory_space<semaphore_mem>>
      %dma_start3A_153 = arith.constant 0 : i32
      %dma_start3A_154 = tpu.memref_slice %arg23[%add3A_145, %dma_start3A_153] : memref<10240x16xf32, #tpu.memory_space<vmem_shared>> -> memref<128x16xf32, #tpu.memory_space<vmem_shared>>
      %dma_start3A_155 = arith.constant 0 : i32
      %dma_start3A_156 = tpu.memref_slice %arg23[%add3A_145, %dma_start3A_155] : memref<10240x16xf32, #tpu.memory_space<vmem_shared>> -> memref<128x16xf32, #tpu.memory_space<vmem_shared>>
      tpu.enqueue_dma source(%dma_start3A_156 : memref<128x16xf32, #tpu.memory_space<vmem_shared>>) target(%arg22 : memref<128x16xf32, #tpu.memory_space<vmem>>) target_semaphore(%run_scoped3A_152 : memref<!tpu.dma_semaphore, #tpu.memory_space<semaphore_mem>>)
      %dma_wait3A_157 = arith.constant 0 : i32
      %dma_wait3A_158 = tpu.memref_slice %arg23[%add3A_145, %dma_wait3A_157] : memref<10240x16xf32, #tpu.memory_space<vmem_shared>> -> memref<128x16xf32, #tpu.memory_space<vmem_shared>>
      %dma_wait3A_159 = arith.constant 0 : i32
      %dma_wait3A_160 = tpu.memref_slice %arg23[%add3A_145, %dma_wait3A_159] : memref<10240x16xf32, #tpu.memory_space<vmem_shared>> -> memref<128x16xf32, #tpu.memory_space<vmem_shared>>
      tpu.wait_dma2 semaphore(%run_scoped3A_152 : memref<!tpu.dma_semaphore, #tpu.memory_space<semaphore_mem>>) src(%dma_wait3A_160 : memref<128x16xf32, #tpu.memory_space<vmem_shared>>) dst(%arg22 : memref<128x16xf32, #tpu.memory_space<vmem>>)
      tpu.yield
    }) : () -> ()
    "tpu.region"() ({
      %run_scoped3A_152 = tpu.sem_alloc : memref<!tpu.dma_semaphore, #tpu.memory_space<semaphore_mem>>
      %dma_start3A_153 = arith.constant 0 : i32
      %dma_start3A_154 = tpu.memref_slice %arg8[%arg0, %add3A_145, %dma_start3A_153] : memref<2x10240x16xf32, #tpu.memory_space<hbm>> -> memref<1x128x16xf32, #tpu.memory_space<hbm>>
      %dma_start3A_155 = tpu.memref_squeeze %dma_start3A_154 : memref<1x128x16xf32, #tpu.memory_space<hbm>> -> memref<128x16xf32, #tpu.memory_space<hbm>>
      %dma_start3A_156 = arith.constant 0 : i32
      %dma_start3A_157 = tpu.memref_slice %arg8[%arg0, %add3A_145, %dma_start3A_156] : memref<2x10240x16xf32, #tpu.memory_space<hbm>> -> memref<1x128x16xf32, #tpu.memory_space<hbm>>
      %dma_start3A_158 = tpu.memref_squeeze %dma_start3A_157 : memref<1x128x16xf32, #tpu.memory_space<hbm>> -> memref<128x16xf32, #tpu.memory_space<hbm>>
      tpu.enqueue_dma source(%arg22 : memref<128x16xf32, #tpu.memory_space<vmem>>) target(%dma_start3A_158 : memref<128x16xf32, #tpu.memory_space<hbm>>) target_semaphore(%run_scoped3A_152 : memref<!tpu.dma_semaphore, #tpu.memory_space<semaphore_mem>>)
      %dma_wait3A_159 = arith.constant 0 : i32
      %dma_wait3A_160 = tpu.memref_slice %arg8[%arg0, %add3A_145, %dma_wait3A_159] : memref<2x10240x16xf32, #tpu.memory_space<hbm>> -> memref<1x128x16xf32, #tpu.memory_space<hbm>>
      %dma_wait3A_161 = tpu.memref_squeeze %dma_wait3A_160 : memref<1x128x16xf32, #tpu.memory_space<hbm>> -> memref<128x16xf32, #tpu.memory_space<hbm>>
      %dma_wait3A_162 = arith.constant 0 : i32
      %dma_wait3A_163 = tpu.memref_slice %arg8[%arg0, %add3A_145, %dma_wait3A_162] : memref<2x10240x16xf32, #tpu.memory_space<hbm>> -> memref<1x128x16xf32, #tpu.memory_space<hbm>>
      %dma_wait3A_164 = tpu.memref_squeeze %dma_wait3A_163 : memref<1x128x16xf32, #tpu.memory_space<hbm>> -> memref<128x16xf32, #tpu.memory_space<hbm>>
      tpu.wait_dma2 semaphore(%run_scoped3A_152 : memref<!tpu.dma_semaphore, #tpu.memory_space<semaphore_mem>>) src(%arg22 : memref<128x16xf32, #tpu.memory_space<vmem>>) dst(%dma_wait3A_164 : memref<128x16xf32, #tpu.memory_space<hbm>>)
      tpu.yield
    }) : () -> ()
    %add3A_146 = arith.constant 256 : i32
    %add3A_147 = arith.addi %mul3A_0, %add3A_146 : i32
    "tpu.region"() ({
      %run_scoped3A_152 = tpu.sem_alloc : memref<!tpu.dma_semaphore, #tpu.memory_space<semaphore_mem>>
      %dma_start3A_153 = arith.constant 0 : i32
      %dma_start3A_154 = tpu.memref_slice %arg23[%add3A_147, %dma_start3A_153] : memref<10240x16xf32, #tpu.memory_space<vmem_shared>> -> memref<128x16xf32, #tpu.memory_space<vmem_shared>>
      %dma_start3A_155 = arith.constant 0 : i32
      %dma_start3A_156 = tpu.memref_slice %arg23[%add3A_147, %dma_start3A_155] : memref<10240x16xf32, #tpu.memory_space<vmem_shared>> -> memref<128x16xf32, #tpu.memory_space<vmem_shared>>
      tpu.enqueue_dma source(%dma_start3A_156 : memref<128x16xf32, #tpu.memory_space<vmem_shared>>) target(%arg22 : memref<128x16xf32, #tpu.memory_space<vmem>>) target_semaphore(%run_scoped3A_152 : memref<!tpu.dma_semaphore, #tpu.memory_space<semaphore_mem>>)
      %dma_wait3A_157 = arith.constant 0 : i32
      %dma_wait3A_158 = tpu.memref_slice %arg23[%add3A_147, %dma_wait3A_157] : memref<10240x16xf32, #tpu.memory_space<vmem_shared>> -> memref<128x16xf32, #tpu.memory_space<vmem_shared>>
      %dma_wait3A_159 = arith.constant 0 : i32
      %dma_wait3A_160 = tpu.memref_slice %arg23[%add3A_147, %dma_wait3A_159] : memref<10240x16xf32, #tpu.memory_space<vmem_shared>> -> memref<128x16xf32, #tpu.memory_space<vmem_shared>>
      tpu.wait_dma2 semaphore(%run_scoped3A_152 : memref<!tpu.dma_semaphore, #tpu.memory_space<semaphore_mem>>) src(%dma_wait3A_160 : memref<128x16xf32, #tpu.memory_space<vmem_shared>>) dst(%arg22 : memref<128x16xf32, #tpu.memory_space<vmem>>)
      tpu.yield
    }) : () -> ()
    "tpu.region"() ({
      %run_scoped3A_152 = tpu.sem_alloc : memref<!tpu.dma_semaphore, #tpu.memory_space<semaphore_mem>>
      %dma_start3A_153 = arith.constant 0 : i32
      %dma_start3A_154 = tpu.memref_slice %arg8[%arg0, %add3A_147, %dma_start3A_153] : memref<2x10240x16xf32, #tpu.memory_space<hbm>> -> memref<1x128x16xf32, #tpu.memory_space<hbm>>
      %dma_start3A_155 = tpu.memref_squeeze %dma_start3A_154 : memref<1x128x16xf32, #tpu.memory_space<hbm>> -> memref<128x16xf32, #tpu.memory_space<hbm>>
      %dma_start3A_156 = arith.constant 0 : i32
      %dma_start3A_157 = tpu.memref_slice %arg8[%arg0, %add3A_147, %dma_start3A_156] : memref<2x10240x16xf32, #tpu.memory_space<hbm>> -> memref<1x128x16xf32, #tpu.memory_space<hbm>>
      %dma_start3A_158 = tpu.memref_squeeze %dma_start3A_157 : memref<1x128x16xf32, #tpu.memory_space<hbm>> -> memref<128x16xf32, #tpu.memory_space<hbm>>
      tpu.enqueue_dma source(%arg22 : memref<128x16xf32, #tpu.memory_space<vmem>>) target(%dma_start3A_158 : memref<128x16xf32, #tpu.memory_space<hbm>>) target_semaphore(%run_scoped3A_152 : memref<!tpu.dma_semaphore, #tpu.memory_space<semaphore_mem>>)
      %dma_wait3A_159 = arith.constant 0 : i32
      %dma_wait3A_160 = tpu.memref_slice %arg8[%arg0, %add3A_147, %dma_wait3A_159] : memref<2x10240x16xf32, #tpu.memory_space<hbm>> -> memref<1x128x16xf32, #tpu.memory_space<hbm>>
      %dma_wait3A_161 = tpu.memref_squeeze %dma_wait3A_160 : memref<1x128x16xf32, #tpu.memory_space<hbm>> -> memref<128x16xf32, #tpu.memory_space<hbm>>
      %dma_wait3A_162 = arith.constant 0 : i32
      %dma_wait3A_163 = tpu.memref_slice %arg8[%arg0, %add3A_147, %dma_wait3A_162] : memref<2x10240x16xf32, #tpu.memory_space<hbm>> -> memref<1x128x16xf32, #tpu.memory_space<hbm>>
      %dma_wait3A_164 = tpu.memref_squeeze %dma_wait3A_163 : memref<1x128x16xf32, #tpu.memory_space<hbm>> -> memref<128x16xf32, #tpu.memory_space<hbm>>
      tpu.wait_dma2 semaphore(%run_scoped3A_152 : memref<!tpu.dma_semaphore, #tpu.memory_space<semaphore_mem>>) src(%arg22 : memref<128x16xf32, #tpu.memory_space<vmem>>) dst(%dma_wait3A_164 : memref<128x16xf32, #tpu.memory_space<hbm>>)
      tpu.yield
    }) : () -> ()
    %add3A_148 = arith.constant 384 : i32
    %add3A_149 = arith.addi %mul3A_0, %add3A_148 : i32
    "tpu.region"() ({
      %run_scoped3A_152 = tpu.sem_alloc : memref<!tpu.dma_semaphore, #tpu.memory_space<semaphore_mem>>
      %dma_start3A_153 = arith.constant 0 : i32
      %dma_start3A_154 = tpu.memref_slice %arg23[%add3A_149, %dma_start3A_153] : memref<10240x16xf32, #tpu.memory_space<vmem_shared>> -> memref<128x16xf32, #tpu.memory_space<vmem_shared>>
      %dma_start3A_155 = arith.constant 0 : i32
      %dma_start3A_156 = tpu.memref_slice %arg23[%add3A_149, %dma_start3A_155] : memref<10240x16xf32, #tpu.memory_space<vmem_shared>> -> memref<128x16xf32, #tpu.memory_space<vmem_shared>>
      tpu.enqueue_dma source(%dma_start3A_156 : memref<128x16xf32, #tpu.memory_space<vmem_shared>>) target(%arg22 : memref<128x16xf32, #tpu.memory_space<vmem>>) target_semaphore(%run_scoped3A_152 : memref<!tpu.dma_semaphore, #tpu.memory_space<semaphore_mem>>)
      %dma_wait3A_157 = arith.constant 0 : i32
      %dma_wait3A_158 = tpu.memref_slice %arg23[%add3A_149, %dma_wait3A_157] : memref<10240x16xf32, #tpu.memory_space<vmem_shared>> -> memref<128x16xf32, #tpu.memory_space<vmem_shared>>
      %dma_wait3A_159 = arith.constant 0 : i32
      %dma_wait3A_160 = tpu.memref_slice %arg23[%add3A_149, %dma_wait3A_159] : memref<10240x16xf32, #tpu.memory_space<vmem_shared>> -> memref<128x16xf32, #tpu.memory_space<vmem_shared>>
      tpu.wait_dma2 semaphore(%run_scoped3A_152 : memref<!tpu.dma_semaphore, #tpu.memory_space<semaphore_mem>>) src(%dma_wait3A_160 : memref<128x16xf32, #tpu.memory_space<vmem_shared>>) dst(%arg22 : memref<128x16xf32, #tpu.memory_space<vmem>>)
      tpu.yield
    }) : () -> ()
    "tpu.region"() ({
      %run_scoped3A_152 = tpu.sem_alloc : memref<!tpu.dma_semaphore, #tpu.memory_space<semaphore_mem>>
      %dma_start3A_153 = arith.constant 0 : i32
      %dma_start3A_154 = tpu.memref_slice %arg8[%arg0, %add3A_149, %dma_start3A_153] : memref<2x10240x16xf32, #tpu.memory_space<hbm>> -> memref<1x128x16xf32, #tpu.memory_space<hbm>>
      %dma_start3A_155 = tpu.memref_squeeze %dma_start3A_154 : memref<1x128x16xf32, #tpu.memory_space<hbm>> -> memref<128x16xf32, #tpu.memory_space<hbm>>
      %dma_start3A_156 = arith.constant 0 : i32
      %dma_start3A_157 = tpu.memref_slice %arg8[%arg0, %add3A_149, %dma_start3A_156] : memref<2x10240x16xf32, #tpu.memory_space<hbm>> -> memref<1x128x16xf32, #tpu.memory_space<hbm>>
      %dma_start3A_158 = tpu.memref_squeeze %dma_start3A_157 : memref<1x128x16xf32, #tpu.memory_space<hbm>> -> memref<128x16xf32, #tpu.memory_space<hbm>>
      tpu.enqueue_dma source(%arg22 : memref<128x16xf32, #tpu.memory_space<vmem>>) target(%dma_start3A_158 : memref<128x16xf32, #tpu.memory_space<hbm>>) target_semaphore(%run_scoped3A_152 : memref<!tpu.dma_semaphore, #tpu.memory_space<semaphore_mem>>)
      %dma_wait3A_159 = arith.constant 0 : i32
      %dma_wait3A_160 = tpu.memref_slice %arg8[%arg0, %add3A_149, %dma_wait3A_159] : memref<2x10240x16xf32, #tpu.memory_space<hbm>> -> memref<1x128x16xf32, #tpu.memory_space<hbm>>
      %dma_wait3A_161 = tpu.memref_squeeze %dma_wait3A_160 : memref<1x128x16xf32, #tpu.memory_space<hbm>> -> memref<128x16xf32, #tpu.memory_space<hbm>>
      %dma_wait3A_162 = arith.constant 0 : i32
      %dma_wait3A_163 = tpu.memref_slice %arg8[%arg0, %add3A_149, %dma_wait3A_162] : memref<2x10240x16xf32, #tpu.memory_space<hbm>> -> memref<1x128x16xf32, #tpu.memory_space<hbm>>
      %dma_wait3A_164 = tpu.memref_squeeze %dma_wait3A_163 : memref<1x128x16xf32, #tpu.memory_space<hbm>> -> memref<128x16xf32, #tpu.memory_space<hbm>>
      tpu.wait_dma2 semaphore(%run_scoped3A_152 : memref<!tpu.dma_semaphore, #tpu.memory_space<semaphore_mem>>) src(%arg22 : memref<128x16xf32, #tpu.memory_space<vmem>>) dst(%dma_wait3A_164 : memref<128x16xf32, #tpu.memory_space<hbm>>)
      tpu.yield
    }) : () -> ()
    %add3A_150 = arith.constant 512 : i32
    %add3A_151 = arith.addi %mul3A_0, %add3A_150 : i32
    "tpu.region"() ({
      %run_scoped3A_152 = tpu.sem_alloc : memref<!tpu.dma_semaphore, #tpu.memory_space<semaphore_mem>>
      %dma_start3A_153 = arith.constant 0 : i32
      %dma_start3A_154 = tpu.memref_slice %arg23[%add3A_151, %dma_start3A_153] : memref<10240x16xf32, #tpu.memory_space<vmem_shared>> -> memref<128x16xf32, #tpu.memory_space<vmem_shared>>
      %dma_start3A_155 = arith.constant 0 : i32
      %dma_start3A_156 = tpu.memref_slice %arg23[%add3A_151, %dma_start3A_155] : memref<10240x16xf32, #tpu.memory_space<vmem_shared>> -> memref<128x16xf32, #tpu.memory_space<vmem_shared>>
      tpu.enqueue_dma source(%dma_start3A_156 : memref<128x16xf32, #tpu.memory_space<vmem_shared>>) target(%arg22 : memref<128x16xf32, #tpu.memory_space<vmem>>) target_semaphore(%run_scoped3A_152 : memref<!tpu.dma_semaphore, #tpu.memory_space<semaphore_mem>>)
      %dma_wait3A_157 = arith.constant 0 : i32
      %dma_wait3A_158 = tpu.memref_slice %arg23[%add3A_151, %dma_wait3A_157] : memref<10240x16xf32, #tpu.memory_space<vmem_shared>> -> memref<128x16xf32, #tpu.memory_space<vmem_shared>>
      %dma_wait3A_159 = arith.constant 0 : i32
      %dma_wait3A_160 = tpu.memref_slice %arg23[%add3A_151, %dma_wait3A_159] : memref<10240x16xf32, #tpu.memory_space<vmem_shared>> -> memref<128x16xf32, #tpu.memory_space<vmem_shared>>
      tpu.wait_dma2 semaphore(%run_scoped3A_152 : memref<!tpu.dma_semaphore, #tpu.memory_space<semaphore_mem>>) src(%dma_wait3A_160 : memref<128x16xf32, #tpu.memory_space<vmem_shared>>) dst(%arg22 : memref<128x16xf32, #tpu.memory_space<vmem>>)
      tpu.yield
    }) : () -> ()
    "tpu.region"() ({
      %run_scoped3A_152 = tpu.sem_alloc : memref<!tpu.dma_semaphore, #tpu.memory_space<semaphore_mem>>
      %dma_start3A_153 = arith.constant 0 : i32
      %dma_start3A_154 = tpu.memref_slice %arg8[%arg0, %add3A_151, %dma_start3A_153] : memref<2x10240x16xf32, #tpu.memory_space<hbm>> -> memref<1x128x16xf32, #tpu.memory_space<hbm>>
      %dma_start3A_155 = tpu.memref_squeeze %dma_start3A_154 : memref<1x128x16xf32, #tpu.memory_space<hbm>> -> memref<128x16xf32, #tpu.memory_space<hbm>>
      %dma_start3A_156 = arith.constant 0 : i32
      %dma_start3A_157 = tpu.memref_slice %arg8[%arg0, %add3A_151, %dma_start3A_156] : memref<2x10240x16xf32, #tpu.memory_space<hbm>> -> memref<1x128x16xf32, #tpu.memory_space<hbm>>
      %dma_start3A_158 = tpu.memref_squeeze %dma_start3A_157 : memref<1x128x16xf32, #tpu.memory_space<hbm>> -> memref<128x16xf32, #tpu.memory_space<hbm>>
      tpu.enqueue_dma source(%arg22 : memref<128x16xf32, #tpu.memory_space<vmem>>) target(%dma_start3A_158 : memref<128x16xf32, #tpu.memory_space<hbm>>) target_semaphore(%run_scoped3A_152 : memref<!tpu.dma_semaphore, #tpu.memory_space<semaphore_mem>>)
      %dma_wait3A_159 = arith.constant 0 : i32
      %dma_wait3A_160 = tpu.memref_slice %arg8[%arg0, %add3A_151, %dma_wait3A_159] : memref<2x10240x16xf32, #tpu.memory_space<hbm>> -> memref<1x128x16xf32, #tpu.memory_space<hbm>>
      %dma_wait3A_161 = tpu.memref_squeeze %dma_wait3A_160 : memref<1x128x16xf32, #tpu.memory_space<hbm>> -> memref<128x16xf32, #tpu.memory_space<hbm>>
      %dma_wait3A_162 = arith.constant 0 : i32
      %dma_wait3A_163 = tpu.memref_slice %arg8[%arg0, %add3A_151, %dma_wait3A_162] : memref<2x10240x16xf32, #tpu.memory_space<hbm>> -> memref<1x128x16xf32, #tpu.memory_space<hbm>>
      %dma_wait3A_164 = tpu.memref_squeeze %dma_wait3A_163 : memref<1x128x16xf32, #tpu.memory_space<hbm>> -> memref<128x16xf32, #tpu.memory_space<hbm>>
      tpu.wait_dma2 semaphore(%run_scoped3A_152 : memref<!tpu.dma_semaphore, #tpu.memory_space<semaphore_mem>>) src(%arg22 : memref<128x16xf32, #tpu.memory_space<vmem>>) dst(%dma_wait3A_164 : memref<128x16xf32, #tpu.memory_space<hbm>>)
      tpu.yield
    }) : () -> ()
    return
  }
}

#map = affine_map<(d0, d1) -> (0, 0, 0)>
#map1 = affine_map<(d0, d1) -> (0, 0, 0, 0)>
#map2 = affine_map<(d0, d1) -> (0, 0)>
module attributes {stable_mosaic.version = 14 : i64} {
  func.func @body(%arg0: i32, %arg1: i32, %arg2: memref<2x10000x64xf32, #tpu.memory_space<hbm>>, %arg3: memref<16x162x2x128xi32, #tpu.memory_space<hbm>>, %arg4: memref<128x64xf32, #tpu.memory_space<hbm>>, %arg5: memref<128x16xf32, #tpu.memory_space<hbm>>, %arg6: memref<128x16xf32, #tpu.memory_space<hbm>>, %arg7: memref<2x10240x64xf32, #tpu.memory_space<hbm>>, %arg8: memref<128x64xf32, #tpu.memory_space<vmem>>, %arg9: memref<128x64xf32, #tpu.memory_space<vmem>>, %arg10: memref<128x64xf32, #tpu.memory_space<vmem>>, %arg11: memref<2x128xi32, #tpu.memory_space<vmem>>, %arg12: memref<2x128xi32, #tpu.memory_space<vmem>>, %arg13: memref<2x128xi32, #tpu.memory_space<vmem>>, %arg14: memref<!tpu.dma_semaphore, #tpu.memory_space<semaphore_mem>>, %arg15: memref<!tpu.dma_semaphore, #tpu.memory_space<semaphore_mem>>, %arg16: memref<!tpu.dma_semaphore, #tpu.memory_space<semaphore_mem>>, %arg17: memref<!tpu.dma_semaphore, #tpu.memory_space<semaphore_mem>>, %arg18: memref<!tpu.dma_semaphore, #tpu.memory_space<semaphore_mem>>, %arg19: memref<!tpu.dma_semaphore, #tpu.memory_space<semaphore_mem>>, %arg20: memref<10240x64xf32, #tpu.memory_space<vmem_shared>>, %arg21: memref<10000x64xf32, #tpu.memory_space<vmem_shared>>) attributes {dimension_semantics = [#tpu.dimension_semantics<core_parallel>, #tpu.dimension_semantics<subcore_parallel>], iteration_bounds = array<i64: 2, 16>, scalar_prefetch = 0 : i64, scratch_operands = 14 : i64, tpu.core_type = #tpu.core_type<sc_vector_subcore>, window_params = [{transform_indices = #map}, {transform_indices = #map1}, {transform_indices = #map2}, {transform_indices = #map2}, {transform_indices = #map2}, {transform_indices = #map}]} {
    %mul3A = arith.constant 640 : i32
    %mul3A_0 = arith.muli %arg1, %mul3A : i32
    %mul3A_1 = arith.constant 625 : i32
    %mul3A_2 = arith.muli %arg1, %mul3A_1 : i32
    "tpu.region"() ({
      %run_scoped3A_102 = tpu.sem_alloc : memref<!tpu.dma_semaphore, #tpu.memory_space<semaphore_mem>>
      %dma_start3A_103 = arith.constant 0 : i32
      %dma_start3A_104 = tpu.memref_slice %arg21[%mul3A_2, %dma_start3A_103] : memref<10000x64xf32, #tpu.memory_space<vmem_shared>> -> memref<625x64xf32, #tpu.memory_space<vmem_shared>>
      %dma_start3A_105 = arith.constant 0 : i32
      %dma_start3A_106 = tpu.memref_slice %arg2[%arg0, %mul3A_2, %dma_start3A_105] : memref<2x10000x64xf32, #tpu.memory_space<hbm>> -> memref<1x625x64xf32, #tpu.memory_space<hbm>>
      %dma_start3A_107 = tpu.memref_squeeze %dma_start3A_106 : memref<1x625x64xf32, #tpu.memory_space<hbm>> -> memref<625x64xf32, #tpu.memory_space<hbm>>
      tpu.enqueue_dma source(%dma_start3A_107 : memref<625x64xf32, #tpu.memory_space<hbm>>) target(%dma_start3A_104 : memref<625x64xf32, #tpu.memory_space<vmem_shared>>) target_semaphore(%run_scoped3A_102 : memref<!tpu.dma_semaphore, #tpu.memory_space<semaphore_mem>>)
      %dma_wait3A_108 = arith.constant 0 : i32
      %dma_wait3A_109 = tpu.memref_slice %arg21[%mul3A_2, %dma_wait3A_108] : memref<10000x64xf32, #tpu.memory_space<vmem_shared>> -> memref<625x64xf32, #tpu.memory_space<vmem_shared>>
      %dma_wait3A_110 = arith.constant 0 : i32
      %dma_wait3A_111 = tpu.memref_slice %arg2[%arg0, %mul3A_2, %dma_wait3A_110] : memref<2x10000x64xf32, #tpu.memory_space<hbm>> -> memref<1x625x64xf32, #tpu.memory_space<hbm>>
      %dma_wait3A_112 = tpu.memref_squeeze %dma_wait3A_111 : memref<1x625x64xf32, #tpu.memory_space<hbm>> -> memref<625x64xf32, #tpu.memory_space<hbm>>
      tpu.wait_dma2 semaphore(%run_scoped3A_102 : memref<!tpu.dma_semaphore, #tpu.memory_space<semaphore_mem>>) src(%dma_wait3A_112 : memref<625x64xf32, #tpu.memory_space<hbm>>) dst(%dma_wait3A_109 : memref<625x64xf32, #tpu.memory_space<vmem_shared>>)
      tpu.yield
    }) : () -> ()
    "tpu.region"() ({
      %run_scoped3A_102 = tpu.sem_alloc : memref<!tpu.dma_semaphore, #tpu.memory_space<semaphore_mem>>
      tpu.enqueue_dma source(%arg4 : memref<128x64xf32, #tpu.memory_space<hbm>>) target(%arg8 : memref<128x64xf32, #tpu.memory_space<vmem>>) target_semaphore(%run_scoped3A_102 : memref<!tpu.dma_semaphore, #tpu.memory_space<semaphore_mem>>)
      tpu.wait_dma2 semaphore(%run_scoped3A_102 : memref<!tpu.dma_semaphore, #tpu.memory_space<semaphore_mem>>) src(%arg4 : memref<128x64xf32, #tpu.memory_space<hbm>>) dst(%arg8 : memref<128x64xf32, #tpu.memory_space<vmem>>)
      tpu.yield
    }) : () -> ()
    %add3A = arith.constant 0 : i32
    %add3A_3 = arith.addi %mul3A_0, %add3A : i32
    "tpu.region"() ({
      %run_scoped3A_102 = tpu.sem_alloc : memref<!tpu.dma_semaphore, #tpu.memory_space<semaphore_mem>>
      %dma_start3A_103 = arith.constant 0 : i32
      %dma_start3A_104 = tpu.memref_slice %arg20[%add3A_3, %dma_start3A_103] : memref<10240x64xf32, #tpu.memory_space<vmem_shared>> -> memref<128x64xf32, #tpu.memory_space<vmem_shared>>
      %dma_start3A_105 = arith.constant 0 : i32
      %dma_start3A_106 = tpu.memref_slice %arg20[%add3A_3, %dma_start3A_105] : memref<10240x64xf32, #tpu.memory_space<vmem_shared>> -> memref<128x64xf32, #tpu.memory_space<vmem_shared>>
      tpu.enqueue_dma source(%arg8 : memref<128x64xf32, #tpu.memory_space<vmem>>) target(%dma_start3A_106 : memref<128x64xf32, #tpu.memory_space<vmem_shared>>) target_semaphore(%run_scoped3A_102 : memref<!tpu.dma_semaphore, #tpu.memory_space<semaphore_mem>>)
      %dma_wait3A_107 = arith.constant 0 : i32
      %dma_wait3A_108 = tpu.memref_slice %arg20[%add3A_3, %dma_wait3A_107] : memref<10240x64xf32, #tpu.memory_space<vmem_shared>> -> memref<128x64xf32, #tpu.memory_space<vmem_shared>>
      %dma_wait3A_109 = arith.constant 0 : i32
      %dma_wait3A_110 = tpu.memref_slice %arg20[%add3A_3, %dma_wait3A_109] : memref<10240x64xf32, #tpu.memory_space<vmem_shared>> -> memref<128x64xf32, #tpu.memory_space<vmem_shared>>
      tpu.wait_dma2 semaphore(%run_scoped3A_102 : memref<!tpu.dma_semaphore, #tpu.memory_space<semaphore_mem>>) src(%arg8 : memref<128x64xf32, #tpu.memory_space<vmem>>) dst(%dma_wait3A_110 : memref<128x64xf32, #tpu.memory_space<vmem_shared>>)
      tpu.yield
    }) : () -> ()
    %add3A_4 = arith.constant 128 : i32
    %add3A_5 = arith.addi %mul3A_0, %add3A_4 : i32
    "tpu.region"() ({
      %run_scoped3A_102 = tpu.sem_alloc : memref<!tpu.dma_semaphore, #tpu.memory_space<semaphore_mem>>
      %dma_start3A_103 = arith.constant 0 : i32
      %dma_start3A_104 = tpu.memref_slice %arg20[%add3A_5, %dma_start3A_103] : memref<10240x64xf32, #tpu.memory_space<vmem_shared>> -> memref<128x64xf32, #tpu.memory_space<vmem_shared>>
      %dma_start3A_105 = arith.constant 0 : i32
      %dma_start3A_106 = tpu.memref_slice %arg20[%add3A_5, %dma_start3A_105] : memref<10240x64xf32, #tpu.memory_space<vmem_shared>> -> memref<128x64xf32, #tpu.memory_space<vmem_shared>>
      tpu.enqueue_dma source(%arg8 : memref<128x64xf32, #tpu.memory_space<vmem>>) target(%dma_start3A_106 : memref<128x64xf32, #tpu.memory_space<vmem_shared>>) target_semaphore(%run_scoped3A_102 : memref<!tpu.dma_semaphore, #tpu.memory_space<semaphore_mem>>)
      %dma_wait3A_107 = arith.constant 0 : i32
      %dma_wait3A_108 = tpu.memref_slice %arg20[%add3A_5, %dma_wait3A_107] : memref<10240x64xf32, #tpu.memory_space<vmem_shared>> -> memref<128x64xf32, #tpu.memory_space<vmem_shared>>
      %dma_wait3A_109 = arith.constant 0 : i32
      %dma_wait3A_110 = tpu.memref_slice %arg20[%add3A_5, %dma_wait3A_109] : memref<10240x64xf32, #tpu.memory_space<vmem_shared>> -> memref<128x64xf32, #tpu.memory_space<vmem_shared>>
      tpu.wait_dma2 semaphore(%run_scoped3A_102 : memref<!tpu.dma_semaphore, #tpu.memory_space<semaphore_mem>>) src(%arg8 : memref<128x64xf32, #tpu.memory_space<vmem>>) dst(%dma_wait3A_110 : memref<128x64xf32, #tpu.memory_space<vmem_shared>>)
      tpu.yield
    }) : () -> ()
    %add3A_6 = arith.constant 256 : i32
    %add3A_7 = arith.addi %mul3A_0, %add3A_6 : i32
    "tpu.region"() ({
      %run_scoped3A_102 = tpu.sem_alloc : memref<!tpu.dma_semaphore, #tpu.memory_space<semaphore_mem>>
      %dma_start3A_103 = arith.constant 0 : i32
      %dma_start3A_104 = tpu.memref_slice %arg20[%add3A_7, %dma_start3A_103] : memref<10240x64xf32, #tpu.memory_space<vmem_shared>> -> memref<128x64xf32, #tpu.memory_space<vmem_shared>>
      %dma_start3A_105 = arith.constant 0 : i32
      %dma_start3A_106 = tpu.memref_slice %arg20[%add3A_7, %dma_start3A_105] : memref<10240x64xf32, #tpu.memory_space<vmem_shared>> -> memref<128x64xf32, #tpu.memory_space<vmem_shared>>
      tpu.enqueue_dma source(%arg8 : memref<128x64xf32, #tpu.memory_space<vmem>>) target(%dma_start3A_106 : memref<128x64xf32, #tpu.memory_space<vmem_shared>>) target_semaphore(%run_scoped3A_102 : memref<!tpu.dma_semaphore, #tpu.memory_space<semaphore_mem>>)
      %dma_wait3A_107 = arith.constant 0 : i32
      %dma_wait3A_108 = tpu.memref_slice %arg20[%add3A_7, %dma_wait3A_107] : memref<10240x64xf32, #tpu.memory_space<vmem_shared>> -> memref<128x64xf32, #tpu.memory_space<vmem_shared>>
      %dma_wait3A_109 = arith.constant 0 : i32
      %dma_wait3A_110 = tpu.memref_slice %arg20[%add3A_7, %dma_wait3A_109] : memref<10240x64xf32, #tpu.memory_space<vmem_shared>> -> memref<128x64xf32, #tpu.memory_space<vmem_shared>>
      tpu.wait_dma2 semaphore(%run_scoped3A_102 : memref<!tpu.dma_semaphore, #tpu.memory_space<semaphore_mem>>) src(%arg8 : memref<128x64xf32, #tpu.memory_space<vmem>>) dst(%dma_wait3A_110 : memref<128x64xf32, #tpu.memory_space<vmem_shared>>)
      tpu.yield
    }) : () -> ()
    %add3A_8 = arith.constant 384 : i32
    %add3A_9 = arith.addi %mul3A_0, %add3A_8 : i32
    "tpu.region"() ({
      %run_scoped3A_102 = tpu.sem_alloc : memref<!tpu.dma_semaphore, #tpu.memory_space<semaphore_mem>>
      %dma_start3A_103 = arith.constant 0 : i32
      %dma_start3A_104 = tpu.memref_slice %arg20[%add3A_9, %dma_start3A_103] : memref<10240x64xf32, #tpu.memory_space<vmem_shared>> -> memref<128x64xf32, #tpu.memory_space<vmem_shared>>
      %dma_start3A_105 = arith.constant 0 : i32
      %dma_start3A_106 = tpu.memref_slice %arg20[%add3A_9, %dma_start3A_105] : memref<10240x64xf32, #tpu.memory_space<vmem_shared>> -> memref<128x64xf32, #tpu.memory_space<vmem_shared>>
      tpu.enqueue_dma source(%arg8 : memref<128x64xf32, #tpu.memory_space<vmem>>) target(%dma_start3A_106 : memref<128x64xf32, #tpu.memory_space<vmem_shared>>) target_semaphore(%run_scoped3A_102 : memref<!tpu.dma_semaphore, #tpu.memory_space<semaphore_mem>>)
      %dma_wait3A_107 = arith.constant 0 : i32
      %dma_wait3A_108 = tpu.memref_slice %arg20[%add3A_9, %dma_wait3A_107] : memref<10240x64xf32, #tpu.memory_space<vmem_shared>> -> memref<128x64xf32, #tpu.memory_space<vmem_shared>>
      %dma_wait3A_109 = arith.constant 0 : i32
      %dma_wait3A_110 = tpu.memref_slice %arg20[%add3A_9, %dma_wait3A_109] : memref<10240x64xf32, #tpu.memory_space<vmem_shared>> -> memref<128x64xf32, #tpu.memory_space<vmem_shared>>
      tpu.wait_dma2 semaphore(%run_scoped3A_102 : memref<!tpu.dma_semaphore, #tpu.memory_space<semaphore_mem>>) src(%arg8 : memref<128x64xf32, #tpu.memory_space<vmem>>) dst(%dma_wait3A_110 : memref<128x64xf32, #tpu.memory_space<vmem_shared>>)
      tpu.yield
    }) : () -> ()
    %add3A_10 = arith.constant 512 : i32
    %add3A_11 = arith.addi %mul3A_0, %add3A_10 : i32
    "tpu.region"() ({
      %run_scoped3A_102 = tpu.sem_alloc : memref<!tpu.dma_semaphore, #tpu.memory_space<semaphore_mem>>
      %dma_start3A_103 = arith.constant 0 : i32
      %dma_start3A_104 = tpu.memref_slice %arg20[%add3A_11, %dma_start3A_103] : memref<10240x64xf32, #tpu.memory_space<vmem_shared>> -> memref<128x64xf32, #tpu.memory_space<vmem_shared>>
      %dma_start3A_105 = arith.constant 0 : i32
      %dma_start3A_106 = tpu.memref_slice %arg20[%add3A_11, %dma_start3A_105] : memref<10240x64xf32, #tpu.memory_space<vmem_shared>> -> memref<128x64xf32, #tpu.memory_space<vmem_shared>>
      tpu.enqueue_dma source(%arg8 : memref<128x64xf32, #tpu.memory_space<vmem>>) target(%dma_start3A_106 : memref<128x64xf32, #tpu.memory_space<vmem_shared>>) target_semaphore(%run_scoped3A_102 : memref<!tpu.dma_semaphore, #tpu.memory_space<semaphore_mem>>)
      %dma_wait3A_107 = arith.constant 0 : i32
      %dma_wait3A_108 = tpu.memref_slice %arg20[%add3A_11, %dma_wait3A_107] : memref<10240x64xf32, #tpu.memory_space<vmem_shared>> -> memref<128x64xf32, #tpu.memory_space<vmem_shared>>
      %dma_wait3A_109 = arith.constant 0 : i32
      %dma_wait3A_110 = tpu.memref_slice %arg20[%add3A_11, %dma_wait3A_109] : memref<10240x64xf32, #tpu.memory_space<vmem_shared>> -> memref<128x64xf32, #tpu.memory_space<vmem_shared>>
      tpu.wait_dma2 semaphore(%run_scoped3A_102 : memref<!tpu.dma_semaphore, #tpu.memory_space<semaphore_mem>>) src(%arg8 : memref<128x64xf32, #tpu.memory_space<vmem>>) dst(%dma_wait3A_110 : memref<128x64xf32, #tpu.memory_space<vmem_shared>>)
      tpu.yield
    }) : () -> ()
    %barrier3A = arith.constant 0 : index
    tpu.barrier barrier_id(%barrier3A)
    %dma_start3A = arith.constant 0 : i32
    %dma_start3A_12 = arith.constant 0 : i32
    %dma_start3A_13 = arith.constant 0 : i32
    %dma_start3A_14 = tpu.memref_slice %arg3[%arg1, %dma_start3A, %dma_start3A_12, %dma_start3A_13] : memref<16x162x2x128xi32, #tpu.memory_space<hbm>> -> memref<1x1x2x128xi32, #tpu.memory_space<hbm>>
    %dma_start3A_15 = tpu.memref_squeeze %dma_start3A_14 : memref<1x1x2x128xi32, #tpu.memory_space<hbm>> -> memref<2x128xi32, #tpu.memory_space<hbm>>
    %dma_start3A_16 = arith.constant 0 : i32
    %dma_start3A_17 = arith.constant 0 : i32
    %dma_start3A_18 = tpu.memref_slice %arg3[%arg1, %dma_start3A, %dma_start3A_16, %dma_start3A_17] : memref<16x162x2x128xi32, #tpu.memory_space<hbm>> -> memref<1x1x2x128xi32, #tpu.memory_space<hbm>>
    %dma_start3A_19 = tpu.memref_squeeze %dma_start3A_18 : memref<1x1x2x128xi32, #tpu.memory_space<hbm>> -> memref<2x128xi32, #tpu.memory_space<hbm>>
    tpu.enqueue_dma source(%dma_start3A_19 : memref<2x128xi32, #tpu.memory_space<hbm>>) target(%arg11 : memref<2x128xi32, #tpu.memory_space<vmem>>) target_semaphore(%arg17 : memref<!tpu.dma_semaphore, #tpu.memory_space<semaphore_mem>>)
    %dma_start3A_20 = arith.constant 1 : i32
    %dma_start3A_21 = arith.constant 0 : i32
    %dma_start3A_22 = arith.constant 0 : i32
    %dma_start3A_23 = tpu.memref_slice %arg3[%arg1, %dma_start3A_20, %dma_start3A_21, %dma_start3A_22] : memref<16x162x2x128xi32, #tpu.memory_space<hbm>> -> memref<1x1x2x128xi32, #tpu.memory_space<hbm>>
    %dma_start3A_24 = tpu.memref_squeeze %dma_start3A_23 : memref<1x1x2x128xi32, #tpu.memory_space<hbm>> -> memref<2x128xi32, #tpu.memory_space<hbm>>
    %dma_start3A_25 = arith.constant 0 : i32
    %dma_start3A_26 = arith.constant 0 : i32
    %dma_start3A_27 = tpu.memref_slice %arg3[%arg1, %dma_start3A_20, %dma_start3A_25, %dma_start3A_26] : memref<16x162x2x128xi32, #tpu.memory_space<hbm>> -> memref<1x1x2x128xi32, #tpu.memory_space<hbm>>
    %dma_start3A_28 = tpu.memref_squeeze %dma_start3A_27 : memref<1x1x2x128xi32, #tpu.memory_space<hbm>> -> memref<2x128xi32, #tpu.memory_space<hbm>>
    tpu.enqueue_dma source(%dma_start3A_28 : memref<2x128xi32, #tpu.memory_space<hbm>>) target(%arg12 : memref<2x128xi32, #tpu.memory_space<vmem>>) target_semaphore(%arg18 : memref<!tpu.dma_semaphore, #tpu.memory_space<semaphore_mem>>)
    %dma_start3A_29 = arith.constant 2 : i32
    %dma_start3A_30 = arith.constant 0 : i32
    %dma_start3A_31 = arith.constant 0 : i32
    %dma_start3A_32 = tpu.memref_slice %arg3[%arg1, %dma_start3A_29, %dma_start3A_30, %dma_start3A_31] : memref<16x162x2x128xi32, #tpu.memory_space<hbm>> -> memref<1x1x2x128xi32, #tpu.memory_space<hbm>>
    %dma_start3A_33 = tpu.memref_squeeze %dma_start3A_32 : memref<1x1x2x128xi32, #tpu.memory_space<hbm>> -> memref<2x128xi32, #tpu.memory_space<hbm>>
    %dma_start3A_34 = arith.constant 0 : i32
    %dma_start3A_35 = arith.constant 0 : i32
    %dma_start3A_36 = tpu.memref_slice %arg3[%arg1, %dma_start3A_29, %dma_start3A_34, %dma_start3A_35] : memref<16x162x2x128xi32, #tpu.memory_space<hbm>> -> memref<1x1x2x128xi32, #tpu.memory_space<hbm>>
    %dma_start3A_37 = tpu.memref_squeeze %dma_start3A_36 : memref<1x1x2x128xi32, #tpu.memory_space<hbm>> -> memref<2x128xi32, #tpu.memory_space<hbm>>
    tpu.enqueue_dma source(%dma_start3A_37 : memref<2x128xi32, #tpu.memory_space<hbm>>) target(%arg13 : memref<2x128xi32, #tpu.memory_space<vmem>>) target_semaphore(%arg19 : memref<!tpu.dma_semaphore, #tpu.memory_space<semaphore_mem>>)
    %dma_wait3A = arith.constant 0 : i32
    %dma_wait3A_38 = arith.constant 0 : i32
    %dma_wait3A_39 = arith.constant 0 : i32
    %dma_wait3A_40 = tpu.memref_slice %arg3[%arg1, %dma_wait3A, %dma_wait3A_38, %dma_wait3A_39] : memref<16x162x2x128xi32, #tpu.memory_space<hbm>> -> memref<1x1x2x128xi32, #tpu.memory_space<hbm>>
    %dma_wait3A_41 = tpu.memref_squeeze %dma_wait3A_40 : memref<1x1x2x128xi32, #tpu.memory_space<hbm>> -> memref<2x128xi32, #tpu.memory_space<hbm>>
    %dma_wait3A_42 = arith.constant 0 : i32
    %dma_wait3A_43 = arith.constant 0 : i32
    %dma_wait3A_44 = tpu.memref_slice %arg3[%arg1, %dma_wait3A, %dma_wait3A_42, %dma_wait3A_43] : memref<16x162x2x128xi32, #tpu.memory_space<hbm>> -> memref<1x1x2x128xi32, #tpu.memory_space<hbm>>
    %dma_wait3A_45 = tpu.memref_squeeze %dma_wait3A_44 : memref<1x1x2x128xi32, #tpu.memory_space<hbm>> -> memref<2x128xi32, #tpu.memory_space<hbm>>
    tpu.wait_dma2 semaphore(%arg17 : memref<!tpu.dma_semaphore, #tpu.memory_space<semaphore_mem>>) src(%dma_wait3A_45 : memref<2x128xi32, #tpu.memory_space<hbm>>) dst(%arg11 : memref<2x128xi32, #tpu.memory_space<vmem>>)
    %dma_start3A_46 = arith.constant 0 : i32
    %dma_start3A_47 = arith.constant 0 : i32
    %dma_start3A_48 = tpu.memref_slice %arg11[%dma_start3A_46, %dma_start3A_47] : memref<2x128xi32, #tpu.memory_space<vmem>> -> memref<1x128xi32, #tpu.memory_space<vmem>>
    %dma_start3A_49 = tpu.memref_squeeze %dma_start3A_48 : memref<1x128xi32, #tpu.memory_space<vmem>> -> memref<128xi32, #tpu.memory_space<vmem>>
    %dma_start3A_50 = arith.constant 0 : i32
    %dma_start3A_51 = arith.constant 0 : i32
    %dma_start3A_52 = tpu.memref_slice %arg21[%dma_start3A_50, %dma_start3A_51] : memref<10000x64xf32, #tpu.memory_space<vmem_shared>> -> memref<10000x64xf32, #tpu.memory_space<vmem_shared>>
    tpu.enqueue_indirect_dma source(%dma_start3A_52 : memref<10000x64xf32, #tpu.memory_space<vmem_shared>>) target(%arg8 : memref<128x64xf32, #tpu.memory_space<vmem>>) offsets(%dma_start3A_49 : memref<128xi32, #tpu.memory_space<vmem>>) semaphore(%arg14 : memref<!tpu.dma_semaphore, #tpu.memory_space<semaphore_mem>>)
    %dma_wait3A_53 = arith.constant 0 : i32
    %dma_wait3A_54 = arith.constant 0 : i32
    %dma_wait3A_55 = arith.constant 0 : i32
    %dma_wait3A_56 = tpu.memref_slice %arg3[%arg1, %dma_wait3A_53, %dma_wait3A_54, %dma_wait3A_55] : memref<16x162x2x128xi32, #tpu.memory_space<hbm>> -> memref<1x1x2x128xi32, #tpu.memory_space<hbm>>
    %dma_wait3A_57 = tpu.memref_squeeze %dma_wait3A_56 : memref<1x1x2x128xi32, #tpu.memory_space<hbm>> -> memref<2x128xi32, #tpu.memory_space<hbm>>
    %dma_wait3A_58 = arith.constant 0 : i32
    %dma_wait3A_59 = arith.constant 0 : i32
    %dma_wait3A_60 = tpu.memref_slice %arg3[%arg1, %dma_wait3A_53, %dma_wait3A_58, %dma_wait3A_59] : memref<16x162x2x128xi32, #tpu.memory_space<hbm>> -> memref<1x1x2x128xi32, #tpu.memory_space<hbm>>
    %dma_wait3A_61 = tpu.memref_squeeze %dma_wait3A_60 : memref<1x1x2x128xi32, #tpu.memory_space<hbm>> -> memref<2x128xi32, #tpu.memory_space<hbm>>
    tpu.wait_dma2 semaphore(%arg18 : memref<!tpu.dma_semaphore, #tpu.memory_space<semaphore_mem>>) src(%dma_wait3A_61 : memref<2x128xi32, #tpu.memory_space<hbm>>) dst(%arg12 : memref<2x128xi32, #tpu.memory_space<vmem>>)
    %dma_start3A_62 = arith.constant 0 : i32
    %dma_start3A_63 = arith.constant 0 : i32
    %dma_start3A_64 = tpu.memref_slice %arg12[%dma_start3A_62, %dma_start3A_63] : memref<2x128xi32, #tpu.memory_space<vmem>> -> memref<1x128xi32, #tpu.memory_space<vmem>>
    %dma_start3A_65 = tpu.memref_squeeze %dma_start3A_64 : memref<1x128xi32, #tpu.memory_space<vmem>> -> memref<128xi32, #tpu.memory_space<vmem>>
    %dma_start3A_66 = arith.constant 0 : i32
    %dma_start3A_67 = arith.constant 0 : i32
    %dma_start3A_68 = tpu.memref_slice %arg21[%dma_start3A_66, %dma_start3A_67] : memref<10000x64xf32, #tpu.memory_space<vmem_shared>> -> memref<10000x64xf32, #tpu.memory_space<vmem_shared>>
    tpu.enqueue_indirect_dma source(%dma_start3A_68 : memref<10000x64xf32, #tpu.memory_space<vmem_shared>>) target(%arg9 : memref<128x64xf32, #tpu.memory_space<vmem>>) offsets(%dma_start3A_65 : memref<128xi32, #tpu.memory_space<vmem>>) semaphore(%arg15 : memref<!tpu.dma_semaphore, #tpu.memory_space<semaphore_mem>>)
    %scan3A = arith.constant 0 : i32
    %scan3A_69 = arith.constant 53 : i32
    %scan3A_70 = arith.addi %scan3A, %scan3A_69 : i32
    %scan3A_71 = arith.constant 1 : i32
    scf.for %scan3A_102 = %scan3A to %scan3A_70 step %scan3A_71  : i32 {
      %mul3A_103 = arith.constant 1 : i32
      %mul3A_104 = arith.muli %scan3A_102, %mul3A_103 : i32
      %add3A_105 = arith.constant 0 : i32
      %add3A_106 = arith.addi %add3A_105, %mul3A_104 : i32
      %mul3A_107 = arith.constant 3 : i32
      %mul3A_108 = arith.muli %mul3A_107, %add3A_106 : i32
      %add3A_109 = arith.constant 0 : i32
      %add3A_110 = arith.addi %mul3A_108, %add3A_109 : i32
      tpu.wait_dma2 semaphore(%arg14 : memref<!tpu.dma_semaphore, #tpu.memory_space<semaphore_mem>>) src(%arg4 : memref<128x64xf32, #tpu.memory_space<hbm>>) dst(%arg8 : memref<128x64xf32, #tpu.memory_space<vmem>>)
      %run_scoped3A_111 = arith.constant 1 : i32
      "tpu.region"() ({
        %run_scoped3A_206 = tpu.sem_alloc : memref<!tpu.dma_semaphore, #tpu.memory_space<semaphore_mem>>
        %dma_start3A_207 = arith.constant 0 : i32
        %dma_start3A_208 = tpu.memref_slice %arg11[%run_scoped3A_111, %dma_start3A_207] : memref<2x128xi32, #tpu.memory_space<vmem>> -> memref<1x128xi32, #tpu.memory_space<vmem>>
        %dma_start3A_209 = tpu.memref_squeeze %dma_start3A_208 : memref<1x128xi32, #tpu.memory_space<vmem>> -> memref<128xi32, #tpu.memory_space<vmem>>
        %dma_start3A_210 = arith.constant 0 : i32
        %dma_start3A_211 = arith.constant 0 : i32
        %dma_start3A_212 = tpu.memref_slice %arg20[%dma_start3A_210, %dma_start3A_211] : memref<10240x64xf32, #tpu.memory_space<vmem_shared>> -> memref<10240x64xf32, #tpu.memory_space<vmem_shared>>
        tpu.enqueue_indirect_dma source(%arg8 : memref<128x64xf32, #tpu.memory_space<vmem>>) target(%dma_start3A_212 : memref<10240x64xf32, #tpu.memory_space<vmem_shared>>) offsets(%dma_start3A_209 : memref<128xi32, #tpu.memory_space<vmem>>) semaphore(%run_scoped3A_206 : memref<!tpu.dma_semaphore, #tpu.memory_space<semaphore_mem>>) {add = true}
        %dma_wait3A_213 = arith.constant 0 : i32
        %dma_wait3A_214 = tpu.memref_slice %arg11[%run_scoped3A_111, %dma_wait3A_213] : memref<2x128xi32, #tpu.memory_space<vmem>> -> memref<1x128xi32, #tpu.memory_space<vmem>>
        %dma_wait3A_215 = tpu.memref_squeeze %dma_wait3A_214 : memref<1x128xi32, #tpu.memory_space<vmem>> -> memref<128xi32, #tpu.memory_space<vmem>>
        %dma_wait3A_216 = arith.constant 0 : i32
        %dma_wait3A_217 = arith.constant 0 : i32
        %dma_wait3A_218 = tpu.memref_slice %arg20[%dma_wait3A_216, %dma_wait3A_217] : memref<10240x64xf32, #tpu.memory_space<vmem_shared>> -> memref<10240x64xf32, #tpu.memory_space<vmem_shared>>
        tpu.wait_indirect_dma semaphore(%run_scoped3A_206 : memref<!tpu.dma_semaphore, #tpu.memory_space<semaphore_mem>>) src(%arg8 : memref<128x64xf32, #tpu.memory_space<vmem>>) dst(%dma_wait3A_218 : memref<10240x64xf32, #tpu.memory_space<vmem_shared>>)
        tpu.yield
      }) : () -> ()
      %add3A_112 = arith.constant 3 : i32
      %add3A_113 = arith.addi %add3A_110, %add3A_112 : i32
      %dma_start3A_114 = arith.constant 0 : i32
      %dma_start3A_115 = arith.constant 0 : i32
      %dma_start3A_116 = tpu.memref_slice %arg3[%arg1, %add3A_113, %dma_start3A_114, %dma_start3A_115] : memref<16x162x2x128xi32, #tpu.memory_space<hbm>> -> memref<1x1x2x128xi32, #tpu.memory_space<hbm>>
      %dma_start3A_117 = tpu.memref_squeeze %dma_start3A_116 : memref<1x1x2x128xi32, #tpu.memory_space<hbm>> -> memref<2x128xi32, #tpu.memory_space<hbm>>
      %dma_start3A_118 = arith.constant 0 : i32
      %dma_start3A_119 = arith.constant 0 : i32
      %dma_start3A_120 = tpu.memref_slice %arg3[%arg1, %add3A_113, %dma_start3A_118, %dma_start3A_119] : memref<16x162x2x128xi32, #tpu.memory_space<hbm>> -> memref<1x1x2x128xi32, #tpu.memory_space<hbm>>
      %dma_start3A_121 = tpu.memref_squeeze %dma_start3A_120 : memref<1x1x2x128xi32, #tpu.memory_space<hbm>> -> memref<2x128xi32, #tpu.memory_space<hbm>>
      tpu.enqueue_dma source(%dma_start3A_121 : memref<2x128xi32, #tpu.memory_space<hbm>>) target(%arg11 : memref<2x128xi32, #tpu.memory_space<vmem>>) target_semaphore(%arg17 : memref<!tpu.dma_semaphore, #tpu.memory_space<semaphore_mem>>)
      %dma_wait3A_122 = arith.constant 0 : i32
      %dma_wait3A_123 = arith.constant 0 : i32
      %dma_wait3A_124 = arith.constant 0 : i32
      %dma_wait3A_125 = tpu.memref_slice %arg3[%arg1, %dma_wait3A_122, %dma_wait3A_123, %dma_wait3A_124] : memref<16x162x2x128xi32, #tpu.memory_space<hbm>> -> memref<1x1x2x128xi32, #tpu.memory_space<hbm>>
      %dma_wait3A_126 = tpu.memref_squeeze %dma_wait3A_125 : memref<1x1x2x128xi32, #tpu.memory_space<hbm>> -> memref<2x128xi32, #tpu.memory_space<hbm>>
      %dma_wait3A_127 = arith.constant 0 : i32
      %dma_wait3A_128 = arith.constant 0 : i32
      %dma_wait3A_129 = tpu.memref_slice %arg3[%arg1, %dma_wait3A_122, %dma_wait3A_127, %dma_wait3A_128] : memref<16x162x2x128xi32, #tpu.memory_space<hbm>> -> memref<1x1x2x128xi32, #tpu.memory_space<hbm>>
      %dma_wait3A_130 = tpu.memref_squeeze %dma_wait3A_129 : memref<1x1x2x128xi32, #tpu.memory_space<hbm>> -> memref<2x128xi32, #tpu.memory_space<hbm>>
      tpu.wait_dma2 semaphore(%arg19 : memref<!tpu.dma_semaphore, #tpu.memory_space<semaphore_mem>>) src(%dma_wait3A_130 : memref<2x128xi32, #tpu.memory_space<hbm>>) dst(%arg13 : memref<2x128xi32, #tpu.memory_space<vmem>>)
      %add3A_131 = arith.constant 2 : i32
      %add3A_132 = arith.addi %add3A_110, %add3A_131 : i32
      %dma_start3A_133 = arith.constant 0 : i32
      %dma_start3A_134 = arith.constant 0 : i32
      %dma_start3A_135 = tpu.memref_slice %arg13[%dma_start3A_133, %dma_start3A_134] : memref<2x128xi32, #tpu.memory_space<vmem>> -> memref<1x128xi32, #tpu.memory_space<vmem>>
      %dma_start3A_136 = tpu.memref_squeeze %dma_start3A_135 : memref<1x128xi32, #tpu.memory_space<vmem>> -> memref<128xi32, #tpu.memory_space<vmem>>
      %dma_start3A_137 = arith.constant 0 : i32
      %dma_start3A_138 = arith.constant 0 : i32
      %dma_start3A_139 = tpu.memref_slice %arg21[%dma_start3A_137, %dma_start3A_138] : memref<10000x64xf32, #tpu.memory_space<vmem_shared>> -> memref<10000x64xf32, #tpu.memory_space<vmem_shared>>
      tpu.enqueue_indirect_dma source(%dma_start3A_139 : memref<10000x64xf32, #tpu.memory_space<vmem_shared>>) target(%arg10 : memref<128x64xf32, #tpu.memory_space<vmem>>) offsets(%dma_start3A_136 : memref<128xi32, #tpu.memory_space<vmem>>) semaphore(%arg16 : memref<!tpu.dma_semaphore, #tpu.memory_space<semaphore_mem>>)
      %mul3A_140 = arith.constant 3 : i32
      %mul3A_141 = arith.muli %mul3A_140, %add3A_106 : i32
      %add3A_142 = arith.constant 1 : i32
      %add3A_143 = arith.addi %mul3A_141, %add3A_142 : i32
      tpu.wait_dma2 semaphore(%arg15 : memref<!tpu.dma_semaphore, #tpu.memory_space<semaphore_mem>>) src(%arg4 : memref<128x64xf32, #tpu.memory_space<hbm>>) dst(%arg9 : memref<128x64xf32, #tpu.memory_space<vmem>>)
      %run_scoped3A_144 = arith.constant 1 : i32
      "tpu.region"() ({
        %run_scoped3A_206 = tpu.sem_alloc : memref<!tpu.dma_semaphore, #tpu.memory_space<semaphore_mem>>
        %dma_start3A_207 = arith.constant 0 : i32
        %dma_start3A_208 = tpu.memref_slice %arg12[%run_scoped3A_144, %dma_start3A_207] : memref<2x128xi32, #tpu.memory_space<vmem>> -> memref<1x128xi32, #tpu.memory_space<vmem>>
        %dma_start3A_209 = tpu.memref_squeeze %dma_start3A_208 : memref<1x128xi32, #tpu.memory_space<vmem>> -> memref<128xi32, #tpu.memory_space<vmem>>
        %dma_start3A_210 = arith.constant 0 : i32
        %dma_start3A_211 = arith.constant 0 : i32
        %dma_start3A_212 = tpu.memref_slice %arg20[%dma_start3A_210, %dma_start3A_211] : memref<10240x64xf32, #tpu.memory_space<vmem_shared>> -> memref<10240x64xf32, #tpu.memory_space<vmem_shared>>
        tpu.enqueue_indirect_dma source(%arg9 : memref<128x64xf32, #tpu.memory_space<vmem>>) target(%dma_start3A_212 : memref<10240x64xf32, #tpu.memory_space<vmem_shared>>) offsets(%dma_start3A_209 : memref<128xi32, #tpu.memory_space<vmem>>) semaphore(%run_scoped3A_206 : memref<!tpu.dma_semaphore, #tpu.memory_space<semaphore_mem>>) {add = true}
        %dma_wait3A_213 = arith.constant 0 : i32
        %dma_wait3A_214 = tpu.memref_slice %arg12[%run_scoped3A_144, %dma_wait3A_213] : memref<2x128xi32, #tpu.memory_space<vmem>> -> memref<1x128xi32, #tpu.memory_space<vmem>>
        %dma_wait3A_215 = tpu.memref_squeeze %dma_wait3A_214 : memref<1x128xi32, #tpu.memory_space<vmem>> -> memref<128xi32, #tpu.memory_space<vmem>>
        %dma_wait3A_216 = arith.constant 0 : i32
        %dma_wait3A_217 = arith.constant 0 : i32
        %dma_wait3A_218 = tpu.memref_slice %arg20[%dma_wait3A_216, %dma_wait3A_217] : memref<10240x64xf32, #tpu.memory_space<vmem_shared>> -> memref<10240x64xf32, #tpu.memory_space<vmem_shared>>
        tpu.wait_indirect_dma semaphore(%run_scoped3A_206 : memref<!tpu.dma_semaphore, #tpu.memory_space<semaphore_mem>>) src(%arg9 : memref<128x64xf32, #tpu.memory_space<vmem>>) dst(%dma_wait3A_218 : memref<10240x64xf32, #tpu.memory_space<vmem_shared>>)
        tpu.yield
      }) : () -> ()
      %add3A_145 = arith.constant 3 : i32
      %add3A_146 = arith.addi %add3A_143, %add3A_145 : i32
      %dma_start3A_147 = arith.constant 0 : i32
      %dma_start3A_148 = arith.constant 0 : i32
      %dma_start3A_149 = tpu.memref_slice %arg3[%arg1, %add3A_146, %dma_start3A_147, %dma_start3A_148] : memref<16x162x2x128xi32, #tpu.memory_space<hbm>> -> memref<1x1x2x128xi32, #tpu.memory_space<hbm>>
      %dma_start3A_150 = tpu.memref_squeeze %dma_start3A_149 : memref<1x1x2x128xi32, #tpu.memory_space<hbm>> -> memref<2x128xi32, #tpu.memory_space<hbm>>
      %dma_start3A_151 = arith.constant 0 : i32
      %dma_start3A_152 = arith.constant 0 : i32
      %dma_start3A_153 = tpu.memref_slice %arg3[%arg1, %add3A_146, %dma_start3A_151, %dma_start3A_152] : memref<16x162x2x128xi32, #tpu.memory_space<hbm>> -> memref<1x1x2x128xi32, #tpu.memory_space<hbm>>
      %dma_start3A_154 = tpu.memref_squeeze %dma_start3A_153 : memref<1x1x2x128xi32, #tpu.memory_space<hbm>> -> memref<2x128xi32, #tpu.memory_space<hbm>>
      tpu.enqueue_dma source(%dma_start3A_154 : memref<2x128xi32, #tpu.memory_space<hbm>>) target(%arg12 : memref<2x128xi32, #tpu.memory_space<vmem>>) target_semaphore(%arg18 : memref<!tpu.dma_semaphore, #tpu.memory_space<semaphore_mem>>)
      %dma_wait3A_155 = arith.constant 0 : i32
      %dma_wait3A_156 = arith.constant 0 : i32
      %dma_wait3A_157 = arith.constant 0 : i32
      %dma_wait3A_158 = tpu.memref_slice %arg3[%arg1, %dma_wait3A_155, %dma_wait3A_156, %dma_wait3A_157] : memref<16x162x2x128xi32, #tpu.memory_space<hbm>> -> memref<1x1x2x128xi32, #tpu.memory_space<hbm>>
      %dma_wait3A_159 = tpu.memref_squeeze %dma_wait3A_158 : memref<1x1x2x128xi32, #tpu.memory_space<hbm>> -> memref<2x128xi32, #tpu.memory_space<hbm>>
      %dma_wait3A_160 = arith.constant 0 : i32
      %dma_wait3A_161 = arith.constant 0 : i32
      %dma_wait3A_162 = tpu.memref_slice %arg3[%arg1, %dma_wait3A_155, %dma_wait3A_160, %dma_wait3A_161] : memref<16x162x2x128xi32, #tpu.memory_space<hbm>> -> memref<1x1x2x128xi32, #tpu.memory_space<hbm>>
      %dma_wait3A_163 = tpu.memref_squeeze %dma_wait3A_162 : memref<1x1x2x128xi32, #tpu.memory_space<hbm>> -> memref<2x128xi32, #tpu.memory_space<hbm>>
      tpu.wait_dma2 semaphore(%arg17 : memref<!tpu.dma_semaphore, #tpu.memory_space<semaphore_mem>>) src(%dma_wait3A_163 : memref<2x128xi32, #tpu.memory_space<hbm>>) dst(%arg11 : memref<2x128xi32, #tpu.memory_space<vmem>>)
      %add3A_164 = arith.constant 2 : i32
      %add3A_165 = arith.addi %add3A_143, %add3A_164 : i32
      %dma_start3A_166 = arith.constant 0 : i32
      %dma_start3A_167 = arith.constant 0 : i32
      %dma_start3A_168 = tpu.memref_slice %arg11[%dma_start3A_166, %dma_start3A_167] : memref<2x128xi32, #tpu.memory_space<vmem>> -> memref<1x128xi32, #tpu.memory_space<vmem>>
      %dma_start3A_169 = tpu.memref_squeeze %dma_start3A_168 : memref<1x128xi32, #tpu.memory_space<vmem>> -> memref<128xi32, #tpu.memory_space<vmem>>
      %dma_start3A_170 = arith.constant 0 : i32
      %dma_start3A_171 = arith.constant 0 : i32
      %dma_start3A_172 = tpu.memref_slice %arg21[%dma_start3A_170, %dma_start3A_171] : memref<10000x64xf32, #tpu.memory_space<vmem_shared>> -> memref<10000x64xf32, #tpu.memory_space<vmem_shared>>
      tpu.enqueue_indirect_dma source(%dma_start3A_172 : memref<10000x64xf32, #tpu.memory_space<vmem_shared>>) target(%arg8 : memref<128x64xf32, #tpu.memory_space<vmem>>) offsets(%dma_start3A_169 : memref<128xi32, #tpu.memory_space<vmem>>) semaphore(%arg14 : memref<!tpu.dma_semaphore, #tpu.memory_space<semaphore_mem>>)
      %mul3A_173 = arith.constant 3 : i32
      %mul3A_174 = arith.muli %mul3A_173, %add3A_106 : i32
      %add3A_175 = arith.constant 2 : i32
      %add3A_176 = arith.addi %mul3A_174, %add3A_175 : i32
      tpu.wait_dma2 semaphore(%arg16 : memref<!tpu.dma_semaphore, #tpu.memory_space<semaphore_mem>>) src(%arg4 : memref<128x64xf32, #tpu.memory_space<hbm>>) dst(%arg10 : memref<128x64xf32, #tpu.memory_space<vmem>>)
      %run_scoped3A_177 = arith.constant 1 : i32
      "tpu.region"() ({
        %run_scoped3A_206 = tpu.sem_alloc : memref<!tpu.dma_semaphore, #tpu.memory_space<semaphore_mem>>
        %dma_start3A_207 = arith.constant 0 : i32
        %dma_start3A_208 = tpu.memref_slice %arg13[%run_scoped3A_177, %dma_start3A_207] : memref<2x128xi32, #tpu.memory_space<vmem>> -> memref<1x128xi32, #tpu.memory_space<vmem>>
        %dma_start3A_209 = tpu.memref_squeeze %dma_start3A_208 : memref<1x128xi32, #tpu.memory_space<vmem>> -> memref<128xi32, #tpu.memory_space<vmem>>
        %dma_start3A_210 = arith.constant 0 : i32
        %dma_start3A_211 = arith.constant 0 : i32
        %dma_start3A_212 = tpu.memref_slice %arg20[%dma_start3A_210, %dma_start3A_211] : memref<10240x64xf32, #tpu.memory_space<vmem_shared>> -> memref<10240x64xf32, #tpu.memory_space<vmem_shared>>
        tpu.enqueue_indirect_dma source(%arg10 : memref<128x64xf32, #tpu.memory_space<vmem>>) target(%dma_start3A_212 : memref<10240x64xf32, #tpu.memory_space<vmem_shared>>) offsets(%dma_start3A_209 : memref<128xi32, #tpu.memory_space<vmem>>) semaphore(%run_scoped3A_206 : memref<!tpu.dma_semaphore, #tpu.memory_space<semaphore_mem>>) {add = true}
        %dma_wait3A_213 = arith.constant 0 : i32
        %dma_wait3A_214 = tpu.memref_slice %arg13[%run_scoped3A_177, %dma_wait3A_213] : memref<2x128xi32, #tpu.memory_space<vmem>> -> memref<1x128xi32, #tpu.memory_space<vmem>>
        %dma_wait3A_215 = tpu.memref_squeeze %dma_wait3A_214 : memref<1x128xi32, #tpu.memory_space<vmem>> -> memref<128xi32, #tpu.memory_space<vmem>>
        %dma_wait3A_216 = arith.constant 0 : i32
        %dma_wait3A_217 = arith.constant 0 : i32
        %dma_wait3A_218 = tpu.memref_slice %arg20[%dma_wait3A_216, %dma_wait3A_217] : memref<10240x64xf32, #tpu.memory_space<vmem_shared>> -> memref<10240x64xf32, #tpu.memory_space<vmem_shared>>
        tpu.wait_indirect_dma semaphore(%run_scoped3A_206 : memref<!tpu.dma_semaphore, #tpu.memory_space<semaphore_mem>>) src(%arg10 : memref<128x64xf32, #tpu.memory_space<vmem>>) dst(%dma_wait3A_218 : memref<10240x64xf32, #tpu.memory_space<vmem_shared>>)
        tpu.yield
      }) : () -> ()
      %add3A_178 = arith.constant 3 : i32
      %add3A_179 = arith.addi %add3A_176, %add3A_178 : i32
      %dma_start3A_180 = arith.constant 0 : i32
      %dma_start3A_181 = arith.constant 0 : i32
      %dma_start3A_182 = tpu.memref_slice %arg3[%arg1, %add3A_179, %dma_start3A_180, %dma_start3A_181] : memref<16x162x2x128xi32, #tpu.memory_space<hbm>> -> memref<1x1x2x128xi32, #tpu.memory_space<hbm>>
      %dma_start3A_183 = tpu.memref_squeeze %dma_start3A_182 : memref<1x1x2x128xi32, #tpu.memory_space<hbm>> -> memref<2x128xi32, #tpu.memory_space<hbm>>
      %dma_start3A_184 = arith.constant 0 : i32
      %dma_start3A_185 = arith.constant 0 : i32
      %dma_start3A_186 = tpu.memref_slice %arg3[%arg1, %add3A_179, %dma_start3A_184, %dma_start3A_185] : memref<16x162x2x128xi32, #tpu.memory_space<hbm>> -> memref<1x1x2x128xi32, #tpu.memory_space<hbm>>
      %dma_start3A_187 = tpu.memref_squeeze %dma_start3A_186 : memref<1x1x2x128xi32, #tpu.memory_space<hbm>> -> memref<2x128xi32, #tpu.memory_space<hbm>>
      tpu.enqueue_dma source(%dma_start3A_187 : memref<2x128xi32, #tpu.memory_space<hbm>>) target(%arg13 : memref<2x128xi32, #tpu.memory_space<vmem>>) target_semaphore(%arg19 : memref<!tpu.dma_semaphore, #tpu.memory_space<semaphore_mem>>)
      %dma_wait3A_188 = arith.constant 0 : i32
      %dma_wait3A_189 = arith.constant 0 : i32
      %dma_wait3A_190 = arith.constant 0 : i32
      %dma_wait3A_191 = tpu.memref_slice %arg3[%arg1, %dma_wait3A_188, %dma_wait3A_189, %dma_wait3A_190] : memref<16x162x2x128xi32, #tpu.memory_space<hbm>> -> memref<1x1x2x128xi32, #tpu.memory_space<hbm>>
      %dma_wait3A_192 = tpu.memref_squeeze %dma_wait3A_191 : memref<1x1x2x128xi32, #tpu.memory_space<hbm>> -> memref<2x128xi32, #tpu.memory_space<hbm>>
      %dma_wait3A_193 = arith.constant 0 : i32
      %dma_wait3A_194 = arith.constant 0 : i32
      %dma_wait3A_195 = tpu.memref_slice %arg3[%arg1, %dma_wait3A_188, %dma_wait3A_193, %dma_wait3A_194] : memref<16x162x2x128xi32, #tpu.memory_space<hbm>> -> memref<1x1x2x128xi32, #tpu.memory_space<hbm>>
      %dma_wait3A_196 = tpu.memref_squeeze %dma_wait3A_195 : memref<1x1x2x128xi32, #tpu.memory_space<hbm>> -> memref<2x128xi32, #tpu.memory_space<hbm>>
      tpu.wait_dma2 semaphore(%arg18 : memref<!tpu.dma_semaphore, #tpu.memory_space<semaphore_mem>>) src(%dma_wait3A_196 : memref<2x128xi32, #tpu.memory_space<hbm>>) dst(%arg12 : memref<2x128xi32, #tpu.memory_space<vmem>>)
      %add3A_197 = arith.constant 2 : i32
      %add3A_198 = arith.addi %add3A_176, %add3A_197 : i32
      %dma_start3A_199 = arith.constant 0 : i32
      %dma_start3A_200 = arith.constant 0 : i32
      %dma_start3A_201 = tpu.memref_slice %arg12[%dma_start3A_199, %dma_start3A_200] : memref<2x128xi32, #tpu.memory_space<vmem>> -> memref<1x128xi32, #tpu.memory_space<vmem>>
      %dma_start3A_202 = tpu.memref_squeeze %dma_start3A_201 : memref<1x128xi32, #tpu.memory_space<vmem>> -> memref<128xi32, #tpu.memory_space<vmem>>
      %dma_start3A_203 = arith.constant 0 : i32
      %dma_start3A_204 = arith.constant 0 : i32
      %dma_start3A_205 = tpu.memref_slice %arg21[%dma_start3A_203, %dma_start3A_204] : memref<10000x64xf32, #tpu.memory_space<vmem_shared>> -> memref<10000x64xf32, #tpu.memory_space<vmem_shared>>
      tpu.enqueue_indirect_dma source(%dma_start3A_205 : memref<10000x64xf32, #tpu.memory_space<vmem_shared>>) target(%arg9 : memref<128x64xf32, #tpu.memory_space<vmem>>) offsets(%dma_start3A_202 : memref<128xi32, #tpu.memory_space<vmem>>) semaphore(%arg15 : memref<!tpu.dma_semaphore, #tpu.memory_space<semaphore_mem>>)
    }
    %scan3A_72 = arith.constant 53 : i32
    tpu.wait_dma2 semaphore(%arg14 : memref<!tpu.dma_semaphore, #tpu.memory_space<semaphore_mem>>) src(%arg4 : memref<128x64xf32, #tpu.memory_space<hbm>>) dst(%arg8 : memref<128x64xf32, #tpu.memory_space<vmem>>)
    %dma_wait3A_73 = arith.constant 0 : i32
    %dma_wait3A_74 = arith.constant 0 : i32
    %dma_wait3A_75 = arith.constant 0 : i32
    %dma_wait3A_76 = tpu.memref_slice %arg3[%arg1, %dma_wait3A_73, %dma_wait3A_74, %dma_wait3A_75] : memref<16x162x2x128xi32, #tpu.memory_space<hbm>> -> memref<1x1x2x128xi32, #tpu.memory_space<hbm>>
    %dma_wait3A_77 = tpu.memref_squeeze %dma_wait3A_76 : memref<1x1x2x128xi32, #tpu.memory_space<hbm>> -> memref<2x128xi32, #tpu.memory_space<hbm>>
    %dma_wait3A_78 = arith.constant 0 : i32
    %dma_wait3A_79 = arith.constant 0 : i32
    %dma_wait3A_80 = tpu.memref_slice %arg3[%arg1, %dma_wait3A_73, %dma_wait3A_78, %dma_wait3A_79] : memref<16x162x2x128xi32, #tpu.memory_space<hbm>> -> memref<1x1x2x128xi32, #tpu.memory_space<hbm>>
    %dma_wait3A_81 = tpu.memref_squeeze %dma_wait3A_80 : memref<1x1x2x128xi32, #tpu.memory_space<hbm>> -> memref<2x128xi32, #tpu.memory_space<hbm>>
    tpu.wait_dma2 semaphore(%arg19 : memref<!tpu.dma_semaphore, #tpu.memory_space<semaphore_mem>>) src(%dma_wait3A_81 : memref<2x128xi32, #tpu.memory_space<hbm>>) dst(%arg13 : memref<2x128xi32, #tpu.memory_space<vmem>>)
    %dma_start3A_82 = arith.constant 0 : i32
    %dma_start3A_83 = arith.constant 0 : i32
    %dma_start3A_84 = tpu.memref_slice %arg13[%dma_start3A_82, %dma_start3A_83] : memref<2x128xi32, #tpu.memory_space<vmem>> -> memref<1x128xi32, #tpu.memory_space<vmem>>
    %dma_start3A_85 = tpu.memref_squeeze %dma_start3A_84 : memref<1x128xi32, #tpu.memory_space<vmem>> -> memref<128xi32, #tpu.memory_space<vmem>>
    %dma_start3A_86 = arith.constant 0 : i32
    %dma_start3A_87 = arith.constant 0 : i32
    %dma_start3A_88 = tpu.memref_slice %arg21[%dma_start3A_86, %dma_start3A_87] : memref<10000x64xf32, #tpu.memory_space<vmem_shared>> -> memref<10000x64xf32, #tpu.memory_space<vmem_shared>>
    tpu.enqueue_indirect_dma source(%dma_start3A_88 : memref<10000x64xf32, #tpu.memory_space<vmem_shared>>) target(%arg10 : memref<128x64xf32, #tpu.memory_space<vmem>>) offsets(%dma_start3A_85 : memref<128xi32, #tpu.memory_space<vmem>>) semaphore(%arg16 : memref<!tpu.dma_semaphore, #tpu.memory_space<semaphore_mem>>)
    %run_scoped3A = arith.constant 1 : i32
    "tpu.region"() ({
      %run_scoped3A_102 = tpu.sem_alloc : memref<!tpu.dma_semaphore, #tpu.memory_space<semaphore_mem>>
      %dma_start3A_103 = arith.constant 0 : i32
      %dma_start3A_104 = tpu.memref_slice %arg11[%run_scoped3A, %dma_start3A_103] : memref<2x128xi32, #tpu.memory_space<vmem>> -> memref<1x128xi32, #tpu.memory_space<vmem>>
      %dma_start3A_105 = tpu.memref_squeeze %dma_start3A_104 : memref<1x128xi32, #tpu.memory_space<vmem>> -> memref<128xi32, #tpu.memory_space<vmem>>
      %dma_start3A_106 = arith.constant 0 : i32
      %dma_start3A_107 = arith.constant 0 : i32
      %dma_start3A_108 = tpu.memref_slice %arg20[%dma_start3A_106, %dma_start3A_107] : memref<10240x64xf32, #tpu.memory_space<vmem_shared>> -> memref<10240x64xf32, #tpu.memory_space<vmem_shared>>
      tpu.enqueue_indirect_dma source(%arg8 : memref<128x64xf32, #tpu.memory_space<vmem>>) target(%dma_start3A_108 : memref<10240x64xf32, #tpu.memory_space<vmem_shared>>) offsets(%dma_start3A_105 : memref<128xi32, #tpu.memory_space<vmem>>) semaphore(%run_scoped3A_102 : memref<!tpu.dma_semaphore, #tpu.memory_space<semaphore_mem>>) {add = true}
      %dma_wait3A_109 = arith.constant 0 : i32
      %dma_wait3A_110 = tpu.memref_slice %arg11[%run_scoped3A, %dma_wait3A_109] : memref<2x128xi32, #tpu.memory_space<vmem>> -> memref<1x128xi32, #tpu.memory_space<vmem>>
      %dma_wait3A_111 = tpu.memref_squeeze %dma_wait3A_110 : memref<1x128xi32, #tpu.memory_space<vmem>> -> memref<128xi32, #tpu.memory_space<vmem>>
      %dma_wait3A_112 = arith.constant 0 : i32
      %dma_wait3A_113 = arith.constant 0 : i32
      %dma_wait3A_114 = tpu.memref_slice %arg20[%dma_wait3A_112, %dma_wait3A_113] : memref<10240x64xf32, #tpu.memory_space<vmem_shared>> -> memref<10240x64xf32, #tpu.memory_space<vmem_shared>>
      tpu.wait_indirect_dma semaphore(%run_scoped3A_102 : memref<!tpu.dma_semaphore, #tpu.memory_space<semaphore_mem>>) src(%arg8 : memref<128x64xf32, #tpu.memory_space<vmem>>) dst(%dma_wait3A_114 : memref<10240x64xf32, #tpu.memory_space<vmem_shared>>)
      tpu.yield
    }) : () -> ()
    tpu.wait_dma2 semaphore(%arg15 : memref<!tpu.dma_semaphore, #tpu.memory_space<semaphore_mem>>) src(%arg4 : memref<128x64xf32, #tpu.memory_space<hbm>>) dst(%arg9 : memref<128x64xf32, #tpu.memory_space<vmem>>)
    %run_scoped3A_89 = arith.constant 1 : i32
    "tpu.region"() ({
      %run_scoped3A_102 = tpu.sem_alloc : memref<!tpu.dma_semaphore, #tpu.memory_space<semaphore_mem>>
      %dma_start3A_103 = arith.constant 0 : i32
      %dma_start3A_104 = tpu.memref_slice %arg12[%run_scoped3A_89, %dma_start3A_103] : memref<2x128xi32, #tpu.memory_space<vmem>> -> memref<1x128xi32, #tpu.memory_space<vmem>>
      %dma_start3A_105 = tpu.memref_squeeze %dma_start3A_104 : memref<1x128xi32, #tpu.memory_space<vmem>> -> memref<128xi32, #tpu.memory_space<vmem>>
      %dma_start3A_106 = arith.constant 0 : i32
      %dma_start3A_107 = arith.constant 0 : i32
      %dma_start3A_108 = tpu.memref_slice %arg20[%dma_start3A_106, %dma_start3A_107] : memref<10240x64xf32, #tpu.memory_space<vmem_shared>> -> memref<10240x64xf32, #tpu.memory_space<vmem_shared>>
      tpu.enqueue_indirect_dma source(%arg9 : memref<128x64xf32, #tpu.memory_space<vmem>>) target(%dma_start3A_108 : memref<10240x64xf32, #tpu.memory_space<vmem_shared>>) offsets(%dma_start3A_105 : memref<128xi32, #tpu.memory_space<vmem>>) semaphore(%run_scoped3A_102 : memref<!tpu.dma_semaphore, #tpu.memory_space<semaphore_mem>>) {add = true}
      %dma_wait3A_109 = arith.constant 0 : i32
      %dma_wait3A_110 = tpu.memref_slice %arg12[%run_scoped3A_89, %dma_wait3A_109] : memref<2x128xi32, #tpu.memory_space<vmem>> -> memref<1x128xi32, #tpu.memory_space<vmem>>
      %dma_wait3A_111 = tpu.memref_squeeze %dma_wait3A_110 : memref<1x128xi32, #tpu.memory_space<vmem>> -> memref<128xi32, #tpu.memory_space<vmem>>
      %dma_wait3A_112 = arith.constant 0 : i32
      %dma_wait3A_113 = arith.constant 0 : i32
      %dma_wait3A_114 = tpu.memref_slice %arg20[%dma_wait3A_112, %dma_wait3A_113] : memref<10240x64xf32, #tpu.memory_space<vmem_shared>> -> memref<10240x64xf32, #tpu.memory_space<vmem_shared>>
      tpu.wait_indirect_dma semaphore(%run_scoped3A_102 : memref<!tpu.dma_semaphore, #tpu.memory_space<semaphore_mem>>) src(%arg9 : memref<128x64xf32, #tpu.memory_space<vmem>>) dst(%dma_wait3A_114 : memref<10240x64xf32, #tpu.memory_space<vmem_shared>>)
      tpu.yield
    }) : () -> ()
    tpu.wait_dma2 semaphore(%arg16 : memref<!tpu.dma_semaphore, #tpu.memory_space<semaphore_mem>>) src(%arg4 : memref<128x64xf32, #tpu.memory_space<hbm>>) dst(%arg10 : memref<128x64xf32, #tpu.memory_space<vmem>>)
    %run_scoped3A_90 = arith.constant 1 : i32
    "tpu.region"() ({
      %run_scoped3A_102 = tpu.sem_alloc : memref<!tpu.dma_semaphore, #tpu.memory_space<semaphore_mem>>
      %dma_start3A_103 = arith.constant 0 : i32
      %dma_start3A_104 = tpu.memref_slice %arg13[%run_scoped3A_90, %dma_start3A_103] : memref<2x128xi32, #tpu.memory_space<vmem>> -> memref<1x128xi32, #tpu.memory_space<vmem>>
      %dma_start3A_105 = tpu.memref_squeeze %dma_start3A_104 : memref<1x128xi32, #tpu.memory_space<vmem>> -> memref<128xi32, #tpu.memory_space<vmem>>
      %dma_start3A_106 = arith.constant 0 : i32
      %dma_start3A_107 = arith.constant 0 : i32
      %dma_start3A_108 = tpu.memref_slice %arg20[%dma_start3A_106, %dma_start3A_107] : memref<10240x64xf32, #tpu.memory_space<vmem_shared>> -> memref<10240x64xf32, #tpu.memory_space<vmem_shared>>
      tpu.enqueue_indirect_dma source(%arg10 : memref<128x64xf32, #tpu.memory_space<vmem>>) target(%dma_start3A_108 : memref<10240x64xf32, #tpu.memory_space<vmem_shared>>) offsets(%dma_start3A_105 : memref<128xi32, #tpu.memory_space<vmem>>) semaphore(%run_scoped3A_102 : memref<!tpu.dma_semaphore, #tpu.memory_space<semaphore_mem>>) {add = true}
      %dma_wait3A_109 = arith.constant 0 : i32
      %dma_wait3A_110 = tpu.memref_slice %arg13[%run_scoped3A_90, %dma_wait3A_109] : memref<2x128xi32, #tpu.memory_space<vmem>> -> memref<1x128xi32, #tpu.memory_space<vmem>>
      %dma_wait3A_111 = tpu.memref_squeeze %dma_wait3A_110 : memref<1x128xi32, #tpu.memory_space<vmem>> -> memref<128xi32, #tpu.memory_space<vmem>>
      %dma_wait3A_112 = arith.constant 0 : i32
      %dma_wait3A_113 = arith.constant 0 : i32
      %dma_wait3A_114 = tpu.memref_slice %arg20[%dma_wait3A_112, %dma_wait3A_113] : memref<10240x64xf32, #tpu.memory_space<vmem_shared>> -> memref<10240x64xf32, #tpu.memory_space<vmem_shared>>
      tpu.wait_indirect_dma semaphore(%run_scoped3A_102 : memref<!tpu.dma_semaphore, #tpu.memory_space<semaphore_mem>>) src(%arg10 : memref<128x64xf32, #tpu.memory_space<vmem>>) dst(%dma_wait3A_114 : memref<10240x64xf32, #tpu.memory_space<vmem_shared>>)
      tpu.yield
    }) : () -> ()
    %barrier3A_91 = arith.constant 0 : index
    tpu.barrier barrier_id(%barrier3A_91)
    %add3A_92 = arith.constant 0 : i32
    %add3A_93 = arith.addi %mul3A_0, %add3A_92 : i32
    "tpu.region"() ({
      %run_scoped3A_102 = tpu.sem_alloc : memref<!tpu.dma_semaphore, #tpu.memory_space<semaphore_mem>>
      %dma_start3A_103 = arith.constant 0 : i32
      %dma_start3A_104 = tpu.memref_slice %arg20[%add3A_93, %dma_start3A_103] : memref<10240x64xf32, #tpu.memory_space<vmem_shared>> -> memref<128x64xf32, #tpu.memory_space<vmem_shared>>
      %dma_start3A_105 = arith.constant 0 : i32
      %dma_start3A_106 = tpu.memref_slice %arg20[%add3A_93, %dma_start3A_105] : memref<10240x64xf32, #tpu.memory_space<vmem_shared>> -> memref<128x64xf32, #tpu.memory_space<vmem_shared>>
      tpu.enqueue_dma source(%dma_start3A_106 : memref<128x64xf32, #tpu.memory_space<vmem_shared>>) target(%arg8 : memref<128x64xf32, #tpu.memory_space<vmem>>) target_semaphore(%run_scoped3A_102 : memref<!tpu.dma_semaphore, #tpu.memory_space<semaphore_mem>>)
      %dma_wait3A_107 = arith.constant 0 : i32
      %dma_wait3A_108 = tpu.memref_slice %arg20[%add3A_93, %dma_wait3A_107] : memref<10240x64xf32, #tpu.memory_space<vmem_shared>> -> memref<128x64xf32, #tpu.memory_space<vmem_shared>>
      %dma_wait3A_109 = arith.constant 0 : i32
      %dma_wait3A_110 = tpu.memref_slice %arg20[%add3A_93, %dma_wait3A_109] : memref<10240x64xf32, #tpu.memory_space<vmem_shared>> -> memref<128x64xf32, #tpu.memory_space<vmem_shared>>
      tpu.wait_dma2 semaphore(%run_scoped3A_102 : memref<!tpu.dma_semaphore, #tpu.memory_space<semaphore_mem>>) src(%dma_wait3A_110 : memref<128x64xf32, #tpu.memory_space<vmem_shared>>) dst(%arg8 : memref<128x64xf32, #tpu.memory_space<vmem>>)
      tpu.yield
    }) : () -> ()
    "tpu.region"() ({
      %run_scoped3A_102 = tpu.sem_alloc : memref<!tpu.dma_semaphore, #tpu.memory_space<semaphore_mem>>
      %dma_start3A_103 = arith.constant 0 : i32
      %dma_start3A_104 = tpu.memref_slice %arg7[%arg0, %add3A_93, %dma_start3A_103] : memref<2x10240x64xf32, #tpu.memory_space<hbm>> -> memref<1x128x64xf32, #tpu.memory_space<hbm>>
      %dma_start3A_105 = tpu.memref_squeeze %dma_start3A_104 : memref<1x128x64xf32, #tpu.memory_space<hbm>> -> memref<128x64xf32, #tpu.memory_space<hbm>>
      %dma_start3A_106 = arith.constant 0 : i32
      %dma_start3A_107 = tpu.memref_slice %arg7[%arg0, %add3A_93, %dma_start3A_106] : memref<2x10240x64xf32, #tpu.memory_space<hbm>> -> memref<1x128x64xf32, #tpu.memory_space<hbm>>
      %dma_start3A_108 = tpu.memref_squeeze %dma_start3A_107 : memref<1x128x64xf32, #tpu.memory_space<hbm>> -> memref<128x64xf32, #tpu.memory_space<hbm>>
      tpu.enqueue_dma source(%arg8 : memref<128x64xf32, #tpu.memory_space<vmem>>) target(%dma_start3A_108 : memref<128x64xf32, #tpu.memory_space<hbm>>) target_semaphore(%run_scoped3A_102 : memref<!tpu.dma_semaphore, #tpu.memory_space<semaphore_mem>>)
      %dma_wait3A_109 = arith.constant 0 : i32
      %dma_wait3A_110 = tpu.memref_slice %arg7[%arg0, %add3A_93, %dma_wait3A_109] : memref<2x10240x64xf32, #tpu.memory_space<hbm>> -> memref<1x128x64xf32, #tpu.memory_space<hbm>>
      %dma_wait3A_111 = tpu.memref_squeeze %dma_wait3A_110 : memref<1x128x64xf32, #tpu.memory_space<hbm>> -> memref<128x64xf32, #tpu.memory_space<hbm>>
      %dma_wait3A_112 = arith.constant 0 : i32
      %dma_wait3A_113 = tpu.memref_slice %arg7[%arg0, %add3A_93, %dma_wait3A_112] : memref<2x10240x64xf32, #tpu.memory_space<hbm>> -> memref<1x128x64xf32, #tpu.memory_space<hbm>>
      %dma_wait3A_114 = tpu.memref_squeeze %dma_wait3A_113 : memref<1x128x64xf32, #tpu.memory_space<hbm>> -> memref<128x64xf32, #tpu.memory_space<hbm>>
      tpu.wait_dma2 semaphore(%run_scoped3A_102 : memref<!tpu.dma_semaphore, #tpu.memory_space<semaphore_mem>>) src(%arg8 : memref<128x64xf32, #tpu.memory_space<vmem>>) dst(%dma_wait3A_114 : memref<128x64xf32, #tpu.memory_space<hbm>>)
      tpu.yield
    }) : () -> ()
    %add3A_94 = arith.constant 128 : i32
    %add3A_95 = arith.addi %mul3A_0, %add3A_94 : i32
    "tpu.region"() ({
      %run_scoped3A_102 = tpu.sem_alloc : memref<!tpu.dma_semaphore, #tpu.memory_space<semaphore_mem>>
      %dma_start3A_103 = arith.constant 0 : i32
      %dma_start3A_104 = tpu.memref_slice %arg20[%add3A_95, %dma_start3A_103] : memref<10240x64xf32, #tpu.memory_space<vmem_shared>> -> memref<128x64xf32, #tpu.memory_space<vmem_shared>>
      %dma_start3A_105 = arith.constant 0 : i32
      %dma_start3A_106 = tpu.memref_slice %arg20[%add3A_95, %dma_start3A_105] : memref<10240x64xf32, #tpu.memory_space<vmem_shared>> -> memref<128x64xf32, #tpu.memory_space<vmem_shared>>
      tpu.enqueue_dma source(%dma_start3A_106 : memref<128x64xf32, #tpu.memory_space<vmem_shared>>) target(%arg8 : memref<128x64xf32, #tpu.memory_space<vmem>>) target_semaphore(%run_scoped3A_102 : memref<!tpu.dma_semaphore, #tpu.memory_space<semaphore_mem>>)
      %dma_wait3A_107 = arith.constant 0 : i32
      %dma_wait3A_108 = tpu.memref_slice %arg20[%add3A_95, %dma_wait3A_107] : memref<10240x64xf32, #tpu.memory_space<vmem_shared>> -> memref<128x64xf32, #tpu.memory_space<vmem_shared>>
      %dma_wait3A_109 = arith.constant 0 : i32
      %dma_wait3A_110 = tpu.memref_slice %arg20[%add3A_95, %dma_wait3A_109] : memref<10240x64xf32, #tpu.memory_space<vmem_shared>> -> memref<128x64xf32, #tpu.memory_space<vmem_shared>>
      tpu.wait_dma2 semaphore(%run_scoped3A_102 : memref<!tpu.dma_semaphore, #tpu.memory_space<semaphore_mem>>) src(%dma_wait3A_110 : memref<128x64xf32, #tpu.memory_space<vmem_shared>>) dst(%arg8 : memref<128x64xf32, #tpu.memory_space<vmem>>)
      tpu.yield
    }) : () -> ()
    "tpu.region"() ({
      %run_scoped3A_102 = tpu.sem_alloc : memref<!tpu.dma_semaphore, #tpu.memory_space<semaphore_mem>>
      %dma_start3A_103 = arith.constant 0 : i32
      %dma_start3A_104 = tpu.memref_slice %arg7[%arg0, %add3A_95, %dma_start3A_103] : memref<2x10240x64xf32, #tpu.memory_space<hbm>> -> memref<1x128x64xf32, #tpu.memory_space<hbm>>
      %dma_start3A_105 = tpu.memref_squeeze %dma_start3A_104 : memref<1x128x64xf32, #tpu.memory_space<hbm>> -> memref<128x64xf32, #tpu.memory_space<hbm>>
      %dma_start3A_106 = arith.constant 0 : i32
      %dma_start3A_107 = tpu.memref_slice %arg7[%arg0, %add3A_95, %dma_start3A_106] : memref<2x10240x64xf32, #tpu.memory_space<hbm>> -> memref<1x128x64xf32, #tpu.memory_space<hbm>>
      %dma_start3A_108 = tpu.memref_squeeze %dma_start3A_107 : memref<1x128x64xf32, #tpu.memory_space<hbm>> -> memref<128x64xf32, #tpu.memory_space<hbm>>
      tpu.enqueue_dma source(%arg8 : memref<128x64xf32, #tpu.memory_space<vmem>>) target(%dma_start3A_108 : memref<128x64xf32, #tpu.memory_space<hbm>>) target_semaphore(%run_scoped3A_102 : memref<!tpu.dma_semaphore, #tpu.memory_space<semaphore_mem>>)
      %dma_wait3A_109 = arith.constant 0 : i32
      %dma_wait3A_110 = tpu.memref_slice %arg7[%arg0, %add3A_95, %dma_wait3A_109] : memref<2x10240x64xf32, #tpu.memory_space<hbm>> -> memref<1x128x64xf32, #tpu.memory_space<hbm>>
      %dma_wait3A_111 = tpu.memref_squeeze %dma_wait3A_110 : memref<1x128x64xf32, #tpu.memory_space<hbm>> -> memref<128x64xf32, #tpu.memory_space<hbm>>
      %dma_wait3A_112 = arith.constant 0 : i32
      %dma_wait3A_113 = tpu.memref_slice %arg7[%arg0, %add3A_95, %dma_wait3A_112] : memref<2x10240x64xf32, #tpu.memory_space<hbm>> -> memref<1x128x64xf32, #tpu.memory_space<hbm>>
      %dma_wait3A_114 = tpu.memref_squeeze %dma_wait3A_113 : memref<1x128x64xf32, #tpu.memory_space<hbm>> -> memref<128x64xf32, #tpu.memory_space<hbm>>
      tpu.wait_dma2 semaphore(%run_scoped3A_102 : memref<!tpu.dma_semaphore, #tpu.memory_space<semaphore_mem>>) src(%arg8 : memref<128x64xf32, #tpu.memory_space<vmem>>) dst(%dma_wait3A_114 : memref<128x64xf32, #tpu.memory_space<hbm>>)
      tpu.yield
    }) : () -> ()
    %add3A_96 = arith.constant 256 : i32
    %add3A_97 = arith.addi %mul3A_0, %add3A_96 : i32
    "tpu.region"() ({
      %run_scoped3A_102 = tpu.sem_alloc : memref<!tpu.dma_semaphore, #tpu.memory_space<semaphore_mem>>
      %dma_start3A_103 = arith.constant 0 : i32
      %dma_start3A_104 = tpu.memref_slice %arg20[%add3A_97, %dma_start3A_103] : memref<10240x64xf32, #tpu.memory_space<vmem_shared>> -> memref<128x64xf32, #tpu.memory_space<vmem_shared>>
      %dma_start3A_105 = arith.constant 0 : i32
      %dma_start3A_106 = tpu.memref_slice %arg20[%add3A_97, %dma_start3A_105] : memref<10240x64xf32, #tpu.memory_space<vmem_shared>> -> memref<128x64xf32, #tpu.memory_space<vmem_shared>>
      tpu.enqueue_dma source(%dma_start3A_106 : memref<128x64xf32, #tpu.memory_space<vmem_shared>>) target(%arg8 : memref<128x64xf32, #tpu.memory_space<vmem>>) target_semaphore(%run_scoped3A_102 : memref<!tpu.dma_semaphore, #tpu.memory_space<semaphore_mem>>)
      %dma_wait3A_107 = arith.constant 0 : i32
      %dma_wait3A_108 = tpu.memref_slice %arg20[%add3A_97, %dma_wait3A_107] : memref<10240x64xf32, #tpu.memory_space<vmem_shared>> -> memref<128x64xf32, #tpu.memory_space<vmem_shared>>
      %dma_wait3A_109 = arith.constant 0 : i32
      %dma_wait3A_110 = tpu.memref_slice %arg20[%add3A_97, %dma_wait3A_109] : memref<10240x64xf32, #tpu.memory_space<vmem_shared>> -> memref<128x64xf32, #tpu.memory_space<vmem_shared>>
      tpu.wait_dma2 semaphore(%run_scoped3A_102 : memref<!tpu.dma_semaphore, #tpu.memory_space<semaphore_mem>>) src(%dma_wait3A_110 : memref<128x64xf32, #tpu.memory_space<vmem_shared>>) dst(%arg8 : memref<128x64xf32, #tpu.memory_space<vmem>>)
      tpu.yield
    }) : () -> ()
    "tpu.region"() ({
      %run_scoped3A_102 = tpu.sem_alloc : memref<!tpu.dma_semaphore, #tpu.memory_space<semaphore_mem>>
      %dma_start3A_103 = arith.constant 0 : i32
      %dma_start3A_104 = tpu.memref_slice %arg7[%arg0, %add3A_97, %dma_start3A_103] : memref<2x10240x64xf32, #tpu.memory_space<hbm>> -> memref<1x128x64xf32, #tpu.memory_space<hbm>>
      %dma_start3A_105 = tpu.memref_squeeze %dma_start3A_104 : memref<1x128x64xf32, #tpu.memory_space<hbm>> -> memref<128x64xf32, #tpu.memory_space<hbm>>
      %dma_start3A_106 = arith.constant 0 : i32
      %dma_start3A_107 = tpu.memref_slice %arg7[%arg0, %add3A_97, %dma_start3A_106] : memref<2x10240x64xf32, #tpu.memory_space<hbm>> -> memref<1x128x64xf32, #tpu.memory_space<hbm>>
      %dma_start3A_108 = tpu.memref_squeeze %dma_start3A_107 : memref<1x128x64xf32, #tpu.memory_space<hbm>> -> memref<128x64xf32, #tpu.memory_space<hbm>>
      tpu.enqueue_dma source(%arg8 : memref<128x64xf32, #tpu.memory_space<vmem>>) target(%dma_start3A_108 : memref<128x64xf32, #tpu.memory_space<hbm>>) target_semaphore(%run_scoped3A_102 : memref<!tpu.dma_semaphore, #tpu.memory_space<semaphore_mem>>)
      %dma_wait3A_109 = arith.constant 0 : i32
      %dma_wait3A_110 = tpu.memref_slice %arg7[%arg0, %add3A_97, %dma_wait3A_109] : memref<2x10240x64xf32, #tpu.memory_space<hbm>> -> memref<1x128x64xf32, #tpu.memory_space<hbm>>
      %dma_wait3A_111 = tpu.memref_squeeze %dma_wait3A_110 : memref<1x128x64xf32, #tpu.memory_space<hbm>> -> memref<128x64xf32, #tpu.memory_space<hbm>>
      %dma_wait3A_112 = arith.constant 0 : i32
      %dma_wait3A_113 = tpu.memref_slice %arg7[%arg0, %add3A_97, %dma_wait3A_112] : memref<2x10240x64xf32, #tpu.memory_space<hbm>> -> memref<1x128x64xf32, #tpu.memory_space<hbm>>
      %dma_wait3A_114 = tpu.memref_squeeze %dma_wait3A_113 : memref<1x128x64xf32, #tpu.memory_space<hbm>> -> memref<128x64xf32, #tpu.memory_space<hbm>>
      tpu.wait_dma2 semaphore(%run_scoped3A_102 : memref<!tpu.dma_semaphore, #tpu.memory_space<semaphore_mem>>) src(%arg8 : memref<128x64xf32, #tpu.memory_space<vmem>>) dst(%dma_wait3A_114 : memref<128x64xf32, #tpu.memory_space<hbm>>)
      tpu.yield
    }) : () -> ()
    %add3A_98 = arith.constant 384 : i32
    %add3A_99 = arith.addi %mul3A_0, %add3A_98 : i32
    "tpu.region"() ({
      %run_scoped3A_102 = tpu.sem_alloc : memref<!tpu.dma_semaphore, #tpu.memory_space<semaphore_mem>>
      %dma_start3A_103 = arith.constant 0 : i32
      %dma_start3A_104 = tpu.memref_slice %arg20[%add3A_99, %dma_start3A_103] : memref<10240x64xf32, #tpu.memory_space<vmem_shared>> -> memref<128x64xf32, #tpu.memory_space<vmem_shared>>
      %dma_start3A_105 = arith.constant 0 : i32
      %dma_start3A_106 = tpu.memref_slice %arg20[%add3A_99, %dma_start3A_105] : memref<10240x64xf32, #tpu.memory_space<vmem_shared>> -> memref<128x64xf32, #tpu.memory_space<vmem_shared>>
      tpu.enqueue_dma source(%dma_start3A_106 : memref<128x64xf32, #tpu.memory_space<vmem_shared>>) target(%arg8 : memref<128x64xf32, #tpu.memory_space<vmem>>) target_semaphore(%run_scoped3A_102 : memref<!tpu.dma_semaphore, #tpu.memory_space<semaphore_mem>>)
      %dma_wait3A_107 = arith.constant 0 : i32
      %dma_wait3A_108 = tpu.memref_slice %arg20[%add3A_99, %dma_wait3A_107] : memref<10240x64xf32, #tpu.memory_space<vmem_shared>> -> memref<128x64xf32, #tpu.memory_space<vmem_shared>>
      %dma_wait3A_109 = arith.constant 0 : i32
      %dma_wait3A_110 = tpu.memref_slice %arg20[%add3A_99, %dma_wait3A_109] : memref<10240x64xf32, #tpu.memory_space<vmem_shared>> -> memref<128x64xf32, #tpu.memory_space<vmem_shared>>
      tpu.wait_dma2 semaphore(%run_scoped3A_102 : memref<!tpu.dma_semaphore, #tpu.memory_space<semaphore_mem>>) src(%dma_wait3A_110 : memref<128x64xf32, #tpu.memory_space<vmem_shared>>) dst(%arg8 : memref<128x64xf32, #tpu.memory_space<vmem>>)
      tpu.yield
    }) : () -> ()
    "tpu.region"() ({
      %run_scoped3A_102 = tpu.sem_alloc : memref<!tpu.dma_semaphore, #tpu.memory_space<semaphore_mem>>
      %dma_start3A_103 = arith.constant 0 : i32
      %dma_start3A_104 = tpu.memref_slice %arg7[%arg0, %add3A_99, %dma_start3A_103] : memref<2x10240x64xf32, #tpu.memory_space<hbm>> -> memref<1x128x64xf32, #tpu.memory_space<hbm>>
      %dma_start3A_105 = tpu.memref_squeeze %dma_start3A_104 : memref<1x128x64xf32, #tpu.memory_space<hbm>> -> memref<128x64xf32, #tpu.memory_space<hbm>>
      %dma_start3A_106 = arith.constant 0 : i32
      %dma_start3A_107 = tpu.memref_slice %arg7[%arg0, %add3A_99, %dma_start3A_106] : memref<2x10240x64xf32, #tpu.memory_space<hbm>> -> memref<1x128x64xf32, #tpu.memory_space<hbm>>
      %dma_start3A_108 = tpu.memref_squeeze %dma_start3A_107 : memref<1x128x64xf32, #tpu.memory_space<hbm>> -> memref<128x64xf32, #tpu.memory_space<hbm>>
      tpu.enqueue_dma source(%arg8 : memref<128x64xf32, #tpu.memory_space<vmem>>) target(%dma_start3A_108 : memref<128x64xf32, #tpu.memory_space<hbm>>) target_semaphore(%run_scoped3A_102 : memref<!tpu.dma_semaphore, #tpu.memory_space<semaphore_mem>>)
      %dma_wait3A_109 = arith.constant 0 : i32
      %dma_wait3A_110 = tpu.memref_slice %arg7[%arg0, %add3A_99, %dma_wait3A_109] : memref<2x10240x64xf32, #tpu.memory_space<hbm>> -> memref<1x128x64xf32, #tpu.memory_space<hbm>>
      %dma_wait3A_111 = tpu.memref_squeeze %dma_wait3A_110 : memref<1x128x64xf32, #tpu.memory_space<hbm>> -> memref<128x64xf32, #tpu.memory_space<hbm>>
      %dma_wait3A_112 = arith.constant 0 : i32
      %dma_wait3A_113 = tpu.memref_slice %arg7[%arg0, %add3A_99, %dma_wait3A_112] : memref<2x10240x64xf32, #tpu.memory_space<hbm>> -> memref<1x128x64xf32, #tpu.memory_space<hbm>>
      %dma_wait3A_114 = tpu.memref_squeeze %dma_wait3A_113 : memref<1x128x64xf32, #tpu.memory_space<hbm>> -> memref<128x64xf32, #tpu.memory_space<hbm>>
      tpu.wait_dma2 semaphore(%run_scoped3A_102 : memref<!tpu.dma_semaphore, #tpu.memory_space<semaphore_mem>>) src(%arg8 : memref<128x64xf32, #tpu.memory_space<vmem>>) dst(%dma_wait3A_114 : memref<128x64xf32, #tpu.memory_space<hbm>>)
      tpu.yield
    }) : () -> ()
    %add3A_100 = arith.constant 512 : i32
    %add3A_101 = arith.addi %mul3A_0, %add3A_100 : i32
    "tpu.region"() ({
      %run_scoped3A_102 = tpu.sem_alloc : memref<!tpu.dma_semaphore, #tpu.memory_space<semaphore_mem>>
      %dma_start3A_103 = arith.constant 0 : i32
      %dma_start3A_104 = tpu.memref_slice %arg20[%add3A_101, %dma_start3A_103] : memref<10240x64xf32, #tpu.memory_space<vmem_shared>> -> memref<128x64xf32, #tpu.memory_space<vmem_shared>>
      %dma_start3A_105 = arith.constant 0 : i32
      %dma_start3A_106 = tpu.memref_slice %arg20[%add3A_101, %dma_start3A_105] : memref<10240x64xf32, #tpu.memory_space<vmem_shared>> -> memref<128x64xf32, #tpu.memory_space<vmem_shared>>
      tpu.enqueue_dma source(%dma_start3A_106 : memref<128x64xf32, #tpu.memory_space<vmem_shared>>) target(%arg8 : memref<128x64xf32, #tpu.memory_space<vmem>>) target_semaphore(%run_scoped3A_102 : memref<!tpu.dma_semaphore, #tpu.memory_space<semaphore_mem>>)
      %dma_wait3A_107 = arith.constant 0 : i32
      %dma_wait3A_108 = tpu.memref_slice %arg20[%add3A_101, %dma_wait3A_107] : memref<10240x64xf32, #tpu.memory_space<vmem_shared>> -> memref<128x64xf32, #tpu.memory_space<vmem_shared>>
      %dma_wait3A_109 = arith.constant 0 : i32
      %dma_wait3A_110 = tpu.memref_slice %arg20[%add3A_101, %dma_wait3A_109] : memref<10240x64xf32, #tpu.memory_space<vmem_shared>> -> memref<128x64xf32, #tpu.memory_space<vmem_shared>>
      tpu.wait_dma2 semaphore(%run_scoped3A_102 : memref<!tpu.dma_semaphore, #tpu.memory_space<semaphore_mem>>) src(%dma_wait3A_110 : memref<128x64xf32, #tpu.memory_space<vmem_shared>>) dst(%arg8 : memref<128x64xf32, #tpu.memory_space<vmem>>)
      tpu.yield
    }) : () -> ()
    "tpu.region"() ({
      %run_scoped3A_102 = tpu.sem_alloc : memref<!tpu.dma_semaphore, #tpu.memory_space<semaphore_mem>>
      %dma_start3A_103 = arith.constant 0 : i32
      %dma_start3A_104 = tpu.memref_slice %arg7[%arg0, %add3A_101, %dma_start3A_103] : memref<2x10240x64xf32, #tpu.memory_space<hbm>> -> memref<1x128x64xf32, #tpu.memory_space<hbm>>
      %dma_start3A_105 = tpu.memref_squeeze %dma_start3A_104 : memref<1x128x64xf32, #tpu.memory_space<hbm>> -> memref<128x64xf32, #tpu.memory_space<hbm>>
      %dma_start3A_106 = arith.constant 0 : i32
      %dma_start3A_107 = tpu.memref_slice %arg7[%arg0, %add3A_101, %dma_start3A_106] : memref<2x10240x64xf32, #tpu.memory_space<hbm>> -> memref<1x128x64xf32, #tpu.memory_space<hbm>>
      %dma_start3A_108 = tpu.memref_squeeze %dma_start3A_107 : memref<1x128x64xf32, #tpu.memory_space<hbm>> -> memref<128x64xf32, #tpu.memory_space<hbm>>
      tpu.enqueue_dma source(%arg8 : memref<128x64xf32, #tpu.memory_space<vmem>>) target(%dma_start3A_108 : memref<128x64xf32, #tpu.memory_space<hbm>>) target_semaphore(%run_scoped3A_102 : memref<!tpu.dma_semaphore, #tpu.memory_space<semaphore_mem>>)
      %dma_wait3A_109 = arith.constant 0 : i32
      %dma_wait3A_110 = tpu.memref_slice %arg7[%arg0, %add3A_101, %dma_wait3A_109] : memref<2x10240x64xf32, #tpu.memory_space<hbm>> -> memref<1x128x64xf32, #tpu.memory_space<hbm>>
      %dma_wait3A_111 = tpu.memref_squeeze %dma_wait3A_110 : memref<1x128x64xf32, #tpu.memory_space<hbm>> -> memref<128x64xf32, #tpu.memory_space<hbm>>
      %dma_wait3A_112 = arith.constant 0 : i32
      %dma_wait3A_113 = tpu.memref_slice %arg7[%arg0, %add3A_101, %dma_wait3A_112] : memref<2x10240x64xf32, #tpu.memory_space<hbm>> -> memref<1x128x64xf32, #tpu.memory_space<hbm>>
      %dma_wait3A_114 = tpu.memref_squeeze %dma_wait3A_113 : memref<1x128x64xf32, #tpu.memory_space<hbm>> -> memref<128x64xf32, #tpu.memory_space<hbm>>
      tpu.wait_dma2 semaphore(%run_scoped3A_102 : memref<!tpu.dma_semaphore, #tpu.memory_space<semaphore_mem>>) src(%arg8 : memref<128x64xf32, #tpu.memory_space<vmem>>) dst(%dma_wait3A_114 : memref<128x64xf32, #tpu.memory_space<hbm>>)
      tpu.yield
    }) : () -> ()
    return
  }
}

module attributes {stable_mosaic.version = 14 : i64} {
  func.func @body(%arg0: memref<10000x128xf32, #tpu.memory_space<vmem>>, %arg1: memref<128x128xf32, #tpu.memory_space<vmem>>, %arg2: memref<128x128xf32, #tpu.memory_space<vmem>>, %arg3: memref<2x10000x64xf32, #tpu.memory_space<vmem>>, %arg4: memref<10000x128xf32, #tpu.memory_space<vmem>>) attributes {dimension_semantics = [], scalar_prefetch = 0 : i64, scratch_operands = 0 : i64, tpu.core_type = #tpu.core_type<tc>} {
    %get3A = arith.constant 0 : index
    %get3A_0 = arith.constant 0 : index
    %get3A_1 = vector.load %arg0[%get3A, %get3A_0] : memref<10000x128xf32, #tpu.memory_space<vmem>>, vector<10000x128xf32>
    %get3A_2 = arith.constant 0 : index
    %get3A_3 = arith.constant 0 : index
    %get3A_4 = vector.load %arg1[%get3A_2, %get3A_3] : memref<128x128xf32, #tpu.memory_space<vmem>>, vector<128x128xf32>
    %dot_general3A = arith.constant dense<0.000000e+00> : vector<10000x128xf32>
    %dot_general3A_5 = tpu.matmul %get3A_1, %get3A_4, %dot_general3A {dimension_numbers = #tpu.dot_dimension_numbers<[1], [1], [0], [0], [0, 0, 1, 0], [], []>, transpose_lhs_hint = false} : vector<10000x128xf32>, vector<128x128xf32>, vector<10000x128xf32> -> vector<10000x128xf32>
    %slice3A = vector.extract_strided_slice %dot_general3A_5 {offsets = [0, 0], sizes = [10000, 64], strides = [1, 1]} : vector<10000x128xf32> to vector<10000x64xf32>
    %slice3A_6 = vector.extract_strided_slice %dot_general3A_5 {offsets = [0, 64], sizes = [10000, 64], strides = [1, 1]} : vector<10000x128xf32> to vector<10000x64xf32>
    %stack3A = vector.shape_cast %slice3A : vector<10000x64xf32> to vector<1x10000x64xf32>
    %stack3A_7 = vector.shape_cast %slice3A_6 : vector<10000x64xf32> to vector<1x10000x64xf32>
    %stack3A_8 = tpu.concatenate %stack3A, %stack3A_7 in 0 : vector<1x10000x64xf32>, vector<1x10000x64xf32> -> vector<2x10000x64xf32>
    %swap3A = arith.constant 0 : index
    %swap3A_9 = arith.constant 0 : index
    %swap3A_10 = arith.constant 0 : index
    %swap3A_11 = vector.load %arg3[%swap3A, %swap3A_9, %swap3A_10] : memref<2x10000x64xf32, #tpu.memory_space<vmem>>, vector<2x10000x64xf32>
    tpu.vector_store %arg3[%swap3A, %swap3A_9, %swap3A_10], %stack3A_8 {strides = array<i32>} : memref<2x10000x64xf32, #tpu.memory_space<vmem>>, vector<2x10000x64xf32>,
    %get3A_12 = arith.constant 0 : index
    %get3A_13 = arith.constant 0 : index
    %get3A_14 = vector.load %arg2[%get3A_12, %get3A_13] : memref<128x128xf32, #tpu.memory_space<vmem>>, vector<128x128xf32>
    %dot_general3A_15 = arith.constant dense<0.000000e+00> : vector<10000x128xf32>
    %dot_general3A_16 = tpu.matmul %get3A_1, %get3A_14, %dot_general3A_15 {dimension_numbers = #tpu.dot_dimension_numbers<[1], [1], [0], [0], [0, 0, 1, 0], [], []>, transpose_lhs_hint = false} : vector<10000x128xf32>, vector<128x128xf32>, vector<10000x128xf32> -> vector<10000x128xf32>
    %swap3A_17 = arith.constant 0 : index
    %swap3A_18 = arith.constant 0 : index
    %swap3A_19 = vector.load %arg4[%swap3A_17, %swap3A_18] : memref<10000x128xf32, #tpu.memory_space<vmem>>, vector<10000x128xf32>
    tpu.vector_store %arg4[%swap3A_17, %swap3A_18], %dot_general3A_16 {strides = array<i32>} : memref<10000x128xf32, #tpu.memory_space<vmem>>, vector<10000x128xf32>,
    return
  }
}

module attributes {stable_mosaic.version = 14 : i64} {
  func.func @body(%arg0: memref<2x10240x64xf32, #tpu.memory_space<vmem>>, %arg1: memref<2x10240xf32, #tpu.memory_space<vmem>>, %arg2: memref<10000x128xf32, #tpu.memory_space<vmem>>, %arg3: memref<1x128xf32, #tpu.memory_space<vmem>>, %arg4: memref<128x128xf32, #tpu.memory_space<vmem>>, %arg5: memref<128x128xf32, #tpu.memory_space<vmem>>, %arg6: memref<2x10000x64xf32, #tpu.memory_space<vmem>>, %arg7: memref<10000x128xf32, #tpu.memory_space<vmem>>) attributes {dimension_semantics = [], scalar_prefetch = 0 : i64, scratch_operands = 0 : i64, tpu.core_type = #tpu.core_type<tc>} {
    %get3A = arith.constant 0 : index
    %get3A_0 = arith.constant 0 : index
    %get3A_1 = arith.constant 0 : index
    %get3A_2 = vector.load %arg0[%get3A, %get3A_0, %get3A_1] : memref<2x10240x64xf32, #tpu.memory_space<vmem>>, vector<2x10240x64xf32>
    %slice3A = vector.extract_strided_slice %get3A_2 {offsets = [0, 0, 0], sizes = [1, 10000, 64], strides = [1, 1, 1]} : vector<2x10240x64xf32> to vector<1x10000x64xf32>
    %squeeze3A = vector.shape_cast %slice3A : vector<1x10000x64xf32> to vector<10000x64xf32>
    %slice3A_3 = vector.extract_strided_slice %get3A_2 {offsets = [1, 0, 0], sizes = [1, 10000, 64], strides = [1, 1, 1]} : vector<2x10240x64xf32> to vector<1x10000x64xf32>
    %squeeze3A_4 = vector.shape_cast %slice3A_3 : vector<1x10000x64xf32> to vector<10000x64xf32>
    %concatenate3A = tpu.concatenate %squeeze3A, %squeeze3A_4 in 1 : vector<10000x64xf32>, vector<10000x64xf32> -> vector<10000x128xf32>
    %get3A_5 = arith.constant 0 : index
    %get3A_6 = arith.constant 0 : index
    %get3A_7 = vector.load %arg1[%get3A_5, %get3A_6] : memref<2x10240xf32, #tpu.memory_space<vmem>>, vector<2x10240xf32>
    %slice3A_8 = vector.extract_strided_slice %get3A_7 {offsets = [0, 0], sizes = [1, 10000], strides = [1, 1]} : vector<2x10240xf32> to vector<1x10000xf32>
    %squeeze3A_9 = vector.shape_cast %slice3A_8 : vector<1x10000xf32> to vector<10000xf32>
    %slice3A_10 = vector.extract_strided_slice %get3A_7 {offsets = [1, 0], sizes = [1, 10000], strides = [1, 1]} : vector<2x10240xf32> to vector<1x10000xf32>
    %squeeze3A_11 = vector.shape_cast %slice3A_10 : vector<1x10000xf32> to vector<10000xf32>
    %add3A = arith.addf %squeeze3A_9, %squeeze3A_11 : vector<10000xf32>
    %max3A = arith.constant 1.000000e+00 : f32
    %max3A_12 = vector.broadcast %max3A : f32 to vector<10000xf32>
    %max3A_13 = arith.maximumf %add3A, %max3A_12 : vector<10000xf32>
    %broadcast_in_dim3A = vector.shape_cast %max3A_13 : vector<10000xf32> to vector<10000x1xf32>
    %div3A = vector.broadcast %broadcast_in_dim3A : vector<10000x1xf32> to vector<10000x128xf32>
    %div3A_14 = arith.divf %concatenate3A, %div3A : vector<10000x128xf32>
    %get3A_15 = arith.constant 0 : index
    %get3A_16 = arith.constant 0 : index
    %get3A_17 = vector.load %arg3[%get3A_15, %get3A_16] : memref<1x128xf32, #tpu.memory_space<vmem>>, vector<1x128xf32>
    %add3A_18 = vector.broadcast %get3A_17 : vector<1x128xf32> to vector<10000x128xf32>
    %add3A_19 = arith.addf %div3A_14, %add3A_18 : vector<10000x128xf32>
    %get3A_20 = arith.constant 0 : index
    %get3A_21 = arith.constant 0 : index
    %get3A_22 = vector.load %arg2[%get3A_20, %get3A_21] : memref<10000x128xf32, #tpu.memory_space<vmem>>, vector<10000x128xf32>
    %add3A_23 = arith.addf %add3A_19, %get3A_22 : vector<10000x128xf32>
    %max3A_24 = arith.constant 0.000000e+00 : f32
    %max3A_25 = vector.broadcast %max3A_24 : f32 to vector<10000x128xf32>
    %max3A_26 = arith.maximumf %add3A_23, %max3A_25 : vector<10000x128xf32>
    %get3A_27 = arith.constant 0 : index
    %get3A_28 = arith.constant 0 : index
    %get3A_29 = vector.load %arg4[%get3A_27, %get3A_28] : memref<128x128xf32, #tpu.memory_space<vmem>>, vector<128x128xf32>
    %dot_general3A = arith.constant dense<0.000000e+00> : vector<10000x128xf32>
    %dot_general3A_30 = tpu.matmul %max3A_26, %get3A_29, %dot_general3A {dimension_numbers = #tpu.dot_dimension_numbers<[1], [1], [0], [0], [0, 0, 1, 0], [], []>, transpose_lhs_hint = false} : vector<10000x128xf32>, vector<128x128xf32>, vector<10000x128xf32> -> vector<10000x128xf32>
    %slice3A_31 = vector.extract_strided_slice %dot_general3A_30 {offsets = [0, 0], sizes = [10000, 64], strides = [1, 1]} : vector<10000x128xf32> to vector<10000x64xf32>
    %slice3A_32 = vector.extract_strided_slice %dot_general3A_30 {offsets = [0, 64], sizes = [10000, 64], strides = [1, 1]} : vector<10000x128xf32> to vector<10000x64xf32>
    %stack3A = vector.shape_cast %slice3A_31 : vector<10000x64xf32> to vector<1x10000x64xf32>
    %stack3A_33 = vector.shape_cast %slice3A_32 : vector<10000x64xf32> to vector<1x10000x64xf32>
    %stack3A_34 = tpu.concatenate %stack3A, %stack3A_33 in 0 : vector<1x10000x64xf32>, vector<1x10000x64xf32> -> vector<2x10000x64xf32>
    %swap3A = arith.constant 0 : index
    %swap3A_35 = arith.constant 0 : index
    %swap3A_36 = arith.constant 0 : index
    %swap3A_37 = vector.load %arg6[%swap3A, %swap3A_35, %swap3A_36] : memref<2x10000x64xf32, #tpu.memory_space<vmem>>, vector<2x10000x64xf32>
    tpu.vector_store %arg6[%swap3A, %swap3A_35, %swap3A_36], %stack3A_34 {strides = array<i32>} : memref<2x10000x64xf32, #tpu.memory_space<vmem>>, vector<2x10000x64xf32>,
    %get3A_38 = arith.constant 0 : index
    %get3A_39 = arith.constant 0 : index
    %get3A_40 = vector.load %arg5[%get3A_38, %get3A_39] : memref<128x128xf32, #tpu.memory_space<vmem>>, vector<128x128xf32>
    %dot_general3A_41 = arith.constant dense<0.000000e+00> : vector<10000x128xf32>
    %dot_general3A_42 = tpu.matmul %max3A_26, %get3A_40, %dot_general3A_41 {dimension_numbers = #tpu.dot_dimension_numbers<[1], [1], [0], [0], [0, 0, 1, 0], [], []>, transpose_lhs_hint = false} : vector<10000x128xf32>, vector<128x128xf32>, vector<10000x128xf32> -> vector<10000x128xf32>
    %swap3A_43 = arith.constant 0 : index
    %swap3A_44 = arith.constant 0 : index
    %swap3A_45 = vector.load %arg7[%swap3A_43, %swap3A_44] : memref<10000x128xf32, #tpu.memory_space<vmem>>, vector<10000x128xf32>
    tpu.vector_store %arg7[%swap3A_43, %swap3A_44], %dot_general3A_42 {strides = array<i32>} : memref<10000x128xf32, #tpu.memory_space<vmem>>, vector<10000x128xf32>,
    return
  }
}

module attributes {stable_mosaic.version = 14 : i64} {
  func.func @body(%arg0: memref<2x10240x64xf32, #tpu.memory_space<vmem>>, %arg1: memref<2x10240xf32, #tpu.memory_space<vmem>>, %arg2: memref<10000x128xf32, #tpu.memory_space<vmem>>, %arg3: memref<1x128xf32, #tpu.memory_space<vmem>>, %arg4: memref<10000x128xf32, #tpu.memory_space<vmem>>) attributes {dimension_semantics = [], scalar_prefetch = 0 : i64, scratch_operands = 0 : i64, tpu.core_type = #tpu.core_type<tc>} {
    %get3A = arith.constant 0 : index
    %get3A_0 = arith.constant 0 : index
    %get3A_1 = arith.constant 0 : index
    %get3A_2 = vector.load %arg0[%get3A, %get3A_0, %get3A_1] : memref<2x10240x64xf32, #tpu.memory_space<vmem>>, vector<2x10240x64xf32>
    %slice3A = vector.extract_strided_slice %get3A_2 {offsets = [0, 0, 0], sizes = [1, 10000, 64], strides = [1, 1, 1]} : vector<2x10240x64xf32> to vector<1x10000x64xf32>
    %squeeze3A = vector.shape_cast %slice3A : vector<1x10000x64xf32> to vector<10000x64xf32>
    %slice3A_3 = vector.extract_strided_slice %get3A_2 {offsets = [1, 0, 0], sizes = [1, 10000, 64], strides = [1, 1, 1]} : vector<2x10240x64xf32> to vector<1x10000x64xf32>
    %squeeze3A_4 = vector.shape_cast %slice3A_3 : vector<1x10000x64xf32> to vector<10000x64xf32>
    %concatenate3A = tpu.concatenate %squeeze3A, %squeeze3A_4 in 1 : vector<10000x64xf32>, vector<10000x64xf32> -> vector<10000x128xf32>
    %get3A_5 = arith.constant 0 : index
    %get3A_6 = arith.constant 0 : index
    %get3A_7 = vector.load %arg1[%get3A_5, %get3A_6] : memref<2x10240xf32, #tpu.memory_space<vmem>>, vector<2x10240xf32>
    %slice3A_8 = vector.extract_strided_slice %get3A_7 {offsets = [0, 0], sizes = [1, 10000], strides = [1, 1]} : vector<2x10240xf32> to vector<1x10000xf32>
    %squeeze3A_9 = vector.shape_cast %slice3A_8 : vector<1x10000xf32> to vector<10000xf32>
    %slice3A_10 = vector.extract_strided_slice %get3A_7 {offsets = [1, 0], sizes = [1, 10000], strides = [1, 1]} : vector<2x10240xf32> to vector<1x10000xf32>
    %squeeze3A_11 = vector.shape_cast %slice3A_10 : vector<1x10000xf32> to vector<10000xf32>
    %add3A = arith.addf %squeeze3A_9, %squeeze3A_11 : vector<10000xf32>
    %max3A = arith.constant 1.000000e+00 : f32
    %max3A_12 = vector.broadcast %max3A : f32 to vector<10000xf32>
    %max3A_13 = arith.maximumf %add3A, %max3A_12 : vector<10000xf32>
    %broadcast_in_dim3A = vector.shape_cast %max3A_13 : vector<10000xf32> to vector<10000x1xf32>
    %div3A = vector.broadcast %broadcast_in_dim3A : vector<10000x1xf32> to vector<10000x128xf32>
    %div3A_14 = arith.divf %concatenate3A, %div3A : vector<10000x128xf32>
    %get3A_15 = arith.constant 0 : index
    %get3A_16 = arith.constant 0 : index
    %get3A_17 = vector.load %arg3[%get3A_15, %get3A_16] : memref<1x128xf32, #tpu.memory_space<vmem>>, vector<1x128xf32>
    %add3A_18 = vector.broadcast %get3A_17 : vector<1x128xf32> to vector<10000x128xf32>
    %add3A_19 = arith.addf %div3A_14, %add3A_18 : vector<10000x128xf32>
    %get3A_20 = arith.constant 0 : index
    %get3A_21 = arith.constant 0 : index
    %get3A_22 = vector.load %arg2[%get3A_20, %get3A_21] : memref<10000x128xf32, #tpu.memory_space<vmem>>, vector<10000x128xf32>
    %add3A_23 = arith.addf %add3A_19, %get3A_22 : vector<10000x128xf32>
    %swap3A = arith.constant 0 : index
    %swap3A_24 = arith.constant 0 : index
    %swap3A_25 = vector.load %arg4[%swap3A, %swap3A_24] : memref<10000x128xf32, #tpu.memory_space<vmem>>, vector<10000x128xf32>
    tpu.vector_store %arg4[%swap3A, %swap3A_24], %add3A_23 {strides = array<i32>} : memref<10000x128xf32, #tpu.memory_space<vmem>>, vector<10000x128xf32>,
    return
  }
}

</mosaic_0001>

<sc_bundles>
// kernel: kernel.10.cloned.1.call-start
scs
__scs_entry_jumppad:
0x0: {  	(pc) =	sbr.rel $0x88, $3  }
0x1: {  	(tag) =	ssettag $0x0;
	lr =	simm.s32 $0x1  }
0x2: {  	[smem:$0x3F99] =	sst lr;
	_ =	strace $0xD0000000  }
0x3: {  	_ = 	snop  }
0x4: {  	_ = 	snop  }
0x5: {  	_ = 	snop  }
0x6: {  	_ = 	snop  }
0x7: {  	_ = 	snop  }
__scs_overlays_trampoline_lowered:
0x8: {  	[smem:$0x3FA8] =	sst s0  }
0x9: {  	[smem:$0x3FA9] =	sst s1  }
0xa: {  	[smem:$0x3FAA] =	sst s2  }
0xb: {  	[smem:$0x3FAB] =	sst s3  }
0xc: {  	[smem:$0x3FAC] =	sst s4  }
0xd: {  	[smem:$0x3FAD] =	sst s5  }
0xe: {  	[smem:$0x3FAE] =	sst s6  }
0xf: {  	[smem:$0x3FAF] =	sst s7  }
0x10: {  	[smem:$0x3FB0] =	sst s8  }
0x11: {  	[smem:$0x3FB1] =	sst s9;
	s0 =	simm.s32 @!p0 $0x0  }
0x12: {  	s1 =	sld [smem:$0x3F97];
	s0 =	simm.s32 @p0 $0x1  }
0x13: {  	[smem:$0x3FB2] =	sst s0;
	s0 =	simm.s32 @!p1 $0x0  }
0x14: {  	s2 =	sld [smem:$0x3F96];
	s0 =	simm.s32 @p1 $0x1  }
0x15: {  	[smem:$0x3FB3] =	sst s0;
	s0 =	simm.s32 @!p2 $0x0  }
0x16: {  	s3 =	sld [smem:$0x3FDB];
	s0 =	simm.s32 @p2 $0x1  }
0x17: {  	s4 =	simm.s32 $0x1BF5;
	[smem:$0x3FB5] =	sst s0  }
0x18: {  	s0 =	sld [smem:$0x3F98];
	_ =	swait.ge [sflag:s4], $0x0  }
0x19: {  	s7 =	sld [smem:$0x3F99]  }
0x1a: {  	s8 =	sadd.s32 $0xFFFFE003, lr  }
0x1b: {  	s9 =	sadd.s32 $0xFFFFFEF7, lr;
	s5 =	simm.s32 $0xFFFFFFFF;
	p2 =	slt.u32 s8, $0xFFFFF086  }
0x1c: {  	p1 =	slt.u32 s9, $0xF7A;
	s5 =	simm.s32 @!p2 $0x0  }
0x1d: {  	s5 =	simm.s32 @p1 $0x1;
	p0 =	seq.s32 s7, s2  }
0x1e: {  	s7 =	smul.u32 @!p0 $0xF7A, s2;
	p2 =	seq.s32 @!p0 s5, $0x0  }
0x1f: {  	s9 =	smul.u32 $0xF7A, s1;
	s8 =	simm.s32 @!p0 $0x1BF5;
	p2 =	por !p2, p0  }
0x20: {  	[sflag:s8] =	ssyncset.s32 @!p0 $0xFFFFF086;
	s6 =	sadd.s32 @!p0 s3, s7;
	s7 =	simm.s32 @!p0 $0x108  }
0x21: {  	s3 =	sadd.s32 s3, s9;
	s6 =	sadd.s32 @!p0 $0x88, s6;
	s7 =	simm.s32 @p2 $0x1082  }
0x22: {  	[simem:s7], [sflag:s8] =	dma.local @!p0 [hbm:s6], $0xF7A  }
0x23: {  	s9 =	sor.u32 $0xD0000000, s2;
	s6 =	simm.s32 $0x108;
	_ =	swait.ge @!p0 [sflag:s8], $0x0  }
0x24: {  	s3 =	sadd.s32 $0x88, s3;
	s6 =	simm.s32 @!p1 $0x1082;
	[sflag:s4] =	ssyncset.s32 $0xFFFFF086  }
0x25: {  	[simem:s6], [sflag:s4] =	dma.local [hbm:s3], $0xF7A  }
0x26: {  	[smem:$0x3F99] =	sst s1;
	(tag) =	ssettag s2;
	_ =	strace s9  }
0x27: {  	s1 =	sld [smem:$0x3FA9]  }
0x28: {  	s2 =	sld [smem:$0x3FAA]  }
0x29: {  	s4 =	sld [smem:$0x3FAC]  }
0x2a: {  	p0 =	seq.s32 s5, $0x0;
	s5 =	sld [smem:$0x3FAD]  }
0x2b: {  	s6 =	sld [smem:$0x3FAE]  }
0x2c: {  	s7 =	sld [smem:$0x3FAF]  }
0x2d: {  	s3 =	simm.s32 $0x108;
	s8 =	sld [smem:$0x3FB0]  }
0x2e: {  	s3 =	simm.s32 @!p0 $0x1082;
	s9 =	sld [smem:$0x3FB1]  }
0x2f: {  	lr =	sadd.s32 s0, s3;
	s0 =	sld [smem:$0x3FA8]  }
0x30: {  	s3 =	sld [smem:$0x3FAB]  }
0x31: {  	[smem:$0x3FB4] =	sst s10  }
0x32: {  	s10 =	sld [smem:$0x3FB2];
	_ =	sdelay $0x3  }
0x33: {  	p0 =	seq.s32 s10, $0x1;
	s10 =	sld [smem:$0x3FB4];
	_ =	sdelay $0x3  }
0x34: {  	[smem:$0x3FB4] =	sst s10  }
0x35: {  	s10 =	sld [smem:$0x3FB3];
	_ =	sdelay $0x3  }
0x36: {  	p1 =	seq.s32 s10, $0x1;
	s10 =	sld [smem:$0x3FB4];
	_ =	sdelay $0x3  }
0x37: {  	[smem:$0x3FB4] =	sst s10  }
0x38: {  	s10 =	sld [smem:$0x3FB5]  }
0x39: {  	_ = 	snop;
	(pc) =	sbr.ind lr, $3  }
0x3a: {  	_ = 	snop  }
0x3b: {  	_ = 	snop  }
0x3c: {  	p2 =	seq.s32 s10, $0x1;
	s10 =	sld [smem:$0x3FB4]  }
0x3d: {  	_ =	shalt  }
0x3e: {  	_ =	shalt  }
0x3f: {  	_ =	shalt  }
0x40: {  	_ =	shalt  }
0x41: {  	_ =	shalt  }
0x42: {  	_ =	shalt  }
0x43: {  	_ =	shalt  }
0x44: {  	_ =	shalt  }
0x45: {  	_ =	shalt  }
0x46: {  	_ =	shalt  }
0x47: {  	_ =	shalt  }
0x48: {  	_ =	shalt  }
0x49: {  	_ =	shalt  }
0x4a: {  	_ =	shalt  }
0x4b: {  	_ =	shalt  }
0x4c: {  	_ =	shalt  }
0x4d: {  	_ =	shalt  }
0x4e: {  	_ =	shalt  }
0x4f: {  	_ =	shalt  }
0x50: {  	_ =	shalt  }
0x51: {  	_ =	shalt  }
0x52: {  	_ =	shalt  }
0x53: {  	_ =	shalt  }
0x54: {  	_ =	shalt  }
0x55: {  	_ =	shalt  }
0x56: {  	_ =	shalt  }
0x57: {  	_ =	shalt  }
0x58: {  	_ =	shalt  }
0x59: {  	_ =	shalt  }
0x5a: {  	_ =	shalt  }
0x5b: {  	_ =	shalt  }
0x5c: {  	_ =	shalt  }
0x5d: {  	_ =	shalt  }
0x5e: {  	_ =	shalt  }
0x5f: {  	_ =	shalt  }
0x60: {  	_ =	shalt  }
0x61: {  	_ =	shalt  }
0x62: {  	_ =	shalt  }
0x63: {  	_ =	shalt  }
0x64: {  	_ =	shalt  }
0x65: {  	_ =	shalt  }
0x66: {  	_ =	shalt  }
0x67: {  	_ =	shalt  }
0x68: {  	_ =	shalt  }
0x69: {  	_ =	shalt  }
0x6a: {  	_ =	shalt  }
0x6b: {  	_ =	shalt  }
0x6c: {  	_ =	shalt  }
0x6d: {  	_ =	shalt  }
0x6e: {  	_ =	shalt  }
0x6f: {  	_ =	shalt  }
0x70: {  	_ =	shalt  }
0x71: {  	_ =	shalt  }
0x72: {  	_ =	shalt  }
0x73: {  	_ =	shalt  }
0x74: {  	_ =	shalt  }
0x75: {  	_ =	shalt  }
0x76: {  	_ =	shalt  }
0x77: {  	_ =	shalt  }
0x78: {  	_ =	shalt  }
0x79: {  	_ =	shalt  }
0x7a: {  	_ =	shalt  }
0x7b: {  	_ =	shalt  }
0x7c: {  	_ =	shalt  }
0x7d: {  	_ =	shalt  }
0x7e: {  	_ =	shalt  }
0x7f: {  	_ =	shalt  }
0x80: {  	_ =	shalt  }
0x81: {  	_ =	shalt  }
0x82: {  	_ =	shalt  }
0x83: {  	_ =	shalt  }
0x84: {  	_ =	shalt  }
0x85: {  	_ =	shalt  }
0x86: {  	_ =	shalt  }
0x87: {  	_ =	shalt  }
.Lfunc_end0:
.L_simem_size_0:
called_computation.1_lowered:
.L_overlay_start_0:
0x88: {  	s2 =	sld [smem:$0x3FD9]  }
0x89: {  	s3 =	sld [smem:$0x3FFE];
	_ =	sdelay $0x1  }
0x8a: {  	s1 =	srdreg.scid  }
0x8b: {  	s0 =	sand.u32 $0x1, s1  }
0x8c: {  	s17 =	sshll.u32 s0, $0xA;
	s2 =	sadd.s32 s3, s2  }
0x8d: {  	s2 =	sadd.s32 s2, s17  }
0x8e: {  	[smem:$0x3FC0] =	sst s2  }
0x8f: {  	_ = 	snop  }
0x90: {  	s2 =	sld [smem:$0x3FD0];
	(tm) =	ssettm $0x1  }
0x91: {  	s18 =	sld [smem:$0x3FFB];
	_ =	sdelay $0x3  }
0x92: {  	_ =	strace s18  }
0x93: {  	s3 =	sld [smem:$0x3FFC];
	_ =	sdelay $0x3  }
0x94: {  	_ =	strace s3  }
0x95: {  	s3 =	sld [smem:$0x3FFD];
	_ =	sdelay $0x3  }
0x96: {  	_ =	strace s3  }
0x97: {  	_ =	strace $0x8FFFFFFF  }
0x98: {  	s19 =	sld [smem:$0x3FDB];
	_ =	sdelay $0x1  }
0x99: {  	s4 =	simm.s32 $_scs_section_size  }
0x9a: {  	s5 =	simm.s32 $_size__tile_overlayer_lowered;
	s6 =	simm.s32 $_tile_overlayer_lowered  }
0x9b: {  	s22 =	simm.s32 $0x1BFF;
	s21 =	sshll.u32 s6, $0x1;
	s3 =	sadd.s32 s4, s19  }
0x9c: {  	s7 =	simm.s32 $0x0;
	s20 =	sshll.u32 s5, $0x1;
	s5 =	sadd.s32 s21, s3  }
0x9d: {  	[timem:s7], [sflag:s22] =	dma.local [hbm:s5], s20  }
0x9e: {  	_ =	swait.ge [sflag:s22], s20  }
0x9f: {  	s4 =	ssub.s32 $0x0, s20;
	[sflag:s22] =	ssyncset.done $0x0  }
0xa0: {  	[sflag:s22] =	ssyncadd.s32 s4;
	_ =	sdelay $0x1  }
0xa1: {  	s23 =	simm.s32 $0x1B8B  }
0xa2: {  	_ =	swait.ge [sflag:s23], $0x1  }
0xa3: {  	[sflag:s23] =	ssyncset.done $0x0  }
0xa4: {  	s25 =	simm.s32 $0x1B8E;
	s24 =	sld [smem:$0x3FFE];
	[sflag:s23] =	ssyncadd.s32 $0xFFFFFFFF  }
0xa5: {  	s26 =	simm.s32 $execute0_lowered;
	[smem:$0x3FD2] =	sst s25  }
0xa6: {  	s5 =	sshll.u32 s26, $0x1;
	_ =	strace $0x80000049;
	[dreg:$0x1] =	wrdreg $0xFFFFFFFF  }
0xa7: {  	s28 =	simm.s32 $_size_execute0_lowered;
	s3 =	sadd.s32 s3, s5;
	[dreg:$0x0] =	wrdreg $0x0  }
0xa8: {  	s5 =	sshll.u32 s28, $0x1;
	[dreg:$0x2] =	wrdreg s3  }
0xa9: {  	[dreg:$0x3] =	wrdreg s5  }
0xaa: {  	[dreg:$0x4] =	wrdreg $0xC0  }
0xab: {  	_ =	task [dreg:s7], $0x5FFFF  }
0xac: {  	[dreg:$0x1] =	wrdreg $0xFFFFFFFF  }
0xad: {  	[dreg:$0x0] =	wrdreg $0x60  }
0xae: {  	[dreg:$0x2] =	wrdreg s2  }
0xaf: {  	[dreg:$0x3] =	wrdreg s24  }
0xb0: {  	[dreg:$0x4] =	wrdreg $0x103000  }
0xb1: {  	[dreg:$0x5] =	wrdreg $0x63000  }
0xb2: {  	[dreg:$0x6] =	wrdreg $0x9  }
0xb3: {  	_ =	task.clear_ibuf [dreg:s7], $0x7FFFF;
	_ =	strace $0x90000049  }
0xb4: {  	s29 =	simm.s32 $0x9;
	_ =	strace $0x8000004B  }
0xb5: {  	_ =	swait.ge [sflag:s29], $0x1  }
0xb6: {  	[sflag:s29] =	ssyncadd.s32 $0xFFFFFFFF  }
0xb7: {  	_ =	strace $0x9000004B  }
0xb8: {  	_ =	sfence  }
0xb9: {  	s30 =	sld [smem:$0x0];
	_ =	sdelay $0x2  }
0xba: {  	s31 =	sshll.u32 s1, $0xD;
	s1 =	sshrl.u32 s1, $0x2  }
0xbb: {  	s3 =	sand.u32 $0x4000, s31;
	s1 =	sadd.s32 s1, s30  }
0xbc: {  	s0 =	sor.u32 s3, s0;
	s1 =	sshll.u32 s1, $0x11  }
0xbd: {  	s0 =	sor.u32 s1, s0  }
0xbe: {  	s0 =	sadd.s32 $0x8F2B, s0  }
0xbf: {  	[sflag:s0] =	ssyncadd.remote.s32 $0x1  }
0xc0: {  	_ =	sfence.sel $0xFFFF  }
0xc1: {  	[dreg:$0x0] =	wrdreg $0xFFFFFFFF;
	(pc) =	sbr.abs _section_cstart, $3  }
0xc2: {  	[dreg:$0x1] =	wrdreg $0xFFFFFFFF  }
0xc3: {  	_ =	task.clear_ibuf [dreg:s7], $0x2FFFF;
	_ =	strace $0x9FFFFFFF  }
0xc4: {  	(tm) =	ssettm $0x7FFFFFFF  }
0xc5: {  	_ =	shalt  }
tec
execute0_lowered:
.L_overlay_start_1:
0x0: {  	(tag) =	ssettag $0x1  }
0x1: {  	s0 =	rddreg [dreg:$0x0]  }
0x2: {  	s3 =	rddreg [dreg:$0x1]  }
0x3: {  	s1 =	rddreg [dreg:$0x2]  }
0x4: {  	s2 =	rddreg [dreg:$0x3];
	s4 =	simm.s32 $0x0;
	s5 =	srdreg.scid  }
0x5: {  	s19 =	stileid.u32;
	s28 =	simm.s32 $0x6200;
	s29 =	simm.s32 $0x4  }
0x6: {  	s30 =	simm.s32 $0x80;
	s31 =	simm.s32 $0x5;
	s8 =	smul.u32 $0x9C40, s19  }
0x7: {  	[smem:$0x7FF] =	sst s4;
	s5 =	sand.u32 $0x1, s5;
	s15 =	smul.u32 $0xA000, s19  }
0x8: {  	s14 =	sadd.s32 $0x1800, s3;
	s9 =	sadd.s32 $0x16000, s3;
	s11 =	smul.u32 $0xA200, s19  }
0x9: {  	s3 =	sadd.s32 $0x16400, s3;
	s23 =	sshll.u32 s19, $0x6;
	s6 =	smul.u32 $0x9C400, s5  }
0xa: {  	_ =	strace $0x8000004A;
	s7 =	ssub.s32 $0x2, s5;
	[dreg:$0x5] =	wrdreg s9  }
0xb: {  	s24 =	sor.u32 $0x1C07, s23;
	s5 =	smul.u32 $0xA0000, s5;
	s22 =	sshrl.u32 s7, $0x1  }
0xc: {  	s16 =	sadd.s32 s8, s1;
	[dreg:$0x7] =	wrdreg s24;
	s25 =	sadd.s32 $0x2000, s15  }
0xd: {  	s26 =	sadd.s32 $0x4000, s15;
	s17 =	sadd.s32 $0x6000, s15;
	s12 =	sshrl.u32 s11, $0x3  }
0xe: {  	s18 =	sadd.s32 $0x8000, s15;
	s24 =	smul.u32 $0x1440, s19;
	s7 =	ssub.s32 s7, s22  }
0xf: {  	s6 =	sadd.s32 s8, s6;
	s8 =	sadd.s32 s15, s2;
	s9 =	sadd.s32 s25, s2  }
0x10: {  	s10 =	sadd.s32 s26, s2;
	s11 =	sadd.s32 s17, s2;
	s12 =	sadd.s32 s14, s12  }
0x11: {  	s13 =	sadd.s32 s18, s2;
	s15 =	sadd.s32 s15, s5;
	s23 =	sadd.s32 s5, s17  }
0x12: {  	s17 =	simm.s32 $0x6280;
	s20 =	sadd.s32 $0x20, s12;
	[dreg:$0x8] =	wrdreg s12  }
0x13: {  	s6 =	sshrl.u32 s6, $0x3;
	s12 =	sadd.s32 $0x40, s12;
	[dreg:$0x9] =	wrdreg s20  }
0x14: {  	s15 =	sshrl.u32 s15, $0x3;
	s0 =	sadd.s32 s0, s6;
	[dreg:$0xa] =	wrdreg s12  }
0x15: {  	s21 =	sadd.s32 s3, s15;
	s6 =	sadd.s32 s5, s26;
	[dreg:$0x6] =	wrdreg s0  }
0x16: {  	s15 =	simm.s32 $0x6180;
	s0 =	sadd.s32 s5, s25;
	[dreg:$0xb] =	wrdreg s21  }
0x17: {  	s22 =	sshrl.u32 s6, $0x3;
	s6 =	sshrl.u32 s23, $0x3;
	s5 =	sadd.s32 s5, s18  }
0x18: {  	s21 =	smax.u32 s7, $0x1;
	s23 =	sshrl.u32 s16, $0x3;
	s7 =	simm.s32 $0x4000  }
0x19: {  	s16 =	simm.s32 $0x3;
	s18 =	simm.s32 $0x0;
	s0 =	sshrl.u32 s0, $0x3  }
0x1a: {  	s25 =	sadd.s32 s3, s6;
	s26 =	sshrl.u32 s5, $0x3;
	s5 =	simm.s32 $0x6080  }
0x1b: {  	s6 =	simm.s32 $0x6;
	s0 =	sadd.s32 s3, s0;
	[dreg:$0xe] =	wrdreg s25  }
0x1c: {  	s25 =	simm.s32 $0x6000;
	[dreg:$0xc] =	wrdreg s0;
	s0 =	sadd.s32 s3, s22  }
0x1d: {  	s22 =	sadd.s32 s24, s14;
	s24 =	simm.s32 $0x7;
	s14 =	simm.s32 $0x2  }
0x1e: {  	[dreg:$0xd] =	wrdreg s0;
	s0 =	sadd.s32 s3, s26;
	s26 =	simm.s32 $0x6100  }
0x1f: {  	s3 =	simm.s32 $0x1;
	[dreg:$0xf] =	wrdreg s0;
	s0 =	simm.s32 $0x2000  }
.LBB2_1:
0x20: {  	s12 =	rddreg [dreg:$0x6]  }
0x21: {  	s19 =	rddreg [dreg:$0x7]  }
0x22: {  	[spmem:s23], [sflag:s19] =	dma.local [hbm:s12], $0x1388  }
0x23: {  	_ =	swait.ge [sflag:s24], $0x1388  }
0x24: {  	[sflag:s24] =	ssyncset.done $0x0  }
0x25: {  	s20 =	rddreg [dreg:$0x5];
	[sflag:s24] =	ssyncadd.s32 $0xFFFFEC78  }
0x26: {  	[tilespmem:s4], [sflag:$0x7] =	stream.linear.gather [hbm4b:s20+s4], $0x2000, $0x38;
	[tilespmem:$0x19F40] =	vst v63  }
0x27: {  	_ =	swait.ge [sflag:s24], $0x2000  }
0x28: {  	[sflag:s24] =	ssyncset.done $0x0  }
0x29: {  	[sflag:s24] =	ssyncadd.s32 $0xFFFFE000  }
0x2a: {  	[spmem:s8] =	stream.linear.scatter [tilespmem:s4], [sflag:$0x7], $0x2000, $0x38;
	[tilespmem:$0x19F40] =	vst v63  }
0x2b: {  	_ =	swait.ge [sflag:s24], $0x2000  }
0x2c: {  	[sflag:s24] =	ssyncset.done $0x0  }
0x2d: {  	[sflag:s24] =	ssyncadd.s32 $0xFFFFE000  }
0x2e: {  	[spmem:s9] =	stream.linear.scatter [tilespmem:s4], [sflag:$0x7], $0x2000, $0x38;
	[tilespmem:$0x19F40] =	vst v63  }
0x2f: {  	_ =	swait.ge [sflag:s24], $0x2000  }
0x30: {  	[sflag:s24] =	ssyncset.done $0x0  }
0x31: {  	[sflag:s24] =	ssyncadd.s32 $0xFFFFE000  }
0x32: {  	[spmem:s10] =	stream.linear.scatter [tilespmem:s4], [sflag:$0x7], $0x2000, $0x38;
	[tilespmem:$0x19F40] =	vst v63  }
0x33: {  	_ =	swait.ge [sflag:s24], $0x2000  }
0x34: {  	[sflag:s24] =	ssyncset.done $0x0  }
0x35: {  	[sflag:s24] =	ssyncadd.s32 $0xFFFFE000  }
0x36: {  	[spmem:s11] =	stream.linear.scatter [tilespmem:s4], [sflag:$0x7], $0x2000, $0x38;
	[tilespmem:$0x19F40] =	vst v63  }
0x37: {  	_ =	swait.ge [sflag:s24], $0x2000  }
0x38: {  	[sflag:s24] =	ssyncset.done $0x0  }
0x39: {  	[sflag:s24] =	ssyncadd.s32 $0xFFFFE000  }
0x3a: {  	[spmem:s13] =	stream.linear.scatter [tilespmem:s4], [sflag:$0x7], $0x2000, $0x38;
	[tilespmem:$0x19F40] =	vst v63  }
0x3b: {  	_ =	swait.ge [sflag:s24], $0x2000  }
0x3c: {  	[sflag:s24] =	ssyncset.done $0x0  }
0x3d: {  	[sflag:s24] =	ssyncadd.s32 $0xFFFFE000  }
0x3e: {  	[bflag:$0x0] =	sbarrier.arrive $0xFFFF  }
0x3f: {  	s19 =	rddreg [dreg:$0x8]  }
0x40: {  	[tilespmem:s25], [sflag:$0x4] =	stream.linear.gather [hbm4b:s19+s4], $0x100, $0x38;
	[tilespmem:$0x19F40] =	vst v63  }
0x41: {  	s20 =	rddreg [dreg:$0x9]  }
0x42: {  	[tilespmem:s26], [sflag:$0x5] =	stream.linear.gather [hbm4b:s20+s4], $0x100, $0x38;
	[tilespmem:$0x19F40] =	vst v63  }
0x43: {  	s19 =	rddreg [dreg:$0xa]  }
0x44: {  	[tilespmem:s28], [sflag:$0x6] =	stream.linear.gather [hbm4b:s19+s4], $0x100, $0x38;
	[tilespmem:$0x19F40] =	vst v63  }
0x45: {  	_ =	swait.ge [sflag:s29], $0x100  }
0x46: {  	[sflag:s29] =	ssyncset.done $0x0  }
0x47: {  	[sflag:s29] =	ssyncadd.s32 $0xFFFFFF00  }
0x48: {  	[tilespmem:s4], [sflag:$0x1] =	stream.indirect.gather [spmem:s1], $0x40, s25, s30, $0xb8;
	[tilespmem:$0x19F40] =	vst v63  }
0x49: {  	_ =	swait.ge [sflag:s31], $0x100  }
0x4a: {  	[sflag:s31] =	ssyncset.done $0x0  }
0x4b: {  	[sflag:s31] =	ssyncadd.s32 $0xFFFFFF00  }
0x4c: {  	[tilespmem:s0], [sflag:$0x2] =	stream.indirect.gather [spmem:s1], $0x40, s26, s30, $0xb8;
	[tilespmem:$0x19F40] =	vst v63  }
0x4d: {  	_ =	swait.ge [sflag:s3], $0x2000  }
0x4e: {  	[sflag:s3] =	ssyncset.done $0x0  }
0x4f: {  	[sflag:s3] =	ssyncadd.s32 $0xFFFFE000  }
0x50: {  	[spmem:s2] =	stream.indirect.scatter.add.f32 [tilespmem:s4], [sflag:$0x7], $0x40, s5, s30, $0xb8;
	[tilespmem:$0x19F40] =	vst v63  }
0x51: {  	_ =	swait.ge [sflag:s24], $0x2000  }
0x52: {  	s19 =	sadd.s32 $0xFFFFEC20, s22;
	[sflag:s24] =	ssyncset.done $0x0  }
0x53: {  	s20 =	sadd.s32 $0x1440, s19;
	[sflag:s24] =	ssyncadd.s32 $0xFFFFE000  }
0x54: {  	[tilespmem:s25], [sflag:$0x4] =	stream.linear.gather [hbm4b:s20+s4], $0x100, $0x38;
	[tilespmem:$0x19F40] =	vst v63  }
0x55: {  	_ =	swait.ge [sflag:s6], $0x100  }
0x56: {  	[sflag:s6] =	ssyncset.done $0x0  }
0x57: {  	[sflag:s6] =	ssyncadd.s32 $0xFFFFFF00  }
0x58: {  	[tilespmem:s7], [sflag:$0x3] =	stream.indirect.gather [spmem:s1], $0x40, s28, s30, $0xb8;
	[tilespmem:$0x19F40] =	vst v63  }
0x59: {  	_ =	swait.ge [sflag:s14], $0x2000  }
0x5a: {  	[sflag:s14] =	ssyncset.done $0x0  }
0x5b: {  	[sflag:s14] =	ssyncadd.s32 $0xFFFFE000  }
0x5c: {  	[spmem:s2] =	stream.indirect.scatter.add.f32 [tilespmem:s0], [sflag:$0x7], $0x40, s15, s30, $0xb8;
	[tilespmem:$0x19F40] =	vst v63  }
0x5d: {  	_ =	swait.ge [sflag:s24], $0x2000  }
0x5e: {  	[sflag:s24] =	ssyncset.done $0x0  }
0x5f: {  	s20 =	sadd.s32 $0x1460, s19;
	[sflag:s24] =	ssyncadd.s32 $0xFFFFE000  }
0x60: {  	[tilespmem:s26], [sflag:$0x5] =	stream.linear.gather [hbm4b:s20+s4], $0x100, $0x38;
	[tilespmem:$0x19F40] =	vst v63  }
0x61: {  	_ =	swait.ge [sflag:s29], $0x100  }
0x62: {  	[sflag:s29] =	ssyncset.done $0x0  }
0x63: {  	[sflag:s29] =	ssyncadd.s32 $0xFFFFFF00  }
0x64: {  	[tilespmem:s4], [sflag:$0x1] =	stream.indirect.gather [spmem:s1], $0x40, s25, s30, $0xb8;
	[tilespmem:$0x19F40] =	vst v63  }
0x65: {  	_ =	swait.ge [sflag:s16], $0x2000  }
0x66: {  	[sflag:s16] =	ssyncset.done $0x0  }
0x67: {  	[sflag:s16] =	ssyncadd.s32 $0xFFFFE000  }
0x68: {  	[spmem:s2] =	stream.indirect.scatter.add.f32 [tilespmem:s7], [sflag:$0x7], $0x40, s17, s30, $0xb8;
	[tilespmem:$0x19F40] =	vst v63  }
0x69: {  	_ =	swait.ge [sflag:s24], $0x2000  }
0x6a: {  	[sflag:s24] =	ssyncset.done $0x0  }
0x6b: {  	s20 =	sadd.s32 $0x1480, s19;
	[sflag:s24] =	ssyncadd.s32 $0xFFFFE000  }
0x6c: {  	[tilespmem:s28], [sflag:$0x6] =	stream.linear.gather [hbm4b:s20+s4], $0x100, $0x38;
	[tilespmem:$0x19F40] =	vst v63  }
0x6d: {  	_ =	swait.ge [sflag:s31], $0x100  }
0x6e: {  	[sflag:s31] =	ssyncset.done $0x0  }
0x6f: {  	s19 =	simm.s32 $0xFFFFEC80;
	[sflag:s31] =	ssyncadd.s32 $0xFFFFFF00  }
.LBB2_2:
0x70: {  	[tilespmem:s0], [sflag:$0x2] =	stream.indirect.gather [spmem:s1], $0x40, s26, s30, $0xb8;
	[tilespmem:$0x19F40] =	vst v63  }
0x71: {  	s12 =	smov.u32 s19  }
0x72: {  	p0 =	sne.s32 s19, $0xFFFFFFA0;
	s19 =	sadd.s32 $0x60, s19;
	_ =	swait.ge [sflag:s3], $0x2000  }
0x73: {  	[sflag:s3] =	ssyncset.done $0x0  }
0x74: {  	[sflag:s3] =	ssyncadd.s32 $0xFFFFE000  }
0x75: {  	[spmem:s2] =	stream.indirect.scatter.add.f32 [tilespmem:s4], [sflag:$0x7], $0x40, s5, s30, $0xb8;
	[tilespmem:$0x19F40] =	vst v63  }
0x76: {  	_ =	swait.ge [sflag:s24], $0x2000  }
0x77: {  	s12 =	sadd.s32 s12, s22;
	[sflag:s24] =	ssyncset.done $0x0  }
0x78: {  	s20 =	sadd.s32 $0x1440, s12;
	[sflag:s24] =	ssyncadd.s32 $0xFFFFE000  }
0x79: {  	[tilespmem:s25], [sflag:$0x4] =	stream.linear.gather [hbm4b:s20+s4], $0x100, $0x38;
	[tilespmem:$0x19F40] =	vst v63  }
0x7a: {  	_ =	swait.ge [sflag:s6], $0x100  }
0x7b: {  	[sflag:s6] =	ssyncset.done $0x0  }
0x7c: {  	[sflag:s6] =	ssyncadd.s32 $0xFFFFFF00  }
0x7d: {  	[tilespmem:s7], [sflag:$0x3] =	stream.indirect.gather [spmem:s1], $0x40, s28, s30, $0xb8;
	[tilespmem:$0x19F40] =	vst v63  }
0x7e: {  	_ =	swait.ge [sflag:s14], $0x2000  }
0x7f: {  	[sflag:s14] =	ssyncset.done $0x0  }
0x80: {  	[sflag:s14] =	ssyncadd.s32 $0xFFFFE000  }
0x81: {  	[spmem:s2] =	stream.indirect.scatter.add.f32 [tilespmem:s0], [sflag:$0x7], $0x40, s15, s30, $0xb8;
	[tilespmem:$0x19F40] =	vst v63  }
0x82: {  	_ =	swait.ge [sflag:s24], $0x2000  }
0x83: {  	[sflag:s24] =	ssyncset.done $0x0  }
0x84: {  	s20 =	sadd.s32 $0x1460, s12;
	[sflag:s24] =	ssyncadd.s32 $0xFFFFE000  }
0x85: {  	[tilespmem:s26], [sflag:$0x5] =	stream.linear.gather [hbm4b:s20+s4], $0x100, $0x38;
	[tilespmem:$0x19F40] =	vst v63  }
0x86: {  	_ =	swait.ge [sflag:s29], $0x100  }
0x87: {  	[sflag:s29] =	ssyncset.done $0x0  }
0x88: {  	[sflag:s29] =	ssyncadd.s32 $0xFFFFFF00  }
0x89: {  	[tilespmem:s4], [sflag:$0x1] =	stream.indirect.gather [spmem:s1], $0x40, s25, s30, $0xb8;
	[tilespmem:$0x19F40] =	vst v63  }
0x8a: {  	_ =	swait.ge [sflag:s16], $0x2000  }
0x8b: {  	[sflag:s16] =	ssyncset.done $0x0  }
0x8c: {  	[sflag:s16] =	ssyncadd.s32 $0xFFFFE000  }
0x8d: {  	[spmem:s2] =	stream.indirect.scatter.add.f32 [tilespmem:s7], [sflag:$0x7], $0x40, s17, s30, $0xb8;
	[tilespmem:$0x19F40] =	vst v63  }
0x8e: {  	_ =	swait.ge [sflag:s24], $0x2000  }
0x8f: {  	[sflag:s24] =	ssyncset.done $0x0  }
.Ltmp0:
0x90: {  	s12 =	sadd.s32 $0x1480, s12;
	[sflag:s24] =	ssyncadd.s32 $0xFFFFE000;
	(pc) =	sbr.rel @p0 .LBB2_2-.Ltmp0, $4  }
0x91: {  	[tilespmem:s28], [sflag:$0x6] =	stream.linear.gather [hbm4b:s12+s4], $0x100, $0x38;
	[tilespmem:$0x19F40] =	vst v63  }
0x92: {  	_ =	swait.ge [sflag:s31], $0x100  }
0x93: {  	[sflag:s31] =	ssyncset.done $0x0  }
0x94: {  	[sflag:s31] =	ssyncadd.s32 $0xFFFFFF00  }
0x95: {  	[tilespmem:s0], [sflag:$0x2] =	stream.indirect.gather [spmem:s1], $0x40, s26, s30, $0xb8;
	[tilespmem:$0x19F40] =	vst v63  }
0x96: {  	_ =	swait.ge [sflag:s3], $0x2000  }
0x97: {  	[sflag:s3] =	ssyncset.done $0x0  }
0x98: {  	[sflag:s3] =	ssyncadd.s32 $0xFFFFE000  }
0x99: {  	_ =	swait.ge [sflag:s6], $0x100  }
0x9a: {  	[sflag:s6] =	ssyncset.done $0x0  }
0x9b: {  	[sflag:s6] =	ssyncadd.s32 $0xFFFFFF00  }
0x9c: {  	[tilespmem:s7], [sflag:$0x3] =	stream.indirect.gather [spmem:s1], $0x40, s28, s30, $0xb8;
	[tilespmem:$0x19F40] =	vst v63  }
0x9d: {  	_ = 	snop  }
0x9e: {  	[spmem:s2] =	stream.indirect.scatter.add.f32 [tilespmem:s4], [sflag:$0x7], $0x40, s5, s30, $0xb8;
	[tilespmem:$0x19F40] =	vst v63  }
0x9f: {  	_ =	swait.ge [sflag:s24], $0x2000  }
0xa0: {  	[sflag:s24] =	ssyncset.done $0x0  }
0xa1: {  	[sflag:s24] =	ssyncadd.s32 $0xFFFFE000  }
0xa2: {  	_ =	swait.ge [sflag:s14], $0x2000  }
0xa3: {  	[sflag:s14] =	ssyncset.done $0x0  }
0xa4: {  	[sflag:s14] =	ssyncadd.s32 $0xFFFFE000  }
0xa5: {  	[spmem:s2] =	stream.indirect.scatter.add.f32 [tilespmem:s0], [sflag:$0x7], $0x40, s15, s30, $0xb8;
	[tilespmem:$0x19F40] =	vst v63  }
0xa6: {  	_ =	swait.ge [sflag:s24], $0x2000  }
0xa7: {  	[sflag:s24] =	ssyncset.done $0x0  }
0xa8: {  	[sflag:s24] =	ssyncadd.s32 $0xFFFFE000  }
0xa9: {  	_ =	swait.ge [sflag:s16], $0x2000  }
0xaa: {  	[sflag:s16] =	ssyncset.done $0x0  }
0xab: {  	[sflag:s16] =	ssyncadd.s32 $0xFFFFE000  }
0xac: {  	[spmem:s2] =	stream.indirect.scatter.add.f32 [tilespmem:s7], [sflag:$0x7], $0x40, s17, s30, $0xb8;
	[tilespmem:$0x19F40] =	vst v63  }
0xad: {  	_ =	swait.ge [sflag:s24], $0x2000  }
0xae: {  	[sflag:s24] =	ssyncset.done $0x0  }
0xaf: {  	[sflag:s24] =	ssyncadd.s32 $0xFFFFE000  }
0xb0: {  	[bflag:$0x0] =	sbarrier.arrive $0xFFFF  }
0xb1: {  	[tilespmem:s4], [sflag:$0x7] =	stream.linear.gather [spmem:s8], $0x2000, $0x38;
	[tilespmem:$0x19F40] =	vst v63  }
0xb2: {  	_ =	swait.ge [sflag:s24], $0x2000  }
0xb3: {  	[sflag:s24] =	ssyncset.done $0x0  }
0xb4: {  	s12 =	rddreg [dreg:$0xb];
	[sflag:s24] =	ssyncadd.s32 $0xFFFFE000  }
0xb5: {  	[hbm4b:s12+s4] =	stream.linear.scatter [tilespmem:s4], [sflag:$0x7], $0x2000, $0x38;
	[tilespmem:$0x19F40] =	vst v63  }
0xb6: {  	_ =	swait.ge [sflag:s24], $0x2000  }
0xb7: {  	[sflag:s24] =	ssyncset.done $0x0  }
0xb8: {  	[sflag:s24] =	ssyncadd.s32 $0xFFFFE000  }
0xb9: {  	[tilespmem:s4], [sflag:$0x7] =	stream.linear.gather [spmem:s9], $0x2000, $0x38;
	[tilespmem:$0x19F40] =	vst v63  }
0xba: {  	_ =	swait.ge [sflag:s24], $0x2000  }
0xbb: {  	[sflag:s24] =	ssyncset.done $0x0  }
0xbc: {  	s19 =	rddreg [dreg:$0xc];
	[sflag:s24] =	ssyncadd.s32 $0xFFFFE000  }
0xbd: {  	[hbm4b:s19+s4] =	stream.linear.scatter [tilespmem:s4], [sflag:$0x7], $0x2000, $0x38;
	[tilespmem:$0x19F40] =	vst v63  }
0xbe: {  	_ =	swait.ge [sflag:s24], $0x2000  }
0xbf: {  	[sflag:s24] =	ssyncset.done $0x0  }
0xc0: {  	[sflag:s24] =	ssyncadd.s32 $0xFFFFE000  }
0xc1: {  	[tilespmem:s4], [sflag:$0x7] =	stream.linear.gather [spmem:s10], $0x2000, $0x38;
	[tilespmem:$0x19F40] =	vst v63  }
0xc2: {  	_ =	swait.ge [sflag:s24], $0x2000  }
0xc3: {  	[sflag:s24] =	ssyncset.done $0x0  }
0xc4: {  	s20 =	rddreg [dreg:$0xd];
	[sflag:s24] =	ssyncadd.s32 $0xFFFFE000  }
0xc5: {  	[hbm4b:s20+s4] =	stream.linear.scatter [tilespmem:s4], [sflag:$0x7], $0x2000, $0x38;
	[tilespmem:$0x19F40] =	vst v63  }
0xc6: {  	_ =	swait.ge [sflag:s24], $0x2000  }
0xc7: {  	[sflag:s24] =	ssyncset.done $0x0  }
0xc8: {  	[sflag:s24] =	ssyncadd.s32 $0xFFFFE000  }
0xc9: {  	[tilespmem:s4], [sflag:$0x7] =	stream.linear.gather [spmem:s11], $0x2000, $0x38;
	[tilespmem:$0x19F40] =	vst v63  }
0xca: {  	_ =	swait.ge [sflag:s24], $0x2000  }
0xcb: {  	[sflag:s24] =	ssyncset.done $0x0  }
0xcc: {  	s19 =	rddreg [dreg:$0xe];
	[sflag:s24] =	ssyncadd.s32 $0xFFFFE000  }
0xcd: {  	[hbm4b:s19+s4] =	stream.linear.scatter [tilespmem:s4], [sflag:$0x7], $0x2000, $0x38;
	[tilespmem:$0x19F40] =	vst v63  }
0xce: {  	_ =	swait.ge [sflag:s24], $0x2000  }
0xcf: {  	[sflag:s24] =	ssyncset.done $0x0  }
0xd0: {  	[sflag:s24] =	ssyncadd.s32 $0xFFFFE000  }
0xd1: {  	[tilespmem:s4], [sflag:$0x7] =	stream.linear.gather [spmem:s13], $0x2000, $0x38;
	[tilespmem:$0x19F40] =	vst v63  }
0xd2: {  	s18 =	sadd.s32 $0x1, s18;
	_ =	swait.ge [sflag:s24], $0x2000  }
0xd3: {  	p0 =	sne.s32 s18, s21;
	[sflag:s24] =	ssyncset.done $0x0  }
.Ltmp1:
0xd4: {  	s20 =	rddreg [dreg:$0xf];
	[sflag:s24] =	ssyncadd.s32 $0xFFFFE000;
	(pc) =	sbr.rel @p0 .LBB2_1-.Ltmp1, $4  }
0xd5: {  	[hbm4b:s20+s4] =	stream.linear.scatter [tilespmem:s4], [sflag:$0x7], $0x2000, $0x38;
	[tilespmem:$0x19F40] =	vst v63  }
0xd6: {  	_ =	swait.ge [sflag:s24], $0x2000  }
0xd7: {  	[sflag:s24] =	ssyncset.done $0x0  }
0xd8: {  	[sflag:s24] =	ssyncadd.s32 $0xFFFFE000  }
0xd9: {  	_ =	sfence.sel $0x180000  }
0xda: {  	[bflag:$0x0] =	sbarrier.arrive $0xFFFF  }
0xdb: {  	_ =	strace $0x9000004A  }
0xdc: {  	s0 =	stileid.u32;
	[bflag:$0x2] =	sbarrier.arrive $0xFFFF  }
0xdd: {  	p0 =	sne.s32 s0, $0x0;
	s0 =	rddreg [dreg:$0x4]  }
0xde: {  	s0 =	sadd.s32 @!p0 $0x100000, s0  }
0xdf: {  	[sflag:s0] =	ssyncadd.tile.s32 @!p0 $0x1;
	_ =	shalt  }
.Lfunc_end2:
_tile_overlayer_lowered:
.L_overlay_start_2:
0xe0: {  	(tag) =	ssettag $0x2  }
0xe1: {  	s0 =	rddreg [dreg:$0x0];
	s2 =	stileid.u32  }
0xe2: {  	s1 =	rddreg [dreg:$0x1];
	p0 =	sne.s32 s2, $0x0  }
0xe3: {  	s3 =	rddreg [dreg:$0x2];
	[bflag:$0x3] =	sbarrier.arrive $0xFFFF;
	s2 =	simm.s32 @!p0 $0x1C07  }
0xe4: {  	[timem:s3], [sflag:s2] =	dma.local @!p0 [hbm:s0], s1  }
0xe5: {  	s0 =	simm.s32 @!p0 $0x7  }
0xe6: {  	_ =	swait.ge @!p0 [sflag:s0], s1  }
0xe7: {  	s1 =	ssub.s32 @!p0 $0x0, s1;
	[sflag:s0] =	ssyncset.done @!p0 $0x0  }
0xe8: {  	[sflag:s0] =	ssyncadd.s32 @!p0 s1  }
0xe9: {  	[bflag:$0x3] =	sbarrier.arrive $0xFFFF  }
0xea: {  	_ =	shalt  }

// kernel: kernel.7.cloned.1.call-start
scs
__scs_entry_jumppad:
0x0: {  	(pc) =	sbr.rel $0x88, $3  }
0x1: {  	(tag) =	ssettag $0x0;
	lr =	simm.s32 $0x1  }
0x2: {  	[smem:$0x3F99] =	sst lr;
	_ =	strace $0xD0000000  }
0x3: {  	_ = 	snop  }
0x4: {  	_ = 	snop  }
0x5: {  	_ = 	snop  }
0x6: {  	_ = 	snop  }
0x7: {  	_ = 	snop  }
__scs_overlays_trampoline_lowered:
0x8: {  	[smem:$0x3FA8] =	sst s0  }
0x9: {  	[smem:$0x3FA9] =	sst s1  }
0xa: {  	[smem:$0x3FAA] =	sst s2  }
0xb: {  	[smem:$0x3FAB] =	sst s3  }
0xc: {  	[smem:$0x3FAC] =	sst s4  }
0xd: {  	[smem:$0x3FAD] =	sst s5  }
0xe: {  	[smem:$0x3FAE] =	sst s6  }
0xf: {  	[smem:$0x3FAF] =	sst s7  }
0x10: {  	[smem:$0x3FB0] =	sst s8  }
0x11: {  	[smem:$0x3FB1] =	sst s9;
	s0 =	simm.s32 @!p0 $0x0  }
0x12: {  	s1 =	sld [smem:$0x3F97];
	s0 =	simm.s32 @p0 $0x1  }
0x13: {  	[smem:$0x3FB2] =	sst s0;
	s0 =	simm.s32 @!p1 $0x0  }
0x14: {  	s2 =	sld [smem:$0x3F96];
	s0 =	simm.s32 @p1 $0x1  }
0x15: {  	[smem:$0x3FB3] =	sst s0;
	s0 =	simm.s32 @!p2 $0x0  }
0x16: {  	s3 =	sld [smem:$0x3FDB];
	s0 =	simm.s32 @p2 $0x1  }
0x17: {  	s4 =	simm.s32 $0x1BF5;
	[smem:$0x3FB5] =	sst s0  }
0x18: {  	s0 =	sld [smem:$0x3F98];
	_ =	swait.ge [sflag:s4], $0x0  }
0x19: {  	s7 =	sld [smem:$0x3F99]  }
0x1a: {  	s8 =	sadd.s32 $0xFFFFE003, lr  }
0x1b: {  	s9 =	sadd.s32 $0xFFFFFEF7, lr;
	s5 =	simm.s32 $0xFFFFFFFF;
	p2 =	slt.u32 s8, $0xFFFFF086  }
0x1c: {  	p1 =	slt.u32 s9, $0xF7A;
	s5 =	simm.s32 @!p2 $0x0  }
0x1d: {  	s5 =	simm.s32 @p1 $0x1;
	p0 =	seq.s32 s7, s2  }
0x1e: {  	s7 =	smul.u32 @!p0 $0xF7A, s2;
	p2 =	seq.s32 @!p0 s5, $0x0  }
0x1f: {  	s9 =	smul.u32 $0xF7A, s1;
	s8 =	simm.s32 @!p0 $0x1BF5;
	p2 =	por !p2, p0  }
0x20: {  	[sflag:s8] =	ssyncset.s32 @!p0 $0xFFFFF086;
	s6 =	sadd.s32 @!p0 s3, s7;
	s7 =	simm.s32 @!p0 $0x108  }
0x21: {  	s3 =	sadd.s32 s3, s9;
	s6 =	sadd.s32 @!p0 $0x88, s6;
	s7 =	simm.s32 @p2 $0x1082  }
0x22: {  	[simem:s7], [sflag:s8] =	dma.local @!p0 [hbm:s6], $0xF7A  }
0x23: {  	s9 =	sor.u32 $0xD0000000, s2;
	s6 =	simm.s32 $0x108;
	_ =	swait.ge @!p0 [sflag:s8], $0x0  }
0x24: {  	s3 =	sadd.s32 $0x88, s3;
	s6 =	simm.s32 @!p1 $0x1082;
	[sflag:s4] =	ssyncset.s32 $0xFFFFF086  }
0x25: {  	[simem:s6], [sflag:s4] =	dma.local [hbm:s3], $0xF7A  }
0x26: {  	[smem:$0x3F99] =	sst s1;
	(tag) =	ssettag s2;
	_ =	strace s9  }
0x27: {  	s1 =	sld [smem:$0x3FA9]  }
0x28: {  	s2 =	sld [smem:$0x3FAA]  }
0x29: {  	s4 =	sld [smem:$0x3FAC]  }
0x2a: {  	p0 =	seq.s32 s5, $0x0;
	s5 =	sld [smem:$0x3FAD]  }
0x2b: {  	s6 =	sld [smem:$0x3FAE]  }
0x2c: {  	s7 =	sld [smem:$0x3FAF]  }
0x2d: {  	s3 =	simm.s32 $0x108;
	s8 =	sld [smem:$0x3FB0]  }
0x2e: {  	s3 =	simm.s32 @!p0 $0x1082;
	s9 =	sld [smem:$0x3FB1]  }
0x2f: {  	lr =	sadd.s32 s0, s3;
	s0 =	sld [smem:$0x3FA8]  }
0x30: {  	s3 =	sld [smem:$0x3FAB]  }
0x31: {  	[smem:$0x3FB4] =	sst s10  }
0x32: {  	s10 =	sld [smem:$0x3FB2];
	_ =	sdelay $0x3  }
0x33: {  	p0 =	seq.s32 s10, $0x1;
	s10 =	sld [smem:$0x3FB4];
	_ =	sdelay $0x3  }
0x34: {  	[smem:$0x3FB4] =	sst s10  }
0x35: {  	s10 =	sld [smem:$0x3FB3];
	_ =	sdelay $0x3  }
0x36: {  	p1 =	seq.s32 s10, $0x1;
	s10 =	sld [smem:$0x3FB4];
	_ =	sdelay $0x3  }
0x37: {  	[smem:$0x3FB4] =	sst s10  }
0x38: {  	s10 =	sld [smem:$0x3FB5]  }
0x39: {  	_ = 	snop;
	(pc) =	sbr.ind lr, $3  }
0x3a: {  	_ = 	snop  }
0x3b: {  	_ = 	snop  }
0x3c: {  	p2 =	seq.s32 s10, $0x1;
	s10 =	sld [smem:$0x3FB4]  }
0x3d: {  	_ =	shalt  }
0x3e: {  	_ =	shalt  }
0x3f: {  	_ =	shalt  }
0x40: {  	_ =	shalt  }
0x41: {  	_ =	shalt  }
0x42: {  	_ =	shalt  }
0x43: {  	_ =	shalt  }
0x44: {  	_ =	shalt  }
0x45: {  	_ =	shalt  }
0x46: {  	_ =	shalt  }
0x47: {  	_ =	shalt  }
0x48: {  	_ =	shalt  }
0x49: {  	_ =	shalt  }
0x4a: {  	_ =	shalt  }
0x4b: {  	_ =	shalt  }
0x4c: {  	_ =	shalt  }
0x4d: {  	_ =	shalt  }
0x4e: {  	_ =	shalt  }
0x4f: {  	_ =	shalt  }
0x50: {  	_ =	shalt  }
0x51: {  	_ =	shalt  }
0x52: {  	_ =	shalt  }
0x53: {  	_ =	shalt  }
0x54: {  	_ =	shalt  }
0x55: {  	_ =	shalt  }
0x56: {  	_ =	shalt  }
0x57: {  	_ =	shalt  }
0x58: {  	_ =	shalt  }
0x59: {  	_ =	shalt  }
0x5a: {  	_ =	shalt  }
0x5b: {  	_ =	shalt  }
0x5c: {  	_ =	shalt  }
0x5d: {  	_ =	shalt  }
0x5e: {  	_ =	shalt  }
0x5f: {  	_ =	shalt  }
0x60: {  	_ =	shalt  }
0x61: {  	_ =	shalt  }
0x62: {  	_ =	shalt  }
0x63: {  	_ =	shalt  }
0x64: {  	_ =	shalt  }
0x65: {  	_ =	shalt  }
0x66: {  	_ =	shalt  }
0x67: {  	_ =	shalt  }
0x68: {  	_ =	shalt  }
0x69: {  	_ =	shalt  }
0x6a: {  	_ =	shalt  }
0x6b: {  	_ =	shalt  }
0x6c: {  	_ =	shalt  }
0x6d: {  	_ =	shalt  }
0x6e: {  	_ =	shalt  }
0x6f: {  	_ =	shalt  }
0x70: {  	_ =	shalt  }
0x71: {  	_ =	shalt  }
0x72: {  	_ =	shalt  }
0x73: {  	_ =	shalt  }
0x74: {  	_ =	shalt  }
0x75: {  	_ =	shalt  }
0x76: {  	_ =	shalt  }
0x77: {  	_ =	shalt  }
0x78: {  	_ =	shalt  }
0x79: {  	_ =	shalt  }
0x7a: {  	_ =	shalt  }
0x7b: {  	_ =	shalt  }
0x7c: {  	_ =	shalt  }
0x7d: {  	_ =	shalt  }
0x7e: {  	_ =	shalt  }
0x7f: {  	_ =	shalt  }
0x80: {  	_ =	shalt  }
0x81: {  	_ =	shalt  }
0x82: {  	_ =	shalt  }
0x83: {  	_ =	shalt  }
0x84: {  	_ =	shalt  }
0x85: {  	_ =	shalt  }
0x86: {  	_ =	shalt  }
0x87: {  	_ =	shalt  }
.Lfunc_end0:
.L_simem_size_0:
called_computation_lowered:
.L_overlay_start_0:
0x88: {  	s2 =	sld [smem:$0x3FD9]  }
0x89: {  	s3 =	sld [smem:$0x3FFE];
	_ =	sdelay $0x1  }
0x8a: {  	s1 =	srdreg.scid  }
0x8b: {  	s0 =	sand.u32 $0x1, s1  }
0x8c: {  	s17 =	sshll.u32 s0, $0xA;
	s2 =	sadd.s32 s3, s2  }
0x8d: {  	s2 =	sadd.s32 s2, s17  }
0x8e: {  	[smem:$0x3FC0] =	sst s2  }
0x8f: {  	_ = 	snop  }
0x90: {  	s2 =	sld [smem:$0x3FD0];
	(tm) =	ssettm $0x1  }
0x91: {  	s18 =	sld [smem:$0x3FFB];
	_ =	sdelay $0x3  }
0x92: {  	_ =	strace s18  }
0x93: {  	s3 =	sld [smem:$0x3FFC];
	_ =	sdelay $0x3  }
0x94: {  	_ =	strace s3  }
0x95: {  	s3 =	sld [smem:$0x3FFD];
	_ =	sdelay $0x3  }
0x96: {  	_ =	strace s3  }
0x97: {  	_ =	strace $0x8FFFFFFF  }
0x98: {  	s19 =	sld [smem:$0x3FDB];
	_ =	sdelay $0x1  }
0x99: {  	s4 =	simm.s32 $_scs_section_size  }
0x9a: {  	s5 =	simm.s32 $_size__tile_overlayer_lowered;
	s6 =	simm.s32 $_tile_overlayer_lowered  }
0x9b: {  	s22 =	simm.s32 $0x1BFF;
	s21 =	sshll.u32 s6, $0x1;
	s3 =	sadd.s32 s4, s19  }
0x9c: {  	s7 =	simm.s32 $0x0;
	s20 =	sshll.u32 s5, $0x1;
	s5 =	sadd.s32 s21, s3  }
0x9d: {  	[timem:s7], [sflag:s22] =	dma.local [hbm:s5], s20  }
0x9e: {  	_ =	swait.ge [sflag:s22], s20  }
0x9f: {  	s4 =	ssub.s32 $0x0, s20;
	[sflag:s22] =	ssyncset.done $0x0  }
0xa0: {  	[sflag:s22] =	ssyncadd.s32 s4;
	_ =	sdelay $0x1  }
0xa1: {  	s23 =	simm.s32 $0x1B8B  }
0xa2: {  	_ =	swait.ge [sflag:s23], $0x1  }
0xa3: {  	[sflag:s23] =	ssyncset.done $0x0  }
0xa4: {  	s25 =	simm.s32 $0x1B8E;
	s24 =	sld [smem:$0x3FFE];
	[sflag:s23] =	ssyncadd.s32 $0xFFFFFFFF  }
0xa5: {  	s26 =	simm.s32 $execute0_lowered;
	[smem:$0x3FD2] =	sst s25  }
0xa6: {  	s5 =	sshll.u32 s26, $0x1;
	_ =	strace $0x80000046;
	[dreg:$0x1] =	wrdreg $0xFFFFFFFF  }
0xa7: {  	s28 =	simm.s32 $_size_execute0_lowered;
	s3 =	sadd.s32 s3, s5;
	[dreg:$0x0] =	wrdreg $0x0  }
0xa8: {  	s5 =	sshll.u32 s28, $0x1;
	[dreg:$0x2] =	wrdreg s3  }
0xa9: {  	[dreg:$0x3] =	wrdreg s5  }
0xaa: {  	[dreg:$0x4] =	wrdreg $0xC0  }
0xab: {  	_ =	task [dreg:s7], $0x5FFFF  }
0xac: {  	[dreg:$0x1] =	wrdreg $0xFFFFFFFF  }
0xad: {  	[dreg:$0x0] =	wrdreg $0x60  }
0xae: {  	[dreg:$0x2] =	wrdreg s2  }
0xaf: {  	[dreg:$0x3] =	wrdreg s24  }
0xb0: {  	[dreg:$0x4] =	wrdreg $0x13B000  }
0xb1: {  	[dreg:$0x5] =	wrdreg $0x9B000  }
0xb2: {  	[dreg:$0x6] =	wrdreg $0x73000  }
0xb3: {  	[dreg:$0x7] =	wrdreg $0x9  }
0xb4: {  	_ =	task.clear_ibuf [dreg:s7], $0x8FFFF;
	_ =	strace $0x90000046  }
0xb5: {  	s29 =	simm.s32 $0x9;
	_ =	strace $0x80000048  }
0xb6: {  	_ =	swait.ge [sflag:s29], $0x1  }
0xb7: {  	[sflag:s29] =	ssyncadd.s32 $0xFFFFFFFF  }
0xb8: {  	_ =	strace $0x90000048  }
0xb9: {  	_ =	sfence  }
0xba: {  	s30 =	sld [smem:$0x0];
	_ =	sdelay $0x2  }
0xbb: {  	s31 =	sshll.u32 s1, $0xD;
	s1 =	sshrl.u32 s1, $0x2  }
0xbc: {  	s3 =	sand.u32 $0x4000, s31;
	s1 =	sadd.s32 s1, s30  }
0xbd: {  	s0 =	sor.u32 s3, s0;
	s1 =	sshll.u32 s1, $0x11  }
0xbe: {  	s0 =	sor.u32 s1, s0  }
0xbf: {  	s0 =	sadd.s32 $0x8F2B, s0  }
0xc0: {  	[sflag:s0] =	ssyncadd.remote.s32 $0x1  }
0xc1: {  	_ =	sfence.sel $0xFFFF  }
0xc2: {  	[dreg:$0x0] =	wrdreg $0xFFFFFFFF;
	(pc) =	sbr.abs _section_cstart, $3  }
0xc3: {  	[dreg:$0x1] =	wrdreg $0xFFFFFFFF  }
0xc4: {  	_ =	task.clear_ibuf [dreg:s7], $0x2FFFF;
	_ =	strace $0x9FFFFFFF  }
0xc5: {  	(tm) =	ssettm $0x7FFFFFFF  }
tec
execute0_lowered:
.L_overlay_start_1:
0x0: {  	(tag) =	ssettag $0x1  }
0x1: {  	s21 =	stileid.u32  }
0x2: {  	s0 =	srdreg.scid;
	s3 =	smul.u32 $0x9C40, s21  }
0x3: {  	s5 =	rddreg [dreg:$0x0];
	s10 =	smul.u32 $0x280, s21  }
0x4: {  	s2 =	rddreg [dreg:$0x1];
	s22 =	smul.u32 $0xA000, s21  }
0x5: {  	s1 =	simm.s32 $0x0;
	s4 =	sand.u32 $0x1, s0;
	s18 =	smul.u32 $0x2800, s21  }
0x6: {  	[smem:$0x7FF] =	sst s1;
	s9 =	sadd.s32 $0x16400, s2;
	s0 =	smul.u32 $0x9C400, s4  }
0x7: {  	s12 =	sadd.s32 $0x3E400, s2;
	s6 =	ssub.s32 $0x2, s4;
	s15 =	smul.u32 $0xA0000, s4  }
0x8: {  	p0 =	seq.s32 s4, $0x0;
	s7 =	sshrl.u32 s6, $0x1;
	s11 =	sadd.s32 $0x80, s10  }
0x9: {  	s13 =	sadd.s32 $0x100, s10;
	s14 =	sadd.s32 $0x180, s10;
	s10 =	sadd.s32 $0x200, s10  }
0xa: {  	s0 =	sadd.s32 s3, s0;
	s17 =	sshll.u32 s10, $0x6;
	s19 =	sshll.u32 s11, $0x4  }
0xb: {  	s20 =	sshll.u32 s14, $0x4;
	s24 =	sadd.s32 s22, s15;
	s10 =	sshll.u32 s10, $0x4  }
0xc: {  	s8 =	sshrl.u32 s0, $0x3;
	s0 =	ssub.s32 s6, s7;
	s6 =	sshll.u32 s11, $0x6  }
0xd: {  	s7 =	sshll.u32 s13, $0x6;
	s13 =	sshll.u32 s13, $0x4;
	s11 =	sshrl.u32 s24, $0x3  }
0xe: {  	s5 =	sadd.s32 s5, s8;
	s8 =	sshll.u32 s14, $0x6;
	s25 =	sadd.s32 s15, s6  }
0xf: {  	s11 =	sadd.s32 s9, s11;
	s14 =	smul.u32 $0x28000, s4;
	[dreg:$0x7] =	wrdreg s5  }
0x10: {  	[dreg:$0x8] =	wrdreg s11;
	s26 =	sshrl.u32 s25, $0x3;
	s5 =	sadd.s32 s15, s7  }
0x11: {  	s23 =	sadd.s32 s15, s8;
	s15 =	sadd.s32 s15, s17;
	s11 =	sadd.s32 s9, s26  }
0x12: {  	s16 =	sshrl.u32 s5, $0x3;
	s15 =	sshrl.u32 s15, $0x3;
	s25 =	sadd.s32 s14, s19  }
0x13: {  	s26 =	sadd.s32 s14, s13;
	s5 =	sadd.s32 s14, s20;
	[dreg:$0x9] =	wrdreg s11  }
0x14: {  	s11 =	sadd.s32 s9, s16;
	s16 =	sadd.s32 s18, s14;
	s14 =	sadd.s32 s14, s10  }
0x15: {  	[dreg:$0xa] =	wrdreg s11;
	s11 =	sshrl.u32 s23, $0x3;
	s24 =	sshrl.u32 s16, $0x3  }
0x16: {  	s23 =	sshrl.u32 s14, $0x3;
	s14 =	rddreg [dreg:$0x3];
	s11 =	sadd.s32 s9, s11  }
0x17: {  	s16 =	smul.u32 $0xA200, s21;
	s9 =	sadd.s32 s9, s15;
	[dreg:$0xb] =	wrdreg s11  }
0x18: {  	s0 =	smax.u32 s0, $0x1;
	[dreg:$0xc] =	wrdreg s9;
	s9 =	sadd.s32 s12, s24  }
0x19: {  	s11 =	sshrl.u32 s26, $0x3;
	s24 =	sshrl.u32 s16, $0x3;
	s16 =	rddreg [dreg:$0x4]  }
0x1a: {  	s4 =	simm.s32 $0x2;
	[dreg:$0xd] =	wrdreg s9;
	s11 =	sadd.s32 s12, s11  }
0x1b: {  	s15 =	sshrl.u32 s5, $0x3;
	s9 =	sshrl.u32 s25, $0x3;
	[dreg:$0xf] =	wrdreg s11  }
0x1c: {  	s28 =	sadd.s32 s7, s14;
	s9 =	sadd.s32 s12, s9;
	s11 =	rddreg [dreg:$0x2]  }
0x1d: {  	s26 =	smul.u32 $0x1440, s21;
	[dreg:$0xe] =	wrdreg s9;
	s9 =	sadd.s32 s12, s15  }
0x1e: {  	s25 =	sadd.s32 $0x1800, s2;
	[dreg:$0x10] =	wrdreg s9;
	s9 =	sadd.s32 s12, s23  }
0x1f: {  	s5 =	sadd.s32 s25, s24;
	s23 =	simm.s32 $0x6180;
	[dreg:$0x11] =	wrdreg s9  }
0x20: {  	s24 =	sadd.s32 $0x16000, s2;
	_ =	strace $0x80000047;
	[dreg:$0x6] =	wrdreg s23  }
0x21: {  	s15 =	sadd.s32 s26, s25;
	s25 =	sadd.s32 $0x15E00, s2;
	[dreg:$0x13] =	wrdreg s24  }
0x22: {  	s26 =	sshll.u32 s21, $0x6;
	s2 =	sadd.s32 $0x15C00, s2;
	[dreg:$0x14] =	wrdreg s25  }
0x23: {  	s29 =	sadd.s32 s8, s14;
	s12 =	sor.u32 $0x1C07, s26;
	[dreg:$0x15] =	wrdreg s2  }
0x24: {  	s30 =	sadd.s32 s17, s14;
	s8 =	simm.s32 $0x6000;
	[dreg:$0x16] =	wrdreg s12  }
0x25: {  	s17 =	simm.s32 $0x6280;
	s7 =	simm.s32 $0x0;
	[dreg:$0x1d] =	wrdreg s0  }
0x26: {  	s31 =	sadd.s32 s13, s16;
	s21 =	sadd.s32 $0x40, s5;
	[dreg:$0x12] =	wrdreg s5  }
0x27: {  	s13 =	simm.s32 $0x4;
	s26 =	sadd.s32 s6, s14;
	[smem:$0x7FC] =	sst s21  }
0x28: {  	s6 =	simm.s32 $0x7;
	s9 =	sadd.s32 s3, s11;
	[dreg:$0x17] =	wrdreg s28  }
0x29: {  	s3 =	simm.s32 $0x4000;
	s24 =	sadd.s32 s22, s14;
	[dreg:$0x18] =	wrdreg s29  }
0x2a: {  	s12 =	sadd.s32 s18, s16;
	s18 =	sadd.s32 $0xA0, s15;
	[dreg:$0x19] =	wrdreg s30  }
0x2b: {  	s23 =	sadd.s32 s19, s16;
	s19 =	sshrl.u32 s9, $0x3;
	[dreg:$0x1e] =	wrdreg s18  }
0x2c: {  	s25 =	sadd.s32 s20, s16;
	s20 =	sadd.s32 $0x20, s5;
	[dreg:$0x1f] =	wrdreg s19  }
0x2d: {  	s22 =	sadd.s32 s10, s16;
	s9 =	simm.s32 $0x6100;
	[smem:$0x7FB] =	sst s20  }
0x2e: {  	s10 =	simm.s32 $0x6200;
	s15 =	simm.s32 $0x80;
	[dreg:$0x1a] =	wrdreg s12  }
0x2f: {  	s21 =	simm.s32 $0x6080;
	s0 =	simm.s32 $0x6;
	[dreg:$0x1b] =	wrdreg s23  }
0x30: {  	s5 =	simm.s32 $0x3;
	s18 =	simm.s32 $0x5;
	[dreg:$0x1c] =	wrdreg s24  }
0x31: {  	s19 =	simm.s32 $0x2000;
	s20 =	simm.s32 $0x1;
	[smem:$0x7FD] =	sst s25  }
.LBB2_1:
0x32: {  	[smem:$0x7FA] =	sst s7  }
0x33: {  	s2 =	rddreg [dreg:$0x7]  }
0x34: {  	s25 =	smov.u32 s31;
	s31 =	smov.u32 s23;
	s23 =	rddreg [dreg:$0x16]  }
0x35: {  	s7 =	rddreg [dreg:$0x1f]  }
0x36: {  	[spmem:s7], [sflag:s23] =	dma.local [hbm:s2], $0x1388  }
0x37: {  	_ =	swait.ge [sflag:s6], $0x1388  }
0x38: {  	[sflag:s6] =	ssyncset.done $0x0  }
0x39: {  	s23 =	rddreg [dreg:$0x13];
	[sflag:s6] =	ssyncadd.s32 $0xFFFFEC78  }
0x3a: {  	[tilespmem:s1], [sflag:$0x7] =	stream.linear.gather [hbm4b:s23+s1], $0x2000, $0x38;
	[tilespmem:$0x1D740] =	vst v63  }
0x3b: {  	_ =	swait.ge [sflag:s6], $0x2000  }
0x3c: {  	[sflag:s6] =	ssyncset.done $0x0  }
0x3d: {  	[sflag:s6] =	ssyncadd.s32 $0xFFFFE000  }
0x3e: {  	[spmem:s24] =	stream.linear.scatter [tilespmem:s1], [sflag:$0x7], $0x2000, $0x38;
	[tilespmem:$0x1D740] =	vst v63  }
0x3f: {  	_ =	swait.ge [sflag:s6], $0x2000  }
0x40: {  	[sflag:s6] =	ssyncset.done $0x0  }
0x41: {  	[sflag:s6] =	ssyncadd.s32 $0xFFFFE000  }
0x42: {  	[spmem:s26] =	stream.linear.scatter [tilespmem:s1], [sflag:$0x7], $0x2000, $0x38;
	[tilespmem:$0x1D740] =	vst v63  }
0x43: {  	_ =	swait.ge [sflag:s6], $0x2000  }
0x44: {  	[sflag:s6] =	ssyncset.done $0x0  }
0x45: {  	[sflag:s6] =	ssyncadd.s32 $0xFFFFE000  }
0x46: {  	[spmem:s28] =	stream.linear.scatter [tilespmem:s1], [sflag:$0x7], $0x2000, $0x38;
	[tilespmem:$0x1D740] =	vst v63  }
0x47: {  	_ =	swait.ge [sflag:s6], $0x2000  }
0x48: {  	[sflag:s6] =	ssyncset.done $0x0  }
0x49: {  	[sflag:s6] =	ssyncadd.s32 $0xFFFFE000  }
0x4a: {  	[spmem:s29] =	stream.linear.scatter [tilespmem:s1], [sflag:$0x7], $0x2000, $0x38;
	[tilespmem:$0x1D740] =	vst v63  }
0x4b: {  	_ =	swait.ge [sflag:s6], $0x2000  }
0x4c: {  	[sflag:s6] =	ssyncset.done $0x0  }
0x4d: {  	[sflag:s6] =	ssyncadd.s32 $0xFFFFE000  }
0x4e: {  	[spmem:s30] =	stream.linear.scatter [tilespmem:s1], [sflag:$0x7], $0x2000, $0x38;
	[tilespmem:$0x1D740] =	vst v63  }
0x4f: {  	_ =	swait.ge [sflag:s6], $0x2000  }
0x50: {  	[sflag:s6] =	ssyncset.done $0x0  }
0x51: {  	s29 =	simm.s32 $0x6300;
	s28 =	rddreg [dreg:$0x14];
	[sflag:s6] =	ssyncadd.s32 $0xFFFFE000  }
0x52: {  	[tilespmem:s29], [sflag:$0x7] =	stream.linear.gather [hbm4b:s28+s1], $0x800, $0x38;
	[tilespmem:$0x1D740] =	vst v63  }
0x53: {  	_ =	swait.ge [sflag:s6], $0x800  }
0x54: {  	[sflag:s6] =	ssyncset.done $0x0  }
0x55: {  	s7 =	simm.s32 $0x6B00;
	s30 =	rddreg [dreg:$0x15];
	[sflag:s6] =	ssyncadd.s32 $0xFFFFF800  }
0x56: {  	[tilespmem:s7], [sflag:$0x7] =	stream.linear.gather [hbm4b:s30+s1], $0x800, $0x38;
	[tilespmem:$0x1D740] =	vst v63  }
0x57: {  	_ =	swait.ge [sflag:s6], $0x800  }
0x58: {  	[sflag:s6] =	ssyncset.done $0x0  }
0x59: {  	s24 =	smov.u32 s12;
	[sflag:s6] =	ssyncadd.s32 $0xFFFFF800  }
0x5a: {  	[spmem:s24] =	stream.linear.scatter [tilespmem:s7], [sflag:$0x7], $0x800, $0x38;
	[tilespmem:$0x1D740] =	vst v63  }
0x5b: {  	_ =	swait.ge [sflag:s6], $0x800  }
0x5c: {  	[sflag:s6] =	ssyncset.done $0x0  }
0x5d: {  	[sflag:s6] =	ssyncadd.s32 $0xFFFFF800  }
0x5e: {  	[spmem:s31] =	stream.linear.scatter [tilespmem:s7], [sflag:$0x7], $0x800, $0x38;
	[tilespmem:$0x1D740] =	vst v63  }
0x5f: {  	s31 =	smov.u32 s25;
	s25 =	sld [smem:$0x7FD];
	_ =	swait.ge [sflag:s6], $0x800  }
0x60: {  	[sflag:s6] =	ssyncset.done $0x0  }
0x61: {  	[sflag:s6] =	ssyncadd.s32 $0xFFFFF800  }
0x62: {  	[spmem:s31] =	stream.linear.scatter [tilespmem:s7], [sflag:$0x7], $0x800, $0x38;
	[tilespmem:$0x1D740] =	vst v63  }
0x63: {  	_ =	swait.ge [sflag:s6], $0x800  }
0x64: {  	[sflag:s6] =	ssyncset.done $0x0  }
0x65: {  	[sflag:s6] =	ssyncadd.s32 $0xFFFFF800  }
0x66: {  	[spmem:s25] =	stream.linear.scatter [tilespmem:s7], [sflag:$0x7], $0x800, $0x38;
	[tilespmem:$0x1D740] =	vst v63  }
0x67: {  	_ =	swait.ge [sflag:s6], $0x800  }
0x68: {  	[sflag:s6] =	ssyncset.done $0x0  }
0x69: {  	[sflag:s6] =	ssyncadd.s32 $0xFFFFF800  }
0x6a: {  	[spmem:s22] =	stream.linear.scatter [tilespmem:s7], [sflag:$0x7], $0x800, $0x38;
	[tilespmem:$0x1D740] =	vst v63  }
0x6b: {  	_ =	swait.ge [sflag:s6], $0x800  }
0x6c: {  	[sflag:s6] =	ssyncset.done $0x0  }
0x6d: {  	[sflag:s6] =	ssyncadd.s32 $0xFFFFF800  }
0x6e: {  	[bflag:$0x0] =	sbarrier.arrive $0xFFFF  }
0x6f: {  	s29 =	smov.u32 s22;
	s22 =	rddreg [dreg:$0x12]  }
0x70: {  	s23 =	sld [smem:$0x7FB]  }
0x71: {  	[tilespmem:s8], [sflag:$0x4] =	stream.linear.gather [hbm4b:s22+s1], $0x100, $0x38;
	[tilespmem:$0x1D740] =	vst v63  }
0x72: {  	s24 =	sld [smem:$0x7FC]  }
0x73: {  	[tilespmem:s9], [sflag:$0x5] =	stream.linear.gather [hbm4b:s23+s1], $0x100, $0x38;
	[tilespmem:$0x1D740] =	vst v63  }
0x74: {  	_ = 	snop  }
0x75: {  	[tilespmem:s10], [sflag:$0x6] =	stream.linear.gather [hbm4b:s24+s1], $0x100, $0x38;
	[tilespmem:$0x1D740] =	vst v63  }
0x76: {  	_ =	swait.ge [sflag:s13], $0x100  }
0x77: {  	[sflag:s13] =	ssyncset.done $0x0  }
0x78: {  	[sflag:s13] =	ssyncadd.s32 $0xFFFFFF00  }
0x79: {  	[tilespmem:s1], [sflag:$0x1] =	stream.indirect.gather [spmem:s11], $0x40, s8, s15, $0xb8;
	[tilespmem:$0x1D740] =	vst v63  }
0x7a: {  	_ =	swait.ge [sflag:s18], $0x100  }
0x7b: {  	[sflag:s18] =	ssyncset.done $0x0  }
0x7c: {  	[sflag:s18] =	ssyncadd.s32 $0xFFFFFF00  }
0x7d: {  	[tilespmem:s19], [sflag:$0x2] =	stream.indirect.gather [spmem:s11], $0x40, s9, s15, $0xb8;
	[tilespmem:$0x1D740] =	vst v63  }
0x7e: {  	p2 =	por $0x0, $0x0;
	_ =	swait.ge [sflag:s20], $0x2000  }
0x7f: {  	s2 =	simm.s32 $0x1;
	s23 =	simm.s32 $0x1;
	[sflag:s20] =	ssyncset.done $0x0  }
0x80: {  	s2 =	simm.s32 @!p2 $0x0;
	s23 =	simm.s32 @!p0 $0x0;
	[sflag:s20] =	ssyncadd.s32 $0xFFFFE000  }
0x81: {  	[spmem:s14] =	stream.indirect.scatter.add.f32 [tilespmem:s1], [sflag:$0x7], $0x40, s21, s15, $0xb8;
	[tilespmem:$0x1D740] =	vst v63  }
0x82: {  	s12 =	smov.u32 s26;
	p1 =	seq.s32 s23, s2;
	_ =	swait.ge [sflag:s6], $0x2000  }
0x83: {  	s2 =	simm.s32 @!p1 $0x80;
	s24 =	simm.s32 @!p1 $0x6080;
	[sflag:s6] =	ssyncset.done $0x0  }
0x84: {  	s26 =	simm.s32 @!p1 $0x6300;
	s28 =	simm.s32 @!p1 $0x7;
	[sflag:s6] =	ssyncadd.s32 $0xFFFFE000  }
0x85: {  	[spmem:s16] =	stream.indirect.scatter.add.f32 @!p1 [tilespmem:s26], [sflag:$0x7], $0x10, s24, s2, $0xb8;
	[tilespmem:$0x1D740] =	vst v63  }
0x86: {  	_ =	swait.ge @!p1 [sflag:s28], $0x800  }
0x87: {  	[sflag:s28] =	ssyncset.done @!p1 $0x0;
	s22 =	rddreg [dreg:$0x1e]  }
0x88: {  	s26 =	sadd.s32 $0xFFFFFFC0, s22;
	[sflag:s28] =	ssyncadd.s32 @!p1 $0xFFFFF800  }
0x89: {  	[tilespmem:s8], [sflag:$0x4] =	stream.linear.gather [hbm4b:s26+s1], $0x100, $0x38;
	[tilespmem:$0x1D740] =	vst v63  }
0x8a: {  	_ =	swait.ge [sflag:s0], $0x100  }
0x8b: {  	[sflag:s0] =	ssyncset.done $0x0  }
0x8c: {  	[sflag:s0] =	ssyncadd.s32 $0xFFFFFF00  }
0x8d: {  	[tilespmem:s3], [sflag:$0x3] =	stream.indirect.gather [spmem:s11], $0x40, s10, s15, $0xb8;
	[tilespmem:$0x1D740] =	vst v63  }
0x8e: {  	_ =	swait.ge [sflag:s4], $0x2000  }
0x8f: {  	[sflag:s4] =	ssyncset.done $0x0  }
0x90: {  	p1 =	por !p2, !p2;
	s28 =	rddreg [dreg:$0x6];
	[sflag:s4] =	ssyncadd.s32 $0xFFFFE000  }
0x91: {  	[spmem:s14] =	stream.indirect.scatter.add.f32 [tilespmem:s19], [sflag:$0x7], $0x40, s28, s15, $0xb8;
	[tilespmem:$0x1D740] =	vst v63  }
0x92: {  	p1 =	por @!p0 p2, p2;
	_ =	swait.ge [sflag:s6], $0x2000  }
0x93: {  	s2 =	simm.s32 @p1 $0x6300;
	s24 =	simm.s32 @p1 $0x80;
	[sflag:s6] =	ssyncset.done $0x0  }
0x94: {  	s26 =	simm.s32 @p1 $0x6180;
	s28 =	simm.s32 @p1 $0x7;
	[sflag:s6] =	ssyncadd.s32 $0xFFFFE000  }
0x95: {  	[spmem:s16] =	stream.indirect.scatter.add.f32 @p1 [tilespmem:s2], [sflag:$0x7], $0x10, s26, s24, $0xb8;
	[tilespmem:$0x1D740] =	vst v63  }
0x96: {  	_ =	swait.ge @p1 [sflag:s28], $0x800  }
0x97: {  	[sflag:s28] =	ssyncset.done @p1 $0x0  }
0x98: {  	s30 =	sadd.s32 $0xFFFFFFE0, s22;
	[sflag:s28] =	ssyncadd.s32 @p1 $0xFFFFF800  }
0x99: {  	[tilespmem:s9], [sflag:$0x5] =	stream.linear.gather [hbm4b:s30+s1], $0x100, $0x38;
	[tilespmem:$0x1D740] =	vst v63  }
0x9a: {  	_ =	swait.ge [sflag:s13], $0x100  }
0x9b: {  	[sflag:s13] =	ssyncset.done $0x0  }
0x9c: {  	[sflag:s13] =	ssyncadd.s32 $0xFFFFFF00  }
0x9d: {  	[tilespmem:s1], [sflag:$0x1] =	stream.indirect.gather [spmem:s11], $0x40, s8, s15, $0xb8;
	[tilespmem:$0x1D740] =	vst v63  }
0x9e: {  	_ =	swait.ge [sflag:s5], $0x2000  }
0x9f: {  	[sflag:s5] =	ssyncset.done $0x0  }
0xa0: {  	[sflag:s5] =	ssyncadd.s32 $0xFFFFE000  }
0xa1: {  	[spmem:s14] =	stream.indirect.scatter.add.f32 [tilespmem:s3], [sflag:$0x7], $0x40, s17, s15, $0xb8;
	[tilespmem:$0x1D740] =	vst v63  }
0xa2: {  	_ =	swait.ge [sflag:s6], $0x2000  }
0xa3: {  	[sflag:s6] =	ssyncset.done $0x0  }
0xa4: {  	s26 =	simm.s32 @p1 $0x6280;
	[sflag:s6] =	ssyncadd.s32 $0xFFFFE000  }
0xa5: {  	[spmem:s16] =	stream.indirect.scatter.add.f32 @p1 [tilespmem:s2], [sflag:$0x7], $0x10, s26, s24, $0xb8;
	[tilespmem:$0x1D740] =	vst v63  }
0xa6: {  	_ =	swait.ge @p1 [sflag:s28], $0x800  }
0xa7: {  	[sflag:s28] =	ssyncset.done @p1 $0x0  }
0xa8: {  	[sflag:s28] =	ssyncadd.s32 @p1 $0xFFFFF800  }
0xa9: {  	[tilespmem:s10], [sflag:$0x6] =	stream.linear.gather [hbm4b:s22+s1], $0x100, $0x38;
	[tilespmem:$0x1D740] =	vst v63  }
0xaa: {  	s24 =	simm.s32 $0x1;
	_ =	swait.ge [sflag:s18], $0x100  }
0xab: {  	s2 =	smov.u32 s22;
	s22 =	smov.u32 s29;
	[sflag:s18] =	ssyncset.done $0x0  }
.LBB2_2:
0xac: {  	[sflag:s18] =	ssyncadd.s32 $0xFFFFFF00  }
0xad: {  	[tilespmem:s19], [sflag:$0x2] =	stream.indirect.gather [spmem:s11], $0x40, s9, s15, $0xb8;
	[tilespmem:$0x1D740] =	vst v63  }
0xae: {  	s26 =	smov.u32 s24;
	_ =	swait.ge [sflag:s20], $0x2000  }
0xaf: {  	p3 =	sgt.u32 s26, $0x1A;
	s26 =	simm.s32 $0x1;
	[sflag:s20] =	ssyncset.done $0x0  }
0xb0: {  	s26 =	simm.s32 @!p3 $0x0;
	[sflag:s20] =	ssyncadd.s32 $0xFFFFE000  }
0xb1: {  	[spmem:s14] =	stream.indirect.scatter.add.f32 [tilespmem:s1], [sflag:$0x7], $0x40, s21, s15, $0xb8;
	[tilespmem:$0x1D740] =	vst v63  }
0xb2: {  	p4 =	seq.s32 s23, s26;
	_ =	swait.ge [sflag:s6], $0x2000  }
0xb3: {  	s26 =	simm.s32 @!p4 $0x80;
	s28 =	simm.s32 @!p4 $0x6080;
	[sflag:s6] =	ssyncset.done $0x0  }
0xb4: {  	s29 =	simm.s32 @!p4 $0x6300;
	s30 =	simm.s32 @!p4 $0x7;
	[sflag:s6] =	ssyncadd.s32 $0xFFFFE000  }
0xb5: {  	[spmem:s16] =	stream.indirect.scatter.add.f32 @!p4 [tilespmem:s29], [sflag:$0x7], $0x10, s28, s26, $0xb8;
	[tilespmem:$0x1D740] =	vst v63  }
0xb6: {  	_ =	swait.ge @!p4 [sflag:s30], $0x800  }
0xb7: {  	s2 =	sadd.s32 $0x60, s2;
	[sflag:s30] =	ssyncset.done @!p4 $0x0  }
0xb8: {  	s29 =	sadd.s32 $0xFFFFFFC0, s2;
	[sflag:s30] =	ssyncadd.s32 @!p4 $0xFFFFF800  }
0xb9: {  	[tilespmem:s8], [sflag:$0x4] =	stream.linear.gather [hbm4b:s29+s1], $0x100, $0x38;
	[tilespmem:$0x1D740] =	vst v63  }
0xba: {  	_ =	swait.ge [sflag:s0], $0x100  }
0xbb: {  	[sflag:s0] =	ssyncset.done $0x0  }
0xbc: {  	[sflag:s0] =	ssyncadd.s32 $0xFFFFFF00  }
0xbd: {  	[tilespmem:s3], [sflag:$0x3] =	stream.indirect.gather [spmem:s11], $0x40, s10, s15, $0xb8;
	[tilespmem:$0x1D740] =	vst v63  }
0xbe: {  	_ =	swait.ge [sflag:s4], $0x2000  }
0xbf: {  	[sflag:s4] =	ssyncset.done $0x0  }
0xc0: {  	p2 =	por !p3, !p3;
	s30 =	rddreg [dreg:$0x6];
	[sflag:s4] =	ssyncadd.s32 $0xFFFFE000  }
0xc1: {  	[spmem:s14] =	stream.indirect.scatter.add.f32 [tilespmem:s19], [sflag:$0x7], $0x40, s30, s15, $0xb8;
	[tilespmem:$0x1D740] =	vst v63  }
0xc2: {  	p2 =	por @!p0 p3, p3;
	_ =	swait.ge [sflag:s6], $0x2000  }
0xc3: {  	s26 =	simm.s32 @p2 $0x6300;
	s28 =	simm.s32 @p2 $0x80;
	[sflag:s6] =	ssyncset.done $0x0  }
0xc4: {  	s29 =	simm.s32 @p2 $0x6180;
	s30 =	simm.s32 @p2 $0x7;
	[sflag:s6] =	ssyncadd.s32 $0xFFFFE000  }
0xc5: {  	[spmem:s16] =	stream.indirect.scatter.add.f32 @p2 [tilespmem:s26], [sflag:$0x7], $0x10, s29, s28, $0xb8;
	[tilespmem:$0x1D740] =	vst v63  }
0xc6: {  	_ =	swait.ge @p2 [sflag:s30], $0x800  }
0xc7: {  	[sflag:s30] =	ssyncset.done @p2 $0x0  }
0xc8: {  	s29 =	sadd.s32 $0xFFFFFFE0, s2;
	[sflag:s30] =	ssyncadd.s32 @p2 $0xFFFFF800  }
0xc9: {  	[tilespmem:s9], [sflag:$0x5] =	stream.linear.gather [hbm4b:s29+s1], $0x100, $0x38;
	[tilespmem:$0x1D740] =	vst v63  }
0xca: {  	_ =	swait.ge [sflag:s13], $0x100  }
0xcb: {  	[sflag:s13] =	ssyncset.done $0x0  }
0xcc: {  	[sflag:s13] =	ssyncadd.s32 $0xFFFFFF00  }
0xcd: {  	[tilespmem:s1], [sflag:$0x1] =	stream.indirect.gather [spmem:s11], $0x40, s8, s15, $0xb8;
	[tilespmem:$0x1D740] =	vst v63  }
0xce: {  	_ =	swait.ge [sflag:s5], $0x2000  }
0xcf: {  	[sflag:s5] =	ssyncset.done $0x0  }
0xd0: {  	[sflag:s5] =	ssyncadd.s32 $0xFFFFE000  }
0xd1: {  	[spmem:s14] =	stream.indirect.scatter.add.f32 [tilespmem:s3], [sflag:$0x7], $0x40, s17, s15, $0xb8;
	[tilespmem:$0x1D740] =	vst v63  }
0xd2: {  	_ =	swait.ge [sflag:s6], $0x2000  }
0xd3: {  	[sflag:s6] =	ssyncset.done $0x0  }
0xd4: {  	s24 =	sadd.s32 $0x1, s24;
	s29 =	simm.s32 @p2 $0x6280;
	[sflag:s6] =	ssyncadd.s32 $0xFFFFE000  }
0xd5: {  	[spmem:s16] =	stream.indirect.scatter.add.f32 @p2 [tilespmem:s26], [sflag:$0x7], $0x10, s29, s28, $0xb8;
	[tilespmem:$0x1D740] =	vst v63  }
0xd6: {  	p1 =	sne.s32 s24, $0x35;
	_ =	swait.ge @p2 [sflag:s30], $0x800  }
.Ltmp0:
0xd7: {  	[sflag:s30] =	ssyncset.done @p2 $0x0;
	(pc) =	sbr.rel @p1 .LBB2_2-.Ltmp0, $4  }
0xd8: {  	[sflag:s30] =	ssyncadd.s32 @p2 $0xFFFFF800  }
0xd9: {  	[tilespmem:s10], [sflag:$0x6] =	stream.linear.gather [hbm4b:s2+s1], $0x100, $0x38;
	[tilespmem:$0x1D740] =	vst v63  }
0xda: {  	_ =	swait.ge [sflag:s18], $0x100  }
0xdb: {  	[sflag:s18] =	ssyncset.done $0x0  }
0xdc: {  	[sflag:s18] =	ssyncadd.s32 $0xFFFFFF00  }
0xdd: {  	[tilespmem:s19], [sflag:$0x2] =	stream.indirect.gather [spmem:s11], $0x40, s9, s15, $0xb8;
	[tilespmem:$0x1D740] =	vst v63  }
0xde: {  	_ =	swait.ge [sflag:s20], $0x2000  }
0xdf: {  	[sflag:s20] =	ssyncset.done $0x0  }
0xe0: {  	[sflag:s20] =	ssyncadd.s32 $0xFFFFE000  }
0xe1: {  	_ =	swait.ge [sflag:s0], $0x100  }
0xe2: {  	[sflag:s0] =	ssyncset.done $0x0  }
0xe3: {  	[sflag:s0] =	ssyncadd.s32 $0xFFFFFF00  }
0xe4: {  	[tilespmem:s3], [sflag:$0x3] =	stream.indirect.gather [spmem:s11], $0x40, s10, s15, $0xb8;
	[tilespmem:$0x1D740] =	vst v63  }
0xe5: {  	_ = 	snop  }
0xe6: {  	[spmem:s14] =	stream.indirect.scatter.add.f32 [tilespmem:s1], [sflag:$0x7], $0x40, s21, s15, $0xb8;
	[tilespmem:$0x1D740] =	vst v63  }
0xe7: {  	_ =	swait.ge [sflag:s6], $0x2000  }
0xe8: {  	[sflag:s6] =	ssyncset.done $0x0  }
0xe9: {  	s2 =	simm.s32 @p0 $0x2;
	[sflag:s6] =	ssyncadd.s32 $0xFFFFE000  }
0xea: {  	_ =	swait.ge @p0 [sflag:s2], $0x2000  }
0xeb: {  	s23 =	simm.s32 @p0 $0x6180;
	[sflag:s2] =	ssyncset.done @p0 $0x0  }
0xec: {  	s24 =	simm.s32 @p0 $0x2000;
	[sflag:s2] =	ssyncadd.s32 @p0 $0xFFFFE000;
	s2 =	simm.s32 @p0 $0x80  }
0xed: {  	[spmem:s14] =	stream.indirect.scatter.add.f32 @p0 [tilespmem:s24], [sflag:$0x7], $0x40, s23, s2, $0xb8;
	[tilespmem:$0x1D740] =	vst v63  }
0xee: {  	s2 =	simm.s32 @p0 $0x7  }
0xef: {  	_ =	swait.ge @p0 [sflag:s2], $0x2000  }
0xf0: {  	s23 =	simm.s32 @!p0 $0x6080;
	[sflag:s2] =	ssyncset.done @p0 $0x0  }
0xf1: {  	s24 =	simm.s32 @!p0 $0x6300;
	[sflag:s2] =	ssyncadd.s32 @p0 $0xFFFFE000;
	s2 =	simm.s32 @!p0 $0x80  }
0xf2: {  	[spmem:s16] =	stream.indirect.scatter.add.f32 @!p0 [tilespmem:s24], [sflag:$0x7], $0x10, s23, s2, $0xb8;
	[tilespmem:$0x1D740] =	vst v63  }
0xf3: {  	s23 =	simm.s32 @!p0 $0x7  }
0xf4: {  	_ =	swait.ge @!p0 [sflag:s23], $0x800  }
0xf5: {  	[sflag:s23] =	ssyncset.done @!p0 $0x0  }
0xf6: {  	s26 =	simm.s32 @!p0 $0x2;
	[sflag:s23] =	ssyncadd.s32 @!p0 $0xFFFFF800  }
0xf7: {  	_ =	swait.ge @!p0 [sflag:s26], $0x2000  }
0xf8: {  	[sflag:s26] =	ssyncset.done @!p0 $0x0  }
0xf9: {  	s28 =	simm.s32 @!p0 $0x2000;
	[sflag:s26] =	ssyncadd.s32 @!p0 $0xFFFFE000;
	s26 =	simm.s32 @!p0 $0x6180  }
0xfa: {  	[spmem:s14] =	stream.indirect.scatter.add.f32 @!p0 [tilespmem:s28], [sflag:$0x7], $0x40, s26, s2, $0xb8;
	[tilespmem:$0x1D740] =	vst v63  }
0xfb: {  	_ =	swait.ge @!p0 [sflag:s23], $0x2000  }
0xfc: {  	[sflag:s23] =	ssyncset.done @!p0 $0x0  }
0xfd: {  	[sflag:s23] =	ssyncadd.s32 @!p0 $0xFFFFE000  }
0xfe: {  	[spmem:s16] =	stream.indirect.scatter.add.f32 @!p0 [tilespmem:s24], [sflag:$0x7], $0x10, s26, s2, $0xb8;
	[tilespmem:$0x1D740] =	vst v63  }
0xff: {  	_ =	swait.ge @!p0 [sflag:s23], $0x800  }
0x100: {  	[sflag:s23] =	ssyncset.done @!p0 $0x0  }
0x101: {  	[sflag:s23] =	ssyncadd.s32 @!p0 $0xFFFFF800  }
0x102: {  	_ =	swait.ge [sflag:s5], $0x2000  }
0x103: {  	[sflag:s5] =	ssyncset.done $0x0  }
0x104: {  	[sflag:s5] =	ssyncadd.s32 $0xFFFFE000  }
0x105: {  	[spmem:s14] =	stream.indirect.scatter.add.f32 [tilespmem:s3], [sflag:$0x7], $0x40, s17, s15, $0xb8;
	[tilespmem:$0x1D740] =	vst v63  }
0x106: {  	_ =	swait.ge [sflag:s6], $0x2000  }
0x107: {  	[sflag:s6] =	ssyncset.done $0x0  }
0x108: {  	s26 =	simm.s32 @!p0 $0x6280;
	[sflag:s6] =	ssyncadd.s32 $0xFFFFE000  }
0x109: {  	[spmem:s16] =	stream.indirect.scatter.add.f32 @!p0 [tilespmem:s24], [sflag:$0x7], $0x10, s26, s2, $0xb8;
	[tilespmem:$0x1D740] =	vst v63  }
0x10a: {  	_ =	swait.ge @!p0 [sflag:s23], $0x800  }
0x10b: {  	[sflag:s23] =	ssyncset.done @!p0 $0x0  }
0x10c: {  	[sflag:s23] =	ssyncadd.s32 @!p0 $0xFFFFF800  }
0x10d: {  	[bflag:$0x0] =	sbarrier.arrive $0xFFFF  }
0x10e: {  	s24 =	rddreg [dreg:$0x1c]  }
0x10f: {  	[tilespmem:s1], [sflag:$0x7] =	stream.linear.gather [spmem:s24], $0x2000, $0x38;
	[tilespmem:$0x1D740] =	vst v63  }
0x110: {  	_ =	swait.ge [sflag:s6], $0x2000  }
0x111: {  	[sflag:s6] =	ssyncset.done $0x0  }
0x112: {  	s26 =	rddreg [dreg:$0x8];
	[sflag:s6] =	ssyncadd.s32 $0xFFFFE000  }
0x113: {  	[hbm4b:s26+s1] =	stream.linear.scatter [tilespmem:s1], [sflag:$0x7], $0x2000, $0x38;
	[tilespmem:$0x1D740] =	vst v63  }
0x114: {  	_ =	swait.ge [sflag:s6], $0x2000  }
0x115: {  	[sflag:s6] =	ssyncset.done $0x0  }
0x116: {  	[sflag:s6] =	ssyncadd.s32 $0xFFFFE000  }
0x117: {  	[tilespmem:s1], [sflag:$0x7] =	stream.linear.gather [spmem:s12], $0x2000, $0x38;
	[tilespmem:$0x1D740] =	vst v63  }
0x118: {  	_ =	swait.ge [sflag:s6], $0x2000  }
0x119: {  	[sflag:s6] =	ssyncset.done $0x0  }
0x11a: {  	s23 =	rddreg [dreg:$0x9];
	[sflag:s6] =	ssyncadd.s32 $0xFFFFE000  }
0x11b: {  	[hbm4b:s23+s1] =	stream.linear.scatter [tilespmem:s1], [sflag:$0x7], $0x2000, $0x38;
	[tilespmem:$0x1D740] =	vst v63  }
0x11c: {  	_ =	swait.ge [sflag:s6], $0x2000  }
0x11d: {  	[sflag:s6] =	ssyncset.done $0x0  }
0x11e: {  	s28 =	rddreg [dreg:$0x17];
	[sflag:s6] =	ssyncadd.s32 $0xFFFFE000  }
0x11f: {  	[tilespmem:s1], [sflag:$0x7] =	stream.linear.gather [spmem:s28], $0x2000, $0x38;
	[tilespmem:$0x1D740] =	vst v63  }
0x120: {  	_ =	swait.ge [sflag:s6], $0x2000  }
0x121: {  	[sflag:s6] =	ssyncset.done $0x0  }
0x122: {  	s26 =	smov.u32 s12;
	s12 =	rddreg [dreg:$0xa];
	[sflag:s6] =	ssyncadd.s32 $0xFFFFE000  }
0x123: {  	[hbm4b:s12+s1] =	stream.linear.scatter [tilespmem:s1], [sflag:$0x7], $0x2000, $0x38;
	[tilespmem:$0x1D740] =	vst v63  }
0x124: {  	_ =	swait.ge [sflag:s6], $0x2000  }
0x125: {  	[sflag:s6] =	ssyncset.done $0x0  }
0x126: {  	s29 =	rddreg [dreg:$0x18];
	[sflag:s6] =	ssyncadd.s32 $0xFFFFE000  }
0x127: {  	[tilespmem:s1], [sflag:$0x7] =	stream.linear.gather [spmem:s29], $0x2000, $0x38;
	[tilespmem:$0x1D740] =	vst v63  }
0x128: {  	_ =	swait.ge [sflag:s6], $0x2000  }
0x129: {  	[sflag:s6] =	ssyncset.done $0x0  }
0x12a: {  	s23 =	rddreg [dreg:$0xb];
	[sflag:s6] =	ssyncadd.s32 $0xFFFFE000  }
0x12b: {  	[hbm4b:s23+s1] =	stream.linear.scatter [tilespmem:s1], [sflag:$0x7], $0x2000, $0x38;
	[tilespmem:$0x1D740] =	vst v63  }
0x12c: {  	_ =	swait.ge [sflag:s6], $0x2000  }
0x12d: {  	[sflag:s6] =	ssyncset.done $0x0  }
0x12e: {  	s30 =	rddreg [dreg:$0x19];
	[sflag:s6] =	ssyncadd.s32 $0xFFFFE000  }
0x12f: {  	[tilespmem:s1], [sflag:$0x7] =	stream.linear.gather [spmem:s30], $0x2000, $0x38;
	[tilespmem:$0x1D740] =	vst v63  }
0x130: {  	_ =	swait.ge [sflag:s6], $0x2000  }
0x131: {  	[sflag:s6] =	ssyncset.done $0x0  }
0x132: {  	s12 =	rddreg [dreg:$0xc];
	[sflag:s6] =	ssyncadd.s32 $0xFFFFE000  }
0x133: {  	[hbm4b:s12+s1] =	stream.linear.scatter [tilespmem:s1], [sflag:$0x7], $0x2000, $0x38;
	[tilespmem:$0x1D740] =	vst v63  }
0x134: {  	_ =	swait.ge [sflag:s6], $0x2000  }
0x135: {  	[sflag:s6] =	ssyncset.done $0x0  }
0x136: {  	s12 =	rddreg [dreg:$0x1a];
	[sflag:s6] =	ssyncadd.s32 $0xFFFFE000  }
0x137: {  	[tilespmem:s7], [sflag:$0x7] =	stream.linear.gather [spmem:s12], $0x800, $0x38;
	[tilespmem:$0x1D740] =	vst v63  }
0x138: {  	_ =	swait.ge [sflag:s6], $0x800  }
0x139: {  	[sflag:s6] =	ssyncset.done $0x0  }
0x13a: {  	s23 =	rddreg [dreg:$0xd];
	[sflag:s6] =	ssyncadd.s32 $0xFFFFF800  }
0x13b: {  	[hbm4b:s23+s1] =	stream.linear.scatter [tilespmem:s7], [sflag:$0x7], $0x800, $0x38;
	[tilespmem:$0x1D740] =	vst v63  }
0x13c: {  	_ =	swait.ge [sflag:s6], $0x800  }
0x13d: {  	[sflag:s6] =	ssyncset.done $0x0  }
0x13e: {  	s23 =	rddreg [dreg:$0x1b];
	[sflag:s6] =	ssyncadd.s32 $0xFFFFF800  }
0x13f: {  	[tilespmem:s7], [sflag:$0x7] =	stream.linear.gather [spmem:s23], $0x800, $0x38;
	[tilespmem:$0x1D740] =	vst v63  }
0x140: {  	_ =	swait.ge [sflag:s6], $0x800  }
0x141: {  	[sflag:s6] =	ssyncset.done $0x0  }
0x142: {  	s2 =	rddreg [dreg:$0xe];
	[sflag:s6] =	ssyncadd.s32 $0xFFFFF800  }
0x143: {  	[hbm4b:s2+s1] =	stream.linear.scatter [tilespmem:s7], [sflag:$0x7], $0x800, $0x38;
	[tilespmem:$0x1D740] =	vst v63  }
0x144: {  	_ =	swait.ge [sflag:s6], $0x800  }
0x145: {  	[sflag:s6] =	ssyncset.done $0x0  }
0x146: {  	[sflag:s6] =	ssyncadd.s32 $0xFFFFF800  }
0x147: {  	[tilespmem:s7], [sflag:$0x7] =	stream.linear.gather [spmem:s31], $0x800, $0x38;
	[tilespmem:$0x1D740] =	vst v63  }
0x148: {  	_ =	swait.ge [sflag:s6], $0x800  }
0x149: {  	[sflag:s6] =	ssyncset.done $0x0  }
0x14a: {  	s2 =	rddreg [dreg:$0xf];
	[sflag:s6] =	ssyncadd.s32 $0xFFFFF800  }
0x14b: {  	[hbm4b:s2+s1] =	stream.linear.scatter [tilespmem:s7], [sflag:$0x7], $0x800, $0x38;
	[tilespmem:$0x1D740] =	vst v63  }
0x14c: {  	_ =	swait.ge [sflag:s6], $0x800  }
0x14d: {  	[sflag:s6] =	ssyncset.done $0x0  }
0x14e: {  	[sflag:s6] =	ssyncadd.s32 $0xFFFFF800  }
0x14f: {  	[tilespmem:s7], [sflag:$0x7] =	stream.linear.gather [spmem:s25], $0x800, $0x38;
	[tilespmem:$0x1D740] =	vst v63  }
0x150: {  	_ =	swait.ge [sflag:s6], $0x800  }
0x151: {  	[sflag:s6] =	ssyncset.done $0x0  }
0x152: {  	s25 =	rddreg [dreg:$0x10];
	[sflag:s6] =	ssyncadd.s32 $0xFFFFF800  }
0x153: {  	[hbm4b:s25+s1] =	stream.linear.scatter [tilespmem:s7], [sflag:$0x7], $0x800, $0x38;
	[tilespmem:$0x1D740] =	vst v63  }
0x154: {  	_ =	swait.ge [sflag:s6], $0x800  }
0x155: {  	[sflag:s6] =	ssyncset.done $0x0  }
0x156: {  	[sflag:s6] =	ssyncadd.s32 $0xFFFFF800  }
0x157: {  	[tilespmem:s7], [sflag:$0x7] =	stream.linear.gather [spmem:s22], $0x800, $0x38;
	[tilespmem:$0x1D740] =	vst v63  }
0x158: {  	_ =	swait.ge [sflag:s6], $0x800  }
0x159: {  	[sflag:s6] =	ssyncset.done $0x0  }
0x15a: {  	s25 =	rddreg [dreg:$0x11];
	[sflag:s6] =	ssyncadd.s32 $0xFFFFF800  }
0x15b: {  	[hbm4b:s25+s1] =	stream.linear.scatter [tilespmem:s7], [sflag:$0x7], $0x800, $0x38;
	[tilespmem:$0x1D740] =	vst v63  }
0x15c: {  	_ =	swait.ge [sflag:s6], $0x800  }
0x15d: {  	s2 =	sld [smem:$0x7FA];
	_ =	sdelay $0x2  }
0x15e: {  	s25 =	rddreg [dreg:$0x1d];
	s7 =	sadd.s32 $0x1, s2  }
0x15f: {  	p1 =	sne.s32 s7, s25  }
.Ltmp1:
0x160: {  	_ = 	snop;
	(pc) =	sbr.rel @p1 .LBB2_1-.Ltmp1, $3  }
0x161: {  	_ =	sdelay $0x1  }
0x162: {  	[sflag:s6] =	ssyncset.done $0x0  }
0x163: {  	[sflag:s6] =	ssyncadd.s32 $0xFFFFF800  }
0x164: {  	_ =	sfence.sel $0x180000  }
0x165: {  	[bflag:$0x0] =	sbarrier.arrive $0xFFFF  }
0x166: {  	_ =	strace $0x90000047  }
0x167: {  	s0 =	stileid.u32;
	[bflag:$0x2] =	sbarrier.arrive $0xFFFF  }
0x168: {  	p0 =	sne.s32 s0, $0x0;
	s0 =	rddreg [dreg:$0x5]  }
0x169: {  	s0 =	sadd.s32 @!p0 $0x100000, s0  }
0x16a: {  	[sflag:s0] =	ssyncadd.tile.s32 @!p0 $0x1;
	_ =	shalt  }
.Lfunc_end2:
_tile_overlayer_lowered:
.L_overlay_start_2:
0x16b: {  	(tag) =	ssettag $0x2  }
0x16c: {  	s0 =	rddreg [dreg:$0x0];
	s2 =	stileid.u32  }
0x16d: {  	s1 =	rddreg [dreg:$0x1];
	p0 =	sne.s32 s2, $0x0  }
0x16e: {  	s3 =	rddreg [dreg:$0x2];
	[bflag:$0x3] =	sbarrier.arrive $0xFFFF;
	s2 =	simm.s32 @!p0 $0x1C07  }
0x16f: {  	[timem:s3], [sflag:s2] =	dma.local @!p0 [hbm:s0], s1  }
0x170: {  	s0 =	simm.s32 @!p0 $0x7  }
0x171: {  	_ =	swait.ge @!p0 [sflag:s0], s1  }
0x172: {  	s1 =	ssub.s32 @!p0 $0x0, s1;
	[sflag:s0] =	ssyncset.done @!p0 $0x0  }
0x173: {  	[sflag:s0] =	ssyncadd.s32 @!p0 s1  }
0x174: {  	[bflag:$0x3] =	sbarrier.arrive $0xFFFF  }
0x175: {  	_ =	shalt  }

</sc_bundles>
